<compile_context>
chip_gen: v7x
topology: tpu7x:2x2x1
jax: 0.10.2.dev20260603
libtpu: 0.0.44.dev20260713+nightly
codegen_flags: <defaults>
</compile_context>

<pallas_src>
import jax
import jax.numpy as jnp
from jax import lax
from jax.experimental import pallas as pl
from jax.experimental.pallas import tpu as pltpu
from jax.experimental.pallas import tpu_sc as plsc

NC = 2
NS = 16
L = 16
NW = NC * NS

DIM = 2048
N_ANCH = 128
N_TOK = 16384

GD = 16
GT = NW // GD
DPW = DIM // GD
TPW = N_TOK // GT
TCHUNK = 128
NCHUNK = TPW // TCHUNK


def _af_body(x_hbm, vals_hbm, dys_hbm, par_hbm, out_hbm,
             xb, ob, vals_v, dys_v, pv, in_sem, out_sem):
    wid = lax.axis_index("s") * NC + lax.axis_index("c")
    dg = wid % GD
    tg = wid // GD
    d0 = dg * DPW
    t0 = tg * TPW
    tw = DPW * N_ANCH

    pltpu.sync_copy(vals_hbm.at[pl.ds(dg * tw, tw)], vals_v)
    pltpu.sync_copy(dys_hbm.at[pl.ds(dg * tw, tw)], dys_v)
    pltpu.sync_copy(par_hbm, pv)
    scale = pv[pl.ds(0, L)]
    lanef = lax.iota(jnp.int32, L).astype(jnp.float32) * float(N_ANCH)
    bias = pv[pl.ds(L, L)] + lanef

    def start_in(chunk, slot):
        pltpu.async_copy(
            x_hbm.at[pl.ds(t0 + chunk * TCHUNK, TCHUNK), pl.ds(d0, DPW)],
            xb.at[slot], in_sem.at[slot])

    start_in(0, 0)
    start_in(1, 1)

    @pl.loop(0, NCHUNK, step=2)
    def _outer(c):
        for b in range(2):
            chunk = c + b
            pltpu.make_async_copy(
                x_hbm.at[pl.ds(t0 + chunk * TCHUNK, TCHUNK), pl.ds(d0, DPW)],
                xb.at[b], in_sem.at[b]).wait()

            @pl.when(chunk >= 2)
            def _wait_out():
                pltpu.make_async_copy(
                    ob.at[b],
                    out_hbm.at[pl.ds(t0 + (chunk - 2) * TCHUNK, TCHUNK),
                               pl.ds(d0, DPW)],
                    out_sem.at[b]).wait()

            xs = xb.at[b]
            os_ = ob.at[b]

            @plsc.parallel_loop(0, TCHUNK, unroll=4)
            def _tok(t):
                for p in range(DPW // L):
                    sl = pl.ds(p * L, L)
                    tb = pl.ds(p * L * N_ANCH, L * N_ANCH)
                    xv = xs[t, sl]
                    u = xv * scale + bias
                    i = u.astype(jnp.int32)
                    fi = i.astype(jnp.float32)
                    fr = u - fi
                    y0 = plsc.load_gather(vals_v.at[tb], [i])
                    dv = plsc.load_gather(dys_v.at[tb], [i])
                    os_[t, sl] = y0 + fr * dv

            pltpu.async_copy(
                ob.at[b],
                out_hbm.at[pl.ds(t0 + chunk * TCHUNK, TCHUNK), pl.ds(d0, DPW)],
                out_sem.at[b])

            @pl.when(chunk + 2 < NCHUNK)
            def _next_in():
                start_in(chunk + 2, b)

    for b in range(2):
        chunk = NCHUNK - 2 + b
        pltpu.make_async_copy(
            ob.at[b],
            out_hbm.at[pl.ds(t0 + chunk * TCHUNK, TCHUNK), pl.ds(d0, DPW)],
            out_sem.at[b]).wait()


def kernel(x, afVals, afAnchors):
    dim, n = afVals.shape
    assert (dim, n) == (DIM, N_ANCH)
    xf = x.reshape(-1, dim)
    assert xf.shape[0] == N_TOK

    dys = jnp.concatenate(
        [afVals[:, 1:] - afVals[:, :-1], jnp.zeros((dim, 1), jnp.float32)],
        axis=1)
    step = afAnchors[1] - afAnchors[0]
    inv = 1.0 / step
    par = jnp.concatenate([jnp.full((L,), inv, jnp.float32),
                           jnp.full((L,), -afAnchors[0] * inv, jnp.float32)])

    mesh = plsc.VectorSubcoreMesh(core_axis_name="c", subcore_axis_name="s",
                                  num_cores=NC, num_subcores=NS)
    run = pl.kernel(
        _af_body,
        out_type=jax.ShapeDtypeStruct((N_TOK, dim), jnp.float32),
        mesh=mesh,
        compiler_params=pltpu.CompilerParams(needs_layout_passes=False),
        scratch_types=[
            pltpu.VMEM((2, TCHUNK, DPW), jnp.float32),
            pltpu.VMEM((2, TCHUNK, DPW), jnp.float32),
            pltpu.VMEM((DPW * N_ANCH,), jnp.float32),
            pltpu.VMEM((DPW * N_ANCH,), jnp.float32),
            pltpu.VMEM((2 * L,), jnp.float32),
            pltpu.SemaphoreType.DMA((2,)),
            pltpu.SemaphoreType.DMA((2,)),
        ],
    )
    out = run(xf, afVals.reshape(-1), dys.reshape(-1), par)
    return out.reshape(x.shape)

# --- scband reference (transcript-rebuilt; emitter-appended) ---
"""Pipeline reference for scband-af-41025527611955 (READ-ONLY COPY).

The authoritative reference and input builder live on the scoring server;
editing this copy changes nothing except your own understanding.
"""

import jax, jax.numpy as jnp
import numpy as np

DIM = 2048
N_ANCHORS = 128
AF_RANGE = 15.0
AF_INIT = 0.01

def setup_inputs(seed: int = 0) -> dict:
    key = jax.random.key(seed)
    x = jax.random.normal(key, (4, 4096, DIM), dtype=jnp.float32)
    afAnchors = jnp.linspace(-AF_RANGE, AF_RANGE, N_ANCHORS, dtype=jnp.float32)
    afVals = AF_INIT * jnp.ones((DIM, N_ANCHORS), dtype=jnp.float32)
    return {"x": x, "afVals": afVals, "afAnchors": afAnchors}

def reference(x, afVals, afAnchors):
    # evalSplinePerDim: per-hidden-dim piecewise-linear spline lookup
    # torch.bucketize(right=False) == searchsorted side='left'
    dimHidden = afVals.shape[0]
    nAnchors = afAnchors.shape[0]
    idx = jnp.searchsorted(afAnchors, x, side='left') - 1
    idx = jnp.clip(idx, 0, nAnchors - 2)
    stepSize = afAnchors[1] - afAnchors[0]
    x0 = afAnchors[0] + idx.astype(jnp.float32) * stepSize
    frac = (x - x0) / stepSize
    frac = jnp.clip(frac, 0.0, 1.0)
    dimIds = jnp.arange(dimHidden).reshape(1, 1, dimHidden)
    y0 = afVals[dimIds, idx]
    y1 = afVals[dimIds, idx + 1]
    out = y0 + frac * (y1 - y0)
    return out.astype(x.dtype)

if __name__ == "__main__":
    import jax
    _d = setup_inputs()
    print(jax.jit(kernel)(*tuple(_d.values())))

</pallas_src>

<mosaic_0001>
#map = affine_map<(d0, d1) -> (0, 0)>
#map1 = affine_map<(d0, d1) -> (0)>
module attributes {stable_mosaic.version = 14 : i64} {
  func.func @_af_body(%arg0: i32, %arg1: i32, %arg2: memref<16384x2048xf32, #tpu.memory_space<hbm>>, %arg3: memref<262144xf32, #tpu.memory_space<hbm>>, %arg4: memref<262144xf32, #tpu.memory_space<hbm>>, %arg5: memref<32xf32, #tpu.memory_space<hbm>>, %arg6: memref<16384x2048xf32, #tpu.memory_space<hbm>>, %arg7: memref<2x128x128xf32, #tpu.memory_space<vmem>>, %arg8: memref<2x128x128xf32, #tpu.memory_space<vmem>>, %arg9: memref<16384xf32, #tpu.memory_space<vmem>>, %arg10: memref<16384xf32, #tpu.memory_space<vmem>>, %arg11: memref<32xf32, #tpu.memory_space<vmem>>, %arg12: memref<2x!tpu.dma_semaphore, #tpu.memory_space<semaphore_mem>>, %arg13: memref<2x!tpu.dma_semaphore, #tpu.memory_space<semaphore_mem>>) attributes {dimension_semantics = [#tpu.dimension_semantics<core_parallel>, #tpu.dimension_semantics<subcore_parallel>], iteration_bounds = array<i64: 2, 16>, scalar_prefetch = 0 : i64, scratch_operands = 7 : i64, tpu.core_type = #tpu.core_type<sc_vector_subcore>, window_params = [{transform_indices = #map}, {transform_indices = #map1}, {transform_indices = #map1}, {transform_indices = #map1}, {transform_indices = #map}]} {
    %mul3A = arith.constant 2 : i32
    %mul3A_0 = arith.muli %arg1, %mul3A : i32
    %add3A = arith.addi %mul3A_0, %arg0 : i32
    %jit3A = arith.constant 16 : i32
    %eq3A = arith.constant 0 : i32
    %eq3A_1 = arith.cmpi eq, %jit3A, %eq3A : i32
    %jit3A_2 = arith.constant 1 : i32
    %select_n3A = arith.select %eq3A_1, %jit3A_2, %jit3A : i32
    %rem3A = arith.remsi %add3A, %select_n3A : i32
    %ne3A = arith.constant 0 : i32
    %ne3A_3 = arith.cmpi ne, %rem3A, %ne3A : i32
    %lt3A = arith.constant 0 : i32
    %lt3A_4 = arith.cmpi slt, %rem3A, %lt3A : i32
    %lt3A_5 = arith.constant 0 : i32
    %lt3A_6 = arith.cmpi slt, %select_n3A, %lt3A_5 : i32
    %ne3A_7 = arith.xori %lt3A_4, %lt3A_6 : i1
    %and3A = arith.andi %ne3A_7, %ne3A_3 : i1
    %add3A_8 = arith.addi %rem3A, %select_n3A : i32
    %select_n3A_9 = arith.select %and3A, %add3A_8, %rem3A : i32
    %jit3A_10 = arith.constant 16 : i32
    %div3A = arith.divsi %add3A, %jit3A_10 : i32
    %sign3A = arith.constant 0 : i32
    %sign3A_11 = arith.cmpi sgt, %add3A, %sign3A : i32
    %sign3A_12 = arith.extui %sign3A_11 : i1 to i32
    %sign3A_13 = arith.constant 0 : i32
    %sign3A_14 = arith.cmpi slt, %add3A, %sign3A_13 : i32
    %sign3A_15 = arith.extui %sign3A_14 : i1 to i32
    %sign3A_16 = arith.subi %sign3A_12, %sign3A_15 : i32
    %sign3A_17 = arith.constant 0 : i32
    %sign3A_18 = arith.cmpi sgt, %jit3A_10, %sign3A_17 : i32
    %sign3A_19 = arith.extui %sign3A_18 : i1 to i32
    %sign3A_20 = arith.constant 0 : i32
    %sign3A_21 = arith.cmpi slt, %jit3A_10, %sign3A_20 : i32
    %sign3A_22 = arith.extui %sign3A_21 : i1 to i32
    %sign3A_23 = arith.subi %sign3A_19, %sign3A_22 : i32
    %ne3A_24 = arith.cmpi ne, %sign3A_16, %sign3A_23 : i32
    %rem3A_25 = arith.remsi %add3A, %jit3A_10 : i32
    %ne3A_26 = arith.constant 0 : i32
    %ne3A_27 = arith.cmpi ne, %rem3A_25, %ne3A_26 : i32
    %and3A_28 = arith.andi %ne3A_24, %ne3A_27 : i1
    %sub3A = arith.constant 1 : i32
    %sub3A_29 = arith.subi %div3A, %sub3A : i32
    %select_n3A_30 = arith.select %and3A_28, %sub3A_29, %div3A : i32
    %mul3A_31 = arith.constant 128 : i32
    %mul3A_32 = arith.muli %select_n3A_9, %mul3A_31 : i32
    %mul3A_33 = arith.constant 8192 : i32
    %mul3A_34 = arith.muli %select_n3A_30, %mul3A_33 : i32
    %mul3A_35 = arith.constant 16384 : i32
    %mul3A_36 = arith.muli %select_n3A_9, %mul3A_35 : i32
    "tpu.region"() ({
      %run_scoped3A = tpu.sem_alloc : memref<!tpu.dma_semaphore, #tpu.memory_space<semaphore_mem>>
      %dma_start3A_112 = tpu.memref_slice %arg3[%mul3A_36] : memref<262144xf32, #tpu.memory_space<hbm>> -> memref<16384xf32, #tpu.memory_space<hbm>>
      %dma_start3A_113 = tpu.memref_slice %arg3[%mul3A_36] : memref<262144xf32, #tpu.memory_space<hbm>> -> memref<16384xf32, #tpu.memory_space<hbm>>
      tpu.enqueue_dma source(%dma_start3A_113 : memref<16384xf32, #tpu.memory_space<hbm>>) target(%arg9 : memref<16384xf32, #tpu.memory_space<vmem>>) target_semaphore(%run_scoped3A : memref<!tpu.dma_semaphore, #tpu.memory_space<semaphore_mem>>)
      %dma_wait3A_114 = tpu.memref_slice %arg3[%mul3A_36] : memref<262144xf32, #tpu.memory_space<hbm>> -> memref<16384xf32, #tpu.memory_space<hbm>>
      %dma_wait3A_115 = tpu.memref_slice %arg3[%mul3A_36] : memref<262144xf32, #tpu.memory_space<hbm>> -> memref<16384xf32, #tpu.memory_space<hbm>>
      tpu.wait_dma2 semaphore(%run_scoped3A : memref<!tpu.dma_semaphore, #tpu.memory_space<semaphore_mem>>) src(%dma_wait3A_115 : memref<16384xf32, #tpu.memory_space<hbm>>) dst(%arg9 : memref<16384xf32, #tpu.memory_space<vmem>>)
      tpu.yield
    }) : () -> ()
    %mul3A_37 = arith.constant 16384 : i32
    %mul3A_38 = arith.muli %select_n3A_9, %mul3A_37 : i32
    "tpu.region"() ({
      %run_scoped3A = tpu.sem_alloc : memref<!tpu.dma_semaphore, #tpu.memory_space<semaphore_mem>>
      %dma_start3A_112 = tpu.memref_slice %arg4[%mul3A_38] : memref<262144xf32, #tpu.memory_space<hbm>> -> memref<16384xf32, #tpu.memory_space<hbm>>
      %dma_start3A_113 = tpu.memref_slice %arg4[%mul3A_38] : memref<262144xf32, #tpu.memory_space<hbm>> -> memref<16384xf32, #tpu.memory_space<hbm>>
      tpu.enqueue_dma source(%dma_start3A_113 : memref<16384xf32, #tpu.memory_space<hbm>>) target(%arg10 : memref<16384xf32, #tpu.memory_space<vmem>>) target_semaphore(%run_scoped3A : memref<!tpu.dma_semaphore, #tpu.memory_space<semaphore_mem>>)
      %dma_wait3A_114 = tpu.memref_slice %arg4[%mul3A_38] : memref<262144xf32, #tpu.memory_space<hbm>> -> memref<16384xf32, #tpu.memory_space<hbm>>
      %dma_wait3A_115 = tpu.memref_slice %arg4[%mul3A_38] : memref<262144xf32, #tpu.memory_space<hbm>> -> memref<16384xf32, #tpu.memory_space<hbm>>
      tpu.wait_dma2 semaphore(%run_scoped3A : memref<!tpu.dma_semaphore, #tpu.memory_space<semaphore_mem>>) src(%dma_wait3A_115 : memref<16384xf32, #tpu.memory_space<hbm>>) dst(%arg10 : memref<16384xf32, #tpu.memory_space<vmem>>)
      tpu.yield
    }) : () -> ()
    "tpu.region"() ({
      %run_scoped3A = tpu.sem_alloc : memref<!tpu.dma_semaphore, #tpu.memory_space<semaphore_mem>>
      tpu.enqueue_dma source(%arg5 : memref<32xf32, #tpu.memory_space<hbm>>) target(%arg11 : memref<32xf32, #tpu.memory_space<vmem>>) target_semaphore(%run_scoped3A : memref<!tpu.dma_semaphore, #tpu.memory_space<semaphore_mem>>)
      tpu.wait_dma2 semaphore(%run_scoped3A : memref<!tpu.dma_semaphore, #tpu.memory_space<semaphore_mem>>) src(%arg5 : memref<32xf32, #tpu.memory_space<hbm>>) dst(%arg11 : memref<32xf32, #tpu.memory_space<vmem>>)
      tpu.yield
    }) : () -> ()
    %get3A = arith.constant 0 : index
    %get3A_39 = tpu.vector_load %arg11[%get3A] {strides = array<i32>} : memref<32xf32, #tpu.memory_space<vmem>>, vector<16xf32>,
    %iota3A = tpu.iota {dimensions = array<i32: 0>} : vector<16xi32>
    %convert_element_type3A = arith.sitofp %iota3A : vector<16xi32> to vector<16xf32>
    %mul3A_40 = arith.constant 1.280000e+02 : f32
    %mul3A_41 = vector.broadcast %mul3A_40 : f32 to vector<16xf32>
    %mul3A_42 = arith.mulf %convert_element_type3A, %mul3A_41 : vector<16xf32>
    %get3A_43 = arith.constant 16 : index
    %get3A_44 = tpu.vector_load %arg11[%get3A_43] {strides = array<i32>} : memref<32xf32, #tpu.memory_space<vmem>>, vector<16xf32>,
    %add3A_45 = arith.addf %get3A_44, %mul3A_42 : vector<16xf32>
    %add3A_46 = arith.constant 0 : i32
    %add3A_47 = arith.addi %mul3A_34, %add3A_46 : i32
    %dma_start3A = arith.constant 0 : i32
    %dma_start3A_48 = arith.constant 0 : i32
    %dma_start3A_49 = arith.constant 0 : i32
    %dma_start3A_50 = arith.constant 0 : i32
    %dma_start3A_51 = tpu.memref_slice %arg7[%dma_start3A, %dma_start3A_49, %dma_start3A_50] : memref<2x128x128xf32, #tpu.memory_space<vmem>> -> memref<1x128x128xf32, #tpu.memory_space<vmem>>
    %dma_start3A_52 = tpu.memref_squeeze %dma_start3A_51 : memref<1x128x128xf32, #tpu.memory_space<vmem>> -> memref<128x128xf32, #tpu.memory_space<vmem>>
    %dma_start3A_53 = tpu.memref_slice %arg2[%add3A_47, %mul3A_32] : memref<16384x2048xf32, #tpu.memory_space<hbm>> -> memref<128x128xf32, #tpu.memory_space<hbm>>
    %dma_start3A_54 = tpu.memref_slice %arg12[%dma_start3A_48] : memref<2x!tpu.dma_semaphore, #tpu.memory_space<semaphore_mem>> -> memref<1x!tpu.dma_semaphore, #tpu.memory_space<semaphore_mem>>
    %dma_start3A_55 = tpu.memref_squeeze %dma_start3A_54 : memref<1x!tpu.dma_semaphore, #tpu.memory_space<semaphore_mem>> -> memref<!tpu.dma_semaphore, #tpu.memory_space<semaphore_mem>>
    %dma_start3A_56 = arith.constant 0 : i32
    %dma_start3A_57 = arith.constant 0 : i32
    %dma_start3A_58 = tpu.memref_slice %arg7[%dma_start3A, %dma_start3A_56, %dma_start3A_57] : memref<2x128x128xf32, #tpu.memory_space<vmem>> -> memref<1x128x128xf32, #tpu.memory_space<vmem>>
    %dma_start3A_59 = tpu.memref_squeeze %dma_start3A_58 : memref<1x128x128xf32, #tpu.memory_space<vmem>> -> memref<128x128xf32, #tpu.memory_space<vmem>>
    %dma_start3A_60 = tpu.memref_slice %arg2[%add3A_47, %mul3A_32] : memref<16384x2048xf32, #tpu.memory_space<hbm>> -> memref<128x128xf32, #tpu.memory_space<hbm>>
    tpu.enqueue_dma source(%dma_start3A_60 : memref<128x128xf32, #tpu.memory_space<hbm>>) target(%dma_start3A_59 : memref<128x128xf32, #tpu.memory_space<vmem>>) target_semaphore(%dma_start3A_55 : memref<!tpu.dma_semaphore, #tpu.memory_space<semaphore_mem>>)
    %add3A_61 = arith.constant 128 : i32
    %add3A_62 = arith.addi %mul3A_34, %add3A_61 : i32
    %dma_start3A_63 = arith.constant 1 : i32
    %dma_start3A_64 = arith.constant 1 : i32
    %dma_start3A_65 = arith.constant 0 : i32
    %dma_start3A_66 = arith.constant 0 : i32
    %dma_start3A_67 = tpu.memref_slice %arg7[%dma_start3A_63, %dma_start3A_65, %dma_start3A_66] : memref<2x128x128xf32, #tpu.memory_space<vmem>> -> memref<1x128x128xf32, #tpu.memory_space<vmem>>
    %dma_start3A_68 = tpu.memref_squeeze %dma_start3A_67 : memref<1x128x128xf32, #tpu.memory_space<vmem>> -> memref<128x128xf32, #tpu.memory_space<vmem>>
    %dma_start3A_69 = tpu.memref_slice %arg2[%add3A_62, %mul3A_32] : memref<16384x2048xf32, #tpu.memory_space<hbm>> -> memref<128x128xf32, #tpu.memory_space<hbm>>
    %dma_start3A_70 = tpu.memref_slice %arg12[%dma_start3A_64] : memref<2x!tpu.dma_semaphore, #tpu.memory_space<semaphore_mem>> -> memref<1x!tpu.dma_semaphore, #tpu.memory_space<semaphore_mem>>
    %dma_start3A_71 = tpu.memref_squeeze %dma_start3A_70 : memref<1x!tpu.dma_semaphore, #tpu.memory_space<semaphore_mem>> -> memref<!tpu.dma_semaphore, #tpu.memory_space<semaphore_mem>>
    %dma_start3A_72 = arith.constant 0 : i32
    %dma_start3A_73 = arith.constant 0 : i32
    %dma_start3A_74 = tpu.memref_slice %arg7[%dma_start3A_63, %dma_start3A_72, %dma_start3A_73] : memref<2x128x128xf32, #tpu.memory_space<vmem>> -> memref<1x128x128xf32, #tpu.memory_space<vmem>>
    %dma_start3A_75 = tpu.memref_squeeze %dma_start3A_74 : memref<1x128x128xf32, #tpu.memory_space<vmem>> -> memref<128x128xf32, #tpu.memory_space<vmem>>
    %dma_start3A_76 = tpu.memref_slice %arg2[%add3A_62, %mul3A_32] : memref<16384x2048xf32, #tpu.memory_space<hbm>> -> memref<128x128xf32, #tpu.memory_space<hbm>>
    tpu.enqueue_dma source(%dma_start3A_76 : memref<128x128xf32, #tpu.memory_space<hbm>>) target(%dma_start3A_75 : memref<128x128xf32, #tpu.memory_space<vmem>>) target_semaphore(%dma_start3A_71 : memref<!tpu.dma_semaphore, #tpu.memory_space<semaphore_mem>>)
    %scan3A = arith.constant 0 : i32
    %scan3A_77 = arith.constant 32 : i32
    %scan3A_78 = arith.addi %scan3A, %scan3A_77 : i32
    %scan3A_79 = arith.constant 1 : i32
    scf.for %scan3A_112 = %scan3A to %scan3A_78 step %scan3A_79  : i32 {
      %mul3A_113 = arith.constant 2 : i32
      %mul3A_114 = arith.muli %scan3A_112, %mul3A_113 : i32
      %add3A_115 = arith.constant 0 : i32
      %add3A_116 = arith.addi %add3A_115, %mul3A_114 : i32
      %add3A_117 = arith.constant 0 : i32
      %add3A_118 = arith.addi %add3A_116, %add3A_117 : i32
      %mul3A_119 = arith.constant 128 : i32
      %mul3A_120 = arith.muli %add3A_118, %mul3A_119 : i32
      %add3A_121 = arith.addi %mul3A_34, %mul3A_120 : i32
      %dma_wait3A_122 = arith.constant 0 : i32
      %dma_wait3A_123 = arith.constant 0 : i32
      %dma_wait3A_124 = arith.constant 0 : i32
      %dma_wait3A_125 = arith.constant 0 : i32
      %dma_wait3A_126 = tpu.memref_slice %arg7[%dma_wait3A_122, %dma_wait3A_124, %dma_wait3A_125] : memref<2x128x128xf32, #tpu.memory_space<vmem>> -> memref<1x128x128xf32, #tpu.memory_space<vmem>>
      %dma_wait3A_127 = tpu.memref_squeeze %dma_wait3A_126 : memref<1x128x128xf32, #tpu.memory_space<vmem>> -> memref<128x128xf32, #tpu.memory_space<vmem>>
      %dma_wait3A_128 = tpu.memref_slice %arg2[%add3A_121, %mul3A_32] : memref<16384x2048xf32, #tpu.memory_space<hbm>> -> memref<128x128xf32, #tpu.memory_space<hbm>>
      %dma_wait3A_129 = tpu.memref_slice %arg12[%dma_wait3A_123] : memref<2x!tpu.dma_semaphore, #tpu.memory_space<semaphore_mem>> -> memref<1x!tpu.dma_semaphore, #tpu.memory_space<semaphore_mem>>
      %dma_wait3A_130 = tpu.memref_squeeze %dma_wait3A_129 : memref<1x!tpu.dma_semaphore, #tpu.memory_space<semaphore_mem>> -> memref<!tpu.dma_semaphore, #tpu.memory_space<semaphore_mem>>
      %dma_wait3A_131 = arith.constant 0 : i32
      %dma_wait3A_132 = arith.constant 0 : i32
      %dma_wait3A_133 = tpu.memref_slice %arg7[%dma_wait3A_122, %dma_wait3A_131, %dma_wait3A_132] : memref<2x128x128xf32, #tpu.memory_space<vmem>> -> memref<1x128x128xf32, #tpu.memory_space<vmem>>
      %dma_wait3A_134 = tpu.memref_squeeze %dma_wait3A_133 : memref<1x128x128xf32, #tpu.memory_space<vmem>> -> memref<128x128xf32, #tpu.memory_space<vmem>>
      %dma_wait3A_135 = tpu.memref_slice %arg2[%add3A_121, %mul3A_32] : memref<16384x2048xf32, #tpu.memory_space<hbm>> -> memref<128x128xf32, #tpu.memory_space<hbm>>
      tpu.wait_dma2 semaphore(%dma_wait3A_130 : memref<!tpu.dma_semaphore, #tpu.memory_space<semaphore_mem>>) src(%dma_wait3A_135 : memref<128x128xf32, #tpu.memory_space<hbm>>) dst(%dma_wait3A_134 : memref<128x128xf32, #tpu.memory_space<vmem>>)
      %ge3A = arith.constant 2 : i32
      %ge3A_136 = arith.cmpi sge, %add3A_118, %ge3A : i32
      %convert_element_type3A_137 = arith.extui %ge3A_136 : i1 to i32
      %cond3A = arith.constant 0 : i32
      %cond3A_138 = arith.cmpi ne, %convert_element_type3A_137, %cond3A : i32
      scf.if %cond3A_138 {
        %sub3A_220 = arith.constant 2 : i32
        %sub3A_221 = arith.subi %add3A_118, %sub3A_220 : i32
        %mul3A_222 = arith.constant 128 : i32
        %mul3A_223 = arith.muli %sub3A_221, %mul3A_222 : i32
        %add3A_224 = arith.addi %mul3A_34, %mul3A_223 : i32
        %dma_wait3A_225 = arith.constant 0 : i32
        %dma_wait3A_226 = arith.constant 0 : i32
        %dma_wait3A_227 = arith.constant 0 : i32
        %dma_wait3A_228 = arith.constant 0 : i32
        %dma_wait3A_229 = tpu.memref_slice %arg8[%dma_wait3A_225, %dma_wait3A_227, %dma_wait3A_228] : memref<2x128x128xf32, #tpu.memory_space<vmem>> -> memref<1x128x128xf32, #tpu.memory_space<vmem>>
        %dma_wait3A_230 = tpu.memref_squeeze %dma_wait3A_229 : memref<1x128x128xf32, #tpu.memory_space<vmem>> -> memref<128x128xf32, #tpu.memory_space<vmem>>
        %dma_wait3A_231 = tpu.memref_slice %arg6[%add3A_224, %mul3A_32] : memref<16384x2048xf32, #tpu.memory_space<hbm>> -> memref<128x128xf32, #tpu.memory_space<hbm>>
        %dma_wait3A_232 = tpu.memref_slice %arg13[%dma_wait3A_226] : memref<2x!tpu.dma_semaphore, #tpu.memory_space<semaphore_mem>> -> memref<1x!tpu.dma_semaphore, #tpu.memory_space<semaphore_mem>>
        %dma_wait3A_233 = tpu.memref_squeeze %dma_wait3A_232 : memref<1x!tpu.dma_semaphore, #tpu.memory_space<semaphore_mem>> -> memref<!tpu.dma_semaphore, #tpu.memory_space<semaphore_mem>>
        %dma_wait3A_234 = tpu.memref_slice %arg6[%add3A_224, %mul3A_32] : memref<16384x2048xf32, #tpu.memory_space<hbm>> -> memref<128x128xf32, #tpu.memory_space<hbm>>
        %dma_wait3A_235 = arith.constant 0 : i32
        %dma_wait3A_236 = arith.constant 0 : i32
        %dma_wait3A_237 = tpu.memref_slice %arg8[%dma_wait3A_225, %dma_wait3A_235, %dma_wait3A_236] : memref<2x128x128xf32, #tpu.memory_space<vmem>> -> memref<1x128x128xf32, #tpu.memory_space<vmem>>
        %dma_wait3A_238 = tpu.memref_squeeze %dma_wait3A_237 : memref<1x128x128xf32, #tpu.memory_space<vmem>> -> memref<128x128xf32, #tpu.memory_space<vmem>>
        tpu.wait_dma2 semaphore(%dma_wait3A_233 : memref<!tpu.dma_semaphore, #tpu.memory_space<semaphore_mem>>) src(%dma_wait3A_238 : memref<128x128xf32, #tpu.memory_space<vmem>>) dst(%dma_wait3A_234 : memref<128x128xf32, #tpu.memory_space<hbm>>)
      } else {
      }
      %parallel_loop3A = arith.constant 0 : i32
      %parallel_loop3A_139 = arith.constant 128 : i32
      %parallel_loop3A_140 = arith.constant 1 : i32
      %parallel_loop3A_141 = arith.constant 0 : i32
      %parallel_loop3A_142 = arith.constant 0 : i32
      scf.for %parallel_loop3A_220 = %parallel_loop3A to %parallel_loop3A_139 step %parallel_loop3A_140  : i32 {
        %parallel_loop3A_221 = arith.constant 0 : i32
        %parallel_loop3A_222 = arith.constant 0 : i32
        %parallel_loop3A_223 = tpu.memref_slice %arg7[%parallel_loop3A_141, %parallel_loop3A_221, %parallel_loop3A_222] : memref<2x128x128xf32, #tpu.memory_space<vmem>> -> memref<1x128x128xf32, #tpu.memory_space<vmem>>
        %parallel_loop3A_224 = tpu.memref_squeeze %parallel_loop3A_223 : memref<1x128x128xf32, #tpu.memory_space<vmem>> -> memref<128x128xf32, #tpu.memory_space<vmem>>
        %parallel_loop3A_225 = arith.index_cast %parallel_loop3A_220 : i32 to index
        %parallel_loop3A_226 = arith.constant 0 : index
        %parallel_loop3A_227 = tpu.vector_load %parallel_loop3A_224[%parallel_loop3A_225, %parallel_loop3A_226] {strides = array<i32>} : memref<128x128xf32, #tpu.memory_space<vmem>>, vector<16xf32>,
        %parallel_loop3A_228 = arith.mulf %parallel_loop3A_227, %get3A_39 : vector<16xf32>
        %parallel_loop3A_229 = arith.addf %parallel_loop3A_228, %add3A_45 : vector<16xf32>
        %parallel_loop3A_230 = arith.fptosi %parallel_loop3A_229 : vector<16xf32> to vector<16xi32>
        %parallel_loop3A_231 = arith.sitofp %parallel_loop3A_230 : vector<16xi32> to vector<16xf32>
        %parallel_loop3A_232 = arith.subf %parallel_loop3A_229, %parallel_loop3A_231 : vector<16xf32>
        %parallel_loop3A_233 = arith.constant 0 : i32
        %parallel_loop3A_234 = tpu.memref_slice %arg9[%parallel_loop3A_233] : memref<16384xf32, #tpu.memory_space<vmem>> -> memref<2048xf32, #tpu.memory_space<vmem>>
        %parallel_loop3A_235 = tpu.vector_load_idx %parallel_loop3A_234[%parallel_loop3A_230] : memref<2048xf32, #tpu.memory_space<vmem>>[vector<16xi32>], vector<16xf32>,
        %parallel_loop3A_236 = arith.constant 0 : i32
        %parallel_loop3A_237 = tpu.memref_slice %arg10[%parallel_loop3A_236] : memref<16384xf32, #tpu.memory_space<vmem>> -> memref<2048xf32, #tpu.memory_space<vmem>>
        %parallel_loop3A_238 = tpu.vector_load_idx %parallel_loop3A_237[%parallel_loop3A_230] : memref<2048xf32, #tpu.memory_space<vmem>>[vector<16xi32>], vector<16xf32>,
        %parallel_loop3A_239 = arith.mulf %parallel_loop3A_232, %parallel_loop3A_238 : vector<16xf32>
        %parallel_loop3A_240 = arith.addf %parallel_loop3A_235, %parallel_loop3A_239 : vector<16xf32>
        %parallel_loop3A_241 = arith.constant 0 : i32
        %parallel_loop3A_242 = arith.constant 0 : i32
        %parallel_loop3A_243 = tpu.memref_slice %arg8[%parallel_loop3A_142, %parallel_loop3A_241, %parallel_loop3A_242] : memref<2x128x128xf32, #tpu.memory_space<vmem>> -> memref<1x128x128xf32, #tpu.memory_space<vmem>>
        %parallel_loop3A_244 = tpu.memref_squeeze %parallel_loop3A_243 : memref<1x128x128xf32, #tpu.memory_space<vmem>> -> memref<128x128xf32, #tpu.memory_space<vmem>>
        %parallel_loop3A_245 = arith.index_cast %parallel_loop3A_220 : i32 to index
        %parallel_loop3A_246 = arith.constant 0 : index
        %parallel_loop3A_247 = tpu.vector_load %parallel_loop3A_244[%parallel_loop3A_245, %parallel_loop3A_246] {strides = array<i32>} : memref<128x128xf32, #tpu.memory_space<vmem>>, vector<16xf32>,
        tpu.vector_store %parallel_loop3A_244[%parallel_loop3A_245, %parallel_loop3A_246], %parallel_loop3A_240 {strides = array<i32>} : memref<128x128xf32, #tpu.memory_space<vmem>>, vector<16xf32>,
        %parallel_loop3A_248 = arith.constant 0 : i32
        %parallel_loop3A_249 = arith.constant 0 : i32
        %parallel_loop3A_250 = tpu.memref_slice %arg7[%parallel_loop3A_141, %parallel_loop3A_248, %parallel_loop3A_249] : memref<2x128x128xf32, #tpu.memory_space<vmem>> -> memref<1x128x128xf32, #tpu.memory_space<vmem>>
        %parallel_loop3A_251 = tpu.memref_squeeze %parallel_loop3A_250 : memref<1x128x128xf32, #tpu.memory_space<vmem>> -> memref<128x128xf32, #tpu.memory_space<vmem>>
        %parallel_loop3A_252 = arith.index_cast %parallel_loop3A_220 : i32 to index
        %parallel_loop3A_253 = arith.constant 16 : index
        %parallel_loop3A_254 = tpu.vector_load %parallel_loop3A_251[%parallel_loop3A_252, %parallel_loop3A_253] {strides = array<i32>} : memref<128x128xf32, #tpu.memory_space<vmem>>, vector<16xf32>,
        %parallel_loop3A_255 = arith.mulf %parallel_loop3A_254, %get3A_39 : vector<16xf32>
        %parallel_loop3A_256 = arith.addf %parallel_loop3A_255, %add3A_45 : vector<16xf32>
        %parallel_loop3A_257 = arith.fptosi %parallel_loop3A_256 : vector<16xf32> to vector<16xi32>
        %parallel_loop3A_258 = arith.sitofp %parallel_loop3A_257 : vector<16xi32> to vector<16xf32>
        %parallel_loop3A_259 = arith.subf %parallel_loop3A_256, %parallel_loop3A_258 : vector<16xf32>
        %parallel_loop3A_260 = arith.constant 2048 : i32
        %parallel_loop3A_261 = tpu.memref_slice %arg9[%parallel_loop3A_260] : memref<16384xf32, #tpu.memory_space<vmem>> -> memref<2048xf32, #tpu.memory_space<vmem>>
        %parallel_loop3A_262 = tpu.vector_load_idx %parallel_loop3A_261[%parallel_loop3A_257] : memref<2048xf32, #tpu.memory_space<vmem>>[vector<16xi32>], vector<16xf32>,
        %parallel_loop3A_263 = arith.constant 2048 : i32
        %parallel_loop3A_264 = tpu.memref_slice %arg10[%parallel_loop3A_263] : memref<16384xf32, #tpu.memory_space<vmem>> -> memref<2048xf32, #tpu.memory_space<vmem>>
        %parallel_loop3A_265 = tpu.vector_load_idx %parallel_loop3A_264[%parallel_loop3A_257] : memref<2048xf32, #tpu.memory_space<vmem>>[vector<16xi32>], vector<16xf32>,
        %parallel_loop3A_266 = arith.mulf %parallel_loop3A_259, %parallel_loop3A_265 : vector<16xf32>
        %parallel_loop3A_267 = arith.addf %parallel_loop3A_262, %parallel_loop3A_266 : vector<16xf32>
        %parallel_loop3A_268 = arith.constant 0 : i32
        %parallel_loop3A_269 = arith.constant 0 : i32
        %parallel_loop3A_270 = tpu.memref_slice %arg8[%parallel_loop3A_142, %parallel_loop3A_268, %parallel_loop3A_269] : memref<2x128x128xf32, #tpu.memory_space<vmem>> -> memref<1x128x128xf32, #tpu.memory_space<vmem>>
        %parallel_loop3A_271 = tpu.memref_squeeze %parallel_loop3A_270 : memref<1x128x128xf32, #tpu.memory_space<vmem>> -> memref<128x128xf32, #tpu.memory_space<vmem>>
        %parallel_loop3A_272 = arith.index_cast %parallel_loop3A_220 : i32 to index
        %parallel_loop3A_273 = arith.constant 16 : index
        %parallel_loop3A_274 = tpu.vector_load %parallel_loop3A_271[%parallel_loop3A_272, %parallel_loop3A_273] {strides = array<i32>} : memref<128x128xf32, #tpu.memory_space<vmem>>, vector<16xf32>,
        tpu.vector_store %parallel_loop3A_271[%parallel_loop3A_272, %parallel_loop3A_273], %parallel_loop3A_267 {strides = array<i32>} : memref<128x128xf32, #tpu.memory_space<vmem>>, vector<16xf32>,
        %parallel_loop3A_275 = arith.constant 0 : i32
        %parallel_loop3A_276 = arith.constant 0 : i32
        %parallel_loop3A_277 = tpu.memref_slice %arg7[%parallel_loop3A_141, %parallel_loop3A_275, %parallel_loop3A_276] : memref<2x128x128xf32, #tpu.memory_space<vmem>> -> memref<1x128x128xf32, #tpu.memory_space<vmem>>
        %parallel_loop3A_278 = tpu.memref_squeeze %parallel_loop3A_277 : memref<1x128x128xf32, #tpu.memory_space<vmem>> -> memref<128x128xf32, #tpu.memory_space<vmem>>
        %parallel_loop3A_279 = arith.index_cast %parallel_loop3A_220 : i32 to index
        %parallel_loop3A_280 = arith.constant 32 : index
        %parallel_loop3A_281 = tpu.vector_load %parallel_loop3A_278[%parallel_loop3A_279, %parallel_loop3A_280] {strides = array<i32>} : memref<128x128xf32, #tpu.memory_space<vmem>>, vector<16xf32>,
        %parallel_loop3A_282 = arith.mulf %parallel_loop3A_281, %get3A_39 : vector<16xf32>
        %parallel_loop3A_283 = arith.addf %parallel_loop3A_282, %add3A_45 : vector<16xf32>
        %parallel_loop3A_284 = arith.fptosi %parallel_loop3A_283 : vector<16xf32> to vector<16xi32>
        %parallel_loop3A_285 = arith.sitofp %parallel_loop3A_284 : vector<16xi32> to vector<16xf32>
        %parallel_loop3A_286 = arith.subf %parallel_loop3A_283, %parallel_loop3A_285 : vector<16xf32>
        %parallel_loop3A_287 = arith.constant 4096 : i32
        %parallel_loop3A_288 = tpu.memref_slice %arg9[%parallel_loop3A_287] : memref<16384xf32, #tpu.memory_space<vmem>> -> memref<2048xf32, #tpu.memory_space<vmem>>
        %parallel_loop3A_289 = tpu.vector_load_idx %parallel_loop3A_288[%parallel_loop3A_284] : memref<2048xf32, #tpu.memory_space<vmem>>[vector<16xi32>], vector<16xf32>,
        %parallel_loop3A_290 = arith.constant 4096 : i32
        %parallel_loop3A_291 = tpu.memref_slice %arg10[%parallel_loop3A_290] : memref<16384xf32, #tpu.memory_space<vmem>> -> memref<2048xf32, #tpu.memory_space<vmem>>
        %parallel_loop3A_292 = tpu.vector_load_idx %parallel_loop3A_291[%parallel_loop3A_284] : memref<2048xf32, #tpu.memory_space<vmem>>[vector<16xi32>], vector<16xf32>,
        %parallel_loop3A_293 = arith.mulf %parallel_loop3A_286, %parallel_loop3A_292 : vector<16xf32>
        %parallel_loop3A_294 = arith.addf %parallel_loop3A_289, %parallel_loop3A_293 : vector<16xf32>
        %parallel_loop3A_295 = arith.constant 0 : i32
        %parallel_loop3A_296 = arith.constant 0 : i32
        %parallel_loop3A_297 = tpu.memref_slice %arg8[%parallel_loop3A_142, %parallel_loop3A_295, %parallel_loop3A_296] : memref<2x128x128xf32, #tpu.memory_space<vmem>> -> memref<1x128x128xf32, #tpu.memory_space<vmem>>
        %parallel_loop3A_298 = tpu.memref_squeeze %parallel_loop3A_297 : memref<1x128x128xf32, #tpu.memory_space<vmem>> -> memref<128x128xf32, #tpu.memory_space<vmem>>
        %parallel_loop3A_299 = arith.index_cast %parallel_loop3A_220 : i32 to index
        %parallel_loop3A_300 = arith.constant 32 : index
        %parallel_loop3A_301 = tpu.vector_load %parallel_loop3A_298[%parallel_loop3A_299, %parallel_loop3A_300] {strides = array<i32>} : memref<128x128xf32, #tpu.memory_space<vmem>>, vector<16xf32>,
        tpu.vector_store %parallel_loop3A_298[%parallel_loop3A_299, %parallel_loop3A_300], %parallel_loop3A_294 {strides = array<i32>} : memref<128x128xf32, #tpu.memory_space<vmem>>, vector<16xf32>,
        %parallel_loop3A_302 = arith.constant 0 : i32
        %parallel_loop3A_303 = arith.constant 0 : i32
        %parallel_loop3A_304 = tpu.memref_slice %arg7[%parallel_loop3A_141, %parallel_loop3A_302, %parallel_loop3A_303] : memref<2x128x128xf32, #tpu.memory_space<vmem>> -> memref<1x128x128xf32, #tpu.memory_space<vmem>>
        %parallel_loop3A_305 = tpu.memref_squeeze %parallel_loop3A_304 : memref<1x128x128xf32, #tpu.memory_space<vmem>> -> memref<128x128xf32, #tpu.memory_space<vmem>>
        %parallel_loop3A_306 = arith.index_cast %parallel_loop3A_220 : i32 to index
        %parallel_loop3A_307 = arith.constant 48 : index
        %parallel_loop3A_308 = tpu.vector_load %parallel_loop3A_305[%parallel_loop3A_306, %parallel_loop3A_307] {strides = array<i32>} : memref<128x128xf32, #tpu.memory_space<vmem>>, vector<16xf32>,
        %parallel_loop3A_309 = arith.mulf %parallel_loop3A_308, %get3A_39 : vector<16xf32>
        %parallel_loop3A_310 = arith.addf %parallel_loop3A_309, %add3A_45 : vector<16xf32>
        %parallel_loop3A_311 = arith.fptosi %parallel_loop3A_310 : vector<16xf32> to vector<16xi32>
        %parallel_loop3A_312 = arith.sitofp %parallel_loop3A_311 : vector<16xi32> to vector<16xf32>
        %parallel_loop3A_313 = arith.subf %parallel_loop3A_310, %parallel_loop3A_312 : vector<16xf32>
        %parallel_loop3A_314 = arith.constant 6144 : i32
        %parallel_loop3A_315 = tpu.memref_slice %arg9[%parallel_loop3A_314] : memref<16384xf32, #tpu.memory_space<vmem>> -> memref<2048xf32, #tpu.memory_space<vmem>>
        %parallel_loop3A_316 = tpu.vector_load_idx %parallel_loop3A_315[%parallel_loop3A_311] : memref<2048xf32, #tpu.memory_space<vmem>>[vector<16xi32>], vector<16xf32>,
        %parallel_loop3A_317 = arith.constant 6144 : i32
        %parallel_loop3A_318 = tpu.memref_slice %arg10[%parallel_loop3A_317] : memref<16384xf32, #tpu.memory_space<vmem>> -> memref<2048xf32, #tpu.memory_space<vmem>>
        %parallel_loop3A_319 = tpu.vector_load_idx %parallel_loop3A_318[%parallel_loop3A_311] : memref<2048xf32, #tpu.memory_space<vmem>>[vector<16xi32>], vector<16xf32>,
        %parallel_loop3A_320 = arith.mulf %parallel_loop3A_313, %parallel_loop3A_319 : vector<16xf32>
        %parallel_loop3A_321 = arith.addf %parallel_loop3A_316, %parallel_loop3A_320 : vector<16xf32>
        %parallel_loop3A_322 = arith.constant 0 : i32
        %parallel_loop3A_323 = arith.constant 0 : i32
        %parallel_loop3A_324 = tpu.memref_slice %arg8[%parallel_loop3A_142, %parallel_loop3A_322, %parallel_loop3A_323] : memref<2x128x128xf32, #tpu.memory_space<vmem>> -> memref<1x128x128xf32, #tpu.memory_space<vmem>>
        %parallel_loop3A_325 = tpu.memref_squeeze %parallel_loop3A_324 : memref<1x128x128xf32, #tpu.memory_space<vmem>> -> memref<128x128xf32, #tpu.memory_space<vmem>>
        %parallel_loop3A_326 = arith.index_cast %parallel_loop3A_220 : i32 to index
        %parallel_loop3A_327 = arith.constant 48 : index
        %parallel_loop3A_328 = tpu.vector_load %parallel_loop3A_325[%parallel_loop3A_326, %parallel_loop3A_327] {strides = array<i32>} : memref<128x128xf32, #tpu.memory_space<vmem>>, vector<16xf32>,
        tpu.vector_store %parallel_loop3A_325[%parallel_loop3A_326, %parallel_loop3A_327], %parallel_loop3A_321 {strides = array<i32>} : memref<128x128xf32, #tpu.memory_space<vmem>>, vector<16xf32>,
        %parallel_loop3A_329 = arith.constant 0 : i32
        %parallel_loop3A_330 = arith.constant 0 : i32
        %parallel_loop3A_331 = tpu.memref_slice %arg7[%parallel_loop3A_141, %parallel_loop3A_329, %parallel_loop3A_330] : memref<2x128x128xf32, #tpu.memory_space<vmem>> -> memref<1x128x128xf32, #tpu.memory_space<vmem>>
        %parallel_loop3A_332 = tpu.memref_squeeze %parallel_loop3A_331 : memref<1x128x128xf32, #tpu.memory_space<vmem>> -> memref<128x128xf32, #tpu.memory_space<vmem>>
        %parallel_loop3A_333 = arith.index_cast %parallel_loop3A_220 : i32 to index
        %parallel_loop3A_334 = arith.constant 64 : index
        %parallel_loop3A_335 = tpu.vector_load %parallel_loop3A_332[%parallel_loop3A_333, %parallel_loop3A_334] {strides = array<i32>} : memref<128x128xf32, #tpu.memory_space<vmem>>, vector<16xf32>,
        %parallel_loop3A_336 = arith.mulf %parallel_loop3A_335, %get3A_39 : vector<16xf32>
        %parallel_loop3A_337 = arith.addf %parallel_loop3A_336, %add3A_45 : vector<16xf32>
        %parallel_loop3A_338 = arith.fptosi %parallel_loop3A_337 : vector<16xf32> to vector<16xi32>
        %parallel_loop3A_339 = arith.sitofp %parallel_loop3A_338 : vector<16xi32> to vector<16xf32>
        %parallel_loop3A_340 = arith.subf %parallel_loop3A_337, %parallel_loop3A_339 : vector<16xf32>
        %parallel_loop3A_341 = arith.constant 8192 : i32
        %parallel_loop3A_342 = tpu.memref_slice %arg9[%parallel_loop3A_341] : memref<16384xf32, #tpu.memory_space<vmem>> -> memref<2048xf32, #tpu.memory_space<vmem>>
        %parallel_loop3A_343 = tpu.vector_load_idx %parallel_loop3A_342[%parallel_loop3A_338] : memref<2048xf32, #tpu.memory_space<vmem>>[vector<16xi32>], vector<16xf32>,
        %parallel_loop3A_344 = arith.constant 8192 : i32
        %parallel_loop3A_345 = tpu.memref_slice %arg10[%parallel_loop3A_344] : memref<16384xf32, #tpu.memory_space<vmem>> -> memref<2048xf32, #tpu.memory_space<vmem>>
        %parallel_loop3A_346 = tpu.vector_load_idx %parallel_loop3A_345[%parallel_loop3A_338] : memref<2048xf32, #tpu.memory_space<vmem>>[vector<16xi32>], vector<16xf32>,
        %parallel_loop3A_347 = arith.mulf %parallel_loop3A_340, %parallel_loop3A_346 : vector<16xf32>
        %parallel_loop3A_348 = arith.addf %parallel_loop3A_343, %parallel_loop3A_347 : vector<16xf32>
        %parallel_loop3A_349 = arith.constant 0 : i32
        %parallel_loop3A_350 = arith.constant 0 : i32
        %parallel_loop3A_351 = tpu.memref_slice %arg8[%parallel_loop3A_142, %parallel_loop3A_349, %parallel_loop3A_350] : memref<2x128x128xf32, #tpu.memory_space<vmem>> -> memref<1x128x128xf32, #tpu.memory_space<vmem>>
        %parallel_loop3A_352 = tpu.memref_squeeze %parallel_loop3A_351 : memref<1x128x128xf32, #tpu.memory_space<vmem>> -> memref<128x128xf32, #tpu.memory_space<vmem>>
        %parallel_loop3A_353 = arith.index_cast %parallel_loop3A_220 : i32 to index
        %parallel_loop3A_354 = arith.constant 64 : index
        %parallel_loop3A_355 = tpu.vector_load %parallel_loop3A_352[%parallel_loop3A_353, %parallel_loop3A_354] {strides = array<i32>} : memref<128x128xf32, #tpu.memory_space<vmem>>, vector<16xf32>,
        tpu.vector_store %parallel_loop3A_352[%parallel_loop3A_353, %parallel_loop3A_354], %parallel_loop3A_348 {strides = array<i32>} : memref<128x128xf32, #tpu.memory_space<vmem>>, vector<16xf32>,
        %parallel_loop3A_356 = arith.constant 0 : i32
        %parallel_loop3A_357 = arith.constant 0 : i32
        %parallel_loop3A_358 = tpu.memref_slice %arg7[%parallel_loop3A_141, %parallel_loop3A_356, %parallel_loop3A_357] : memref<2x128x128xf32, #tpu.memory_space<vmem>> -> memref<1x128x128xf32, #tpu.memory_space<vmem>>
        %parallel_loop3A_359 = tpu.memref_squeeze %parallel_loop3A_358 : memref<1x128x128xf32, #tpu.memory_space<vmem>> -> memref<128x128xf32, #tpu.memory_space<vmem>>
        %parallel_loop3A_360 = arith.index_cast %parallel_loop3A_220 : i32 to index
        %parallel_loop3A_361 = arith.constant 80 : index
        %parallel_loop3A_362 = tpu.vector_load %parallel_loop3A_359[%parallel_loop3A_360, %parallel_loop3A_361] {strides = array<i32>} : memref<128x128xf32, #tpu.memory_space<vmem>>, vector<16xf32>,
        %parallel_loop3A_363 = arith.mulf %parallel_loop3A_362, %get3A_39 : vector<16xf32>
        %parallel_loop3A_364 = arith.addf %parallel_loop3A_363, %add3A_45 : vector<16xf32>
        %parallel_loop3A_365 = arith.fptosi %parallel_loop3A_364 : vector<16xf32> to vector<16xi32>
        %parallel_loop3A_366 = arith.sitofp %parallel_loop3A_365 : vector<16xi32> to vector<16xf32>
        %parallel_loop3A_367 = arith.subf %parallel_loop3A_364, %parallel_loop3A_366 : vector<16xf32>
        %parallel_loop3A_368 = arith.constant 10240 : i32
        %parallel_loop3A_369 = tpu.memref_slice %arg9[%parallel_loop3A_368] : memref<16384xf32, #tpu.memory_space<vmem>> -> memref<2048xf32, #tpu.memory_space<vmem>>
        %parallel_loop3A_370 = tpu.vector_load_idx %parallel_loop3A_369[%parallel_loop3A_365] : memref<2048xf32, #tpu.memory_space<vmem>>[vector<16xi32>], vector<16xf32>,
        %parallel_loop3A_371 = arith.constant 10240 : i32
        %parallel_loop3A_372 = tpu.memref_slice %arg10[%parallel_loop3A_371] : memref<16384xf32, #tpu.memory_space<vmem>> -> memref<2048xf32, #tpu.memory_space<vmem>>
        %parallel_loop3A_373 = tpu.vector_load_idx %parallel_loop3A_372[%parallel_loop3A_365] : memref<2048xf32, #tpu.memory_space<vmem>>[vector<16xi32>], vector<16xf32>,
        %parallel_loop3A_374 = arith.mulf %parallel_loop3A_367, %parallel_loop3A_373 : vector<16xf32>
        %parallel_loop3A_375 = arith.addf %parallel_loop3A_370, %parallel_loop3A_374 : vector<16xf32>
        %parallel_loop3A_376 = arith.constant 0 : i32
        %parallel_loop3A_377 = arith.constant 0 : i32
        %parallel_loop3A_378 = tpu.memref_slice %arg8[%parallel_loop3A_142, %parallel_loop3A_376, %parallel_loop3A_377] : memref<2x128x128xf32, #tpu.memory_space<vmem>> -> memref<1x128x128xf32, #tpu.memory_space<vmem>>
        %parallel_loop3A_379 = tpu.memref_squeeze %parallel_loop3A_378 : memref<1x128x128xf32, #tpu.memory_space<vmem>> -> memref<128x128xf32, #tpu.memory_space<vmem>>
        %parallel_loop3A_380 = arith.index_cast %parallel_loop3A_220 : i32 to index
        %parallel_loop3A_381 = arith.constant 80 : index
        %parallel_loop3A_382 = tpu.vector_load %parallel_loop3A_379[%parallel_loop3A_380, %parallel_loop3A_381] {strides = array<i32>} : memref<128x128xf32, #tpu.memory_space<vmem>>, vector<16xf32>,
        tpu.vector_store %parallel_loop3A_379[%parallel_loop3A_380, %parallel_loop3A_381], %parallel_loop3A_375 {strides = array<i32>} : memref<128x128xf32, #tpu.memory_space<vmem>>, vector<16xf32>,
        %parallel_loop3A_383 = arith.constant 0 : i32
        %parallel_loop3A_384 = arith.constant 0 : i32
        %parallel_loop3A_385 = tpu.memref_slice %arg7[%parallel_loop3A_141, %parallel_loop3A_383, %parallel_loop3A_384] : memref<2x128x128xf32, #tpu.memory_space<vmem>> -> memref<1x128x128xf32, #tpu.memory_space<vmem>>
        %parallel_loop3A_386 = tpu.memref_squeeze %parallel_loop3A_385 : memref<1x128x128xf32, #tpu.memory_space<vmem>> -> memref<128x128xf32, #tpu.memory_space<vmem>>
        %parallel_loop3A_387 = arith.index_cast %parallel_loop3A_220 : i32 to index
        %parallel_loop3A_388 = arith.constant 96 : index
        %parallel_loop3A_389 = tpu.vector_load %parallel_loop3A_386[%parallel_loop3A_387, %parallel_loop3A_388] {strides = array<i32>} : memref<128x128xf32, #tpu.memory_space<vmem>>, vector<16xf32>,
        %parallel_loop3A_390 = arith.mulf %parallel_loop3A_389, %get3A_39 : vector<16xf32>
        %parallel_loop3A_391 = arith.addf %parallel_loop3A_390, %add3A_45 : vector<16xf32>
        %parallel_loop3A_392 = arith.fptosi %parallel_loop3A_391 : vector<16xf32> to vector<16xi32>
        %parallel_loop3A_393 = arith.sitofp %parallel_loop3A_392 : vector<16xi32> to vector<16xf32>
        %parallel_loop3A_394 = arith.subf %parallel_loop3A_391, %parallel_loop3A_393 : vector<16xf32>
        %parallel_loop3A_395 = arith.constant 12288 : i32
        %parallel_loop3A_396 = tpu.memref_slice %arg9[%parallel_loop3A_395] : memref<16384xf32, #tpu.memory_space<vmem>> -> memref<2048xf32, #tpu.memory_space<vmem>>
        %parallel_loop3A_397 = tpu.vector_load_idx %parallel_loop3A_396[%parallel_loop3A_392] : memref<2048xf32, #tpu.memory_space<vmem>>[vector<16xi32>], vector<16xf32>,
        %parallel_loop3A_398 = arith.constant 12288 : i32
        %parallel_loop3A_399 = tpu.memref_slice %arg10[%parallel_loop3A_398] : memref<16384xf32, #tpu.memory_space<vmem>> -> memref<2048xf32, #tpu.memory_space<vmem>>
        %parallel_loop3A_400 = tpu.vector_load_idx %parallel_loop3A_399[%parallel_loop3A_392] : memref<2048xf32, #tpu.memory_space<vmem>>[vector<16xi32>], vector<16xf32>,
        %parallel_loop3A_401 = arith.mulf %parallel_loop3A_394, %parallel_loop3A_400 : vector<16xf32>
        %parallel_loop3A_402 = arith.addf %parallel_loop3A_397, %parallel_loop3A_401 : vector<16xf32>
        %parallel_loop3A_403 = arith.constant 0 : i32
        %parallel_loop3A_404 = arith.constant 0 : i32
        %parallel_loop3A_405 = tpu.memref_slice %arg8[%parallel_loop3A_142, %parallel_loop3A_403, %parallel_loop3A_404] : memref<2x128x128xf32, #tpu.memory_space<vmem>> -> memref<1x128x128xf32, #tpu.memory_space<vmem>>
        %parallel_loop3A_406 = tpu.memref_squeeze %parallel_loop3A_405 : memref<1x128x128xf32, #tpu.memory_space<vmem>> -> memref<128x128xf32, #tpu.memory_space<vmem>>
        %parallel_loop3A_407 = arith.index_cast %parallel_loop3A_220 : i32 to index
        %parallel_loop3A_408 = arith.constant 96 : index
        %parallel_loop3A_409 = tpu.vector_load %parallel_loop3A_406[%parallel_loop3A_407, %parallel_loop3A_408] {strides = array<i32>} : memref<128x128xf32, #tpu.memory_space<vmem>>, vector<16xf32>,
        tpu.vector_store %parallel_loop3A_406[%parallel_loop3A_407, %parallel_loop3A_408], %parallel_loop3A_402 {strides = array<i32>} : memref<128x128xf32, #tpu.memory_space<vmem>>, vector<16xf32>,
        %parallel_loop3A_410 = arith.constant 0 : i32
        %parallel_loop3A_411 = arith.constant 0 : i32
        %parallel_loop3A_412 = tpu.memref_slice %arg7[%parallel_loop3A_141, %parallel_loop3A_410, %parallel_loop3A_411] : memref<2x128x128xf32, #tpu.memory_space<vmem>> -> memref<1x128x128xf32, #tpu.memory_space<vmem>>
        %parallel_loop3A_413 = tpu.memref_squeeze %parallel_loop3A_412 : memref<1x128x128xf32, #tpu.memory_space<vmem>> -> memref<128x128xf32, #tpu.memory_space<vmem>>
        %parallel_loop3A_414 = arith.index_cast %parallel_loop3A_220 : i32 to index
        %parallel_loop3A_415 = arith.constant 112 : index
        %parallel_loop3A_416 = tpu.vector_load %parallel_loop3A_413[%parallel_loop3A_414, %parallel_loop3A_415] {strides = array<i32>} : memref<128x128xf32, #tpu.memory_space<vmem>>, vector<16xf32>,
        %parallel_loop3A_417 = arith.mulf %parallel_loop3A_416, %get3A_39 : vector<16xf32>
        %parallel_loop3A_418 = arith.addf %parallel_loop3A_417, %add3A_45 : vector<16xf32>
        %parallel_loop3A_419 = arith.fptosi %parallel_loop3A_418 : vector<16xf32> to vector<16xi32>
        %parallel_loop3A_420 = arith.sitofp %parallel_loop3A_419 : vector<16xi32> to vector<16xf32>
        %parallel_loop3A_421 = arith.subf %parallel_loop3A_418, %parallel_loop3A_420 : vector<16xf32>
        %parallel_loop3A_422 = arith.constant 14336 : i32
        %parallel_loop3A_423 = tpu.memref_slice %arg9[%parallel_loop3A_422] : memref<16384xf32, #tpu.memory_space<vmem>> -> memref<2048xf32, #tpu.memory_space<vmem>>
        %parallel_loop3A_424 = tpu.vector_load_idx %parallel_loop3A_423[%parallel_loop3A_419] : memref<2048xf32, #tpu.memory_space<vmem>>[vector<16xi32>], vector<16xf32>,
        %parallel_loop3A_425 = arith.constant 14336 : i32
        %parallel_loop3A_426 = tpu.memref_slice %arg10[%parallel_loop3A_425] : memref<16384xf32, #tpu.memory_space<vmem>> -> memref<2048xf32, #tpu.memory_space<vmem>>
        %parallel_loop3A_427 = tpu.vector_load_idx %parallel_loop3A_426[%parallel_loop3A_419] : memref<2048xf32, #tpu.memory_space<vmem>>[vector<16xi32>], vector<16xf32>,
        %parallel_loop3A_428 = arith.mulf %parallel_loop3A_421, %parallel_loop3A_427 : vector<16xf32>
        %parallel_loop3A_429 = arith.addf %parallel_loop3A_424, %parallel_loop3A_428 : vector<16xf32>
        %parallel_loop3A_430 = arith.constant 0 : i32
        %parallel_loop3A_431 = arith.constant 0 : i32
        %parallel_loop3A_432 = tpu.memref_slice %arg8[%parallel_loop3A_142, %parallel_loop3A_430, %parallel_loop3A_431] : memref<2x128x128xf32, #tpu.memory_space<vmem>> -> memref<1x128x128xf32, #tpu.memory_space<vmem>>
        %parallel_loop3A_433 = tpu.memref_squeeze %parallel_loop3A_432 : memref<1x128x128xf32, #tpu.memory_space<vmem>> -> memref<128x128xf32, #tpu.memory_space<vmem>>
        %parallel_loop3A_434 = arith.index_cast %parallel_loop3A_220 : i32 to index
        %parallel_loop3A_435 = arith.constant 112 : index
        %parallel_loop3A_436 = tpu.vector_load %parallel_loop3A_433[%parallel_loop3A_434, %parallel_loop3A_435] {strides = array<i32>} : memref<128x128xf32, #tpu.memory_space<vmem>>, vector<16xf32>,
        tpu.vector_store %parallel_loop3A_433[%parallel_loop3A_434, %parallel_loop3A_435], %parallel_loop3A_429 {strides = array<i32>} : memref<128x128xf32, #tpu.memory_space<vmem>>, vector<16xf32>,
      } {sc.loop_unroll_factor = 4 : i64, sc.parallel_access}
      %mul3A_143 = arith.constant 128 : i32
      %mul3A_144 = arith.muli %add3A_118, %mul3A_143 : i32
      %add3A_145 = arith.addi %mul3A_34, %mul3A_144 : i32
      %dma_start3A_146 = arith.constant 0 : i32
      %dma_start3A_147 = arith.constant 0 : i32
      %dma_start3A_148 = arith.constant 0 : i32
      %dma_start3A_149 = arith.constant 0 : i32
      %dma_start3A_150 = tpu.memref_slice %arg8[%dma_start3A_146, %dma_start3A_148, %dma_start3A_149] : memref<2x128x128xf32, #tpu.memory_space<vmem>> -> memref<1x128x128xf32, #tpu.memory_space<vmem>>
      %dma_start3A_151 = tpu.memref_squeeze %dma_start3A_150 : memref<1x128x128xf32, #tpu.memory_space<vmem>> -> memref<128x128xf32, #tpu.memory_space<vmem>>
      %dma_start3A_152 = tpu.memref_slice %arg6[%add3A_145, %mul3A_32] : memref<16384x2048xf32, #tpu.memory_space<hbm>> -> memref<128x128xf32, #tpu.memory_space<hbm>>
      %dma_start3A_153 = tpu.memref_slice %arg13[%dma_start3A_147] : memref<2x!tpu.dma_semaphore, #tpu.memory_space<semaphore_mem>> -> memref<1x!tpu.dma_semaphore, #tpu.memory_space<semaphore_mem>>
      %dma_start3A_154 = tpu.memref_squeeze %dma_start3A_153 : memref<1x!tpu.dma_semaphore, #tpu.memory_space<semaphore_mem>> -> memref<!tpu.dma_semaphore, #tpu.memory_space<semaphore_mem>>
      %dma_start3A_155 = tpu.memref_slice %arg6[%add3A_145, %mul3A_32] : memref<16384x2048xf32, #tpu.memory_space<hbm>> -> memref<128x128xf32, #tpu.memory_space<hbm>>
      %dma_start3A_156 = arith.constant 0 : i32
      %dma_start3A_157 = arith.constant 0 : i32
      %dma_start3A_158 = tpu.memref_slice %arg8[%dma_start3A_146, %dma_start3A_156, %dma_start3A_157] : memref<2x128x128xf32, #tpu.memory_space<vmem>> -> memref<1x128x128xf32, #tpu.memory_space<vmem>>
      %dma_start3A_159 = tpu.memref_squeeze %dma_start3A_158 : memref<1x128x128xf32, #tpu.memory_space<vmem>> -> memref<128x128xf32, #tpu.memory_space<vmem>>
      tpu.enqueue_dma source(%dma_start3A_159 : memref<128x128xf32, #tpu.memory_space<vmem>>) target(%dma_start3A_155 : memref<128x128xf32, #tpu.memory_space<hbm>>) target_semaphore(%dma_start3A_154 : memref<!tpu.dma_semaphore, #tpu.memory_space<semaphore_mem>>)
      %add3A_160 = arith.constant 2 : i32
      %add3A_161 = arith.addi %add3A_118, %add3A_160 : i32
      %lt3A_162 = arith.constant 64 : i32
      %lt3A_163 = arith.cmpi slt, %add3A_161, %lt3A_162 : i32
      %convert_element_type3A_164 = arith.extui %lt3A_163 : i1 to i32
      %cond3A_165 = arith.constant 0 : i32
      %cond3A_166 = arith.cmpi ne, %convert_element_type3A_164, %cond3A_165 : i32
      scf.if %cond3A_166 {
        %add3A_220 = arith.constant 2 : i32
        %add3A_221 = arith.addi %add3A_118, %add3A_220 : i32
        %mul3A_222 = arith.constant 128 : i32
        %mul3A_223 = arith.muli %add3A_221, %mul3A_222 : i32
        %add3A_224 = arith.addi %mul3A_34, %mul3A_223 : i32
        %dma_start3A_225 = arith.constant 0 : i32
        %dma_start3A_226 = arith.constant 0 : i32
        %dma_start3A_227 = arith.constant 0 : i32
        %dma_start3A_228 = arith.constant 0 : i32
        %dma_start3A_229 = tpu.memref_slice %arg7[%dma_start3A_225, %dma_start3A_227, %dma_start3A_228] : memref<2x128x128xf32, #tpu.memory_space<vmem>> -> memref<1x128x128xf32, #tpu.memory_space<vmem>>
        %dma_start3A_230 = tpu.memref_squeeze %dma_start3A_229 : memref<1x128x128xf32, #tpu.memory_space<vmem>> -> memref<128x128xf32, #tpu.memory_space<vmem>>
        %dma_start3A_231 = tpu.memref_slice %arg2[%add3A_224, %mul3A_32] : memref<16384x2048xf32, #tpu.memory_space<hbm>> -> memref<128x128xf32, #tpu.memory_space<hbm>>
        %dma_start3A_232 = tpu.memref_slice %arg12[%dma_start3A_226] : memref<2x!tpu.dma_semaphore, #tpu.memory_space<semaphore_mem>> -> memref<1x!tpu.dma_semaphore, #tpu.memory_space<semaphore_mem>>
        %dma_start3A_233 = tpu.memref_squeeze %dma_start3A_232 : memref<1x!tpu.dma_semaphore, #tpu.memory_space<semaphore_mem>> -> memref<!tpu.dma_semaphore, #tpu.memory_space<semaphore_mem>>
        %dma_start3A_234 = arith.constant 0 : i32
        %dma_start3A_235 = arith.constant 0 : i32
        %dma_start3A_236 = tpu.memref_slice %arg7[%dma_start3A_225, %dma_start3A_234, %dma_start3A_235] : memref<2x128x128xf32, #tpu.memory_space<vmem>> -> memref<1x128x128xf32, #tpu.memory_space<vmem>>
        %dma_start3A_237 = tpu.memref_squeeze %dma_start3A_236 : memref<1x128x128xf32, #tpu.memory_space<vmem>> -> memref<128x128xf32, #tpu.memory_space<vmem>>
        %dma_start3A_238 = tpu.memref_slice %arg2[%add3A_224, %mul3A_32] : memref<16384x2048xf32, #tpu.memory_space<hbm>> -> memref<128x128xf32, #tpu.memory_space<hbm>>
        tpu.enqueue_dma source(%dma_start3A_238 : memref<128x128xf32, #tpu.memory_space<hbm>>) target(%dma_start3A_237 : memref<128x128xf32, #tpu.memory_space<vmem>>) target_semaphore(%dma_start3A_233 : memref<!tpu.dma_semaphore, #tpu.memory_space<semaphore_mem>>)
      } else {
      }
      %add3A_167 = arith.constant 1 : i32
      %add3A_168 = arith.addi %add3A_116, %add3A_167 : i32
      %mul3A_169 = arith.constant 128 : i32
      %mul3A_170 = arith.muli %add3A_168, %mul3A_169 : i32
      %add3A_171 = arith.addi %mul3A_34, %mul3A_170 : i32
      %dma_wait3A_172 = arith.constant 1 : i32
      %dma_wait3A_173 = arith.constant 1 : i32
      %dma_wait3A_174 = arith.constant 0 : i32
      %dma_wait3A_175 = arith.constant 0 : i32
      %dma_wait3A_176 = tpu.memref_slice %arg7[%dma_wait3A_172, %dma_wait3A_174, %dma_wait3A_175] : memref<2x128x128xf32, #tpu.memory_space<vmem>> -> memref<1x128x128xf32, #tpu.memory_space<vmem>>
      %dma_wait3A_177 = tpu.memref_squeeze %dma_wait3A_176 : memref<1x128x128xf32, #tpu.memory_space<vmem>> -> memref<128x128xf32, #tpu.memory_space<vmem>>
      %dma_wait3A_178 = tpu.memref_slice %arg2[%add3A_171, %mul3A_32] : memref<16384x2048xf32, #tpu.memory_space<hbm>> -> memref<128x128xf32, #tpu.memory_space<hbm>>
      %dma_wait3A_179 = tpu.memref_slice %arg12[%dma_wait3A_173] : memref<2x!tpu.dma_semaphore, #tpu.memory_space<semaphore_mem>> -> memref<1x!tpu.dma_semaphore, #tpu.memory_space<semaphore_mem>>
      %dma_wait3A_180 = tpu.memref_squeeze %dma_wait3A_179 : memref<1x!tpu.dma_semaphore, #tpu.memory_space<semaphore_mem>> -> memref<!tpu.dma_semaphore, #tpu.memory_space<semaphore_mem>>
      %dma_wait3A_181 = arith.constant 0 : i32
      %dma_wait3A_182 = arith.constant 0 : i32
      %dma_wait3A_183 = tpu.memref_slice %arg7[%dma_wait3A_172, %dma_wait3A_181, %dma_wait3A_182] : memref<2x128x128xf32, #tpu.memory_space<vmem>> -> memref<1x128x128xf32, #tpu.memory_space<vmem>>
      %dma_wait3A_184 = tpu.memref_squeeze %dma_wait3A_183 : memref<1x128x128xf32, #tpu.memory_space<vmem>> -> memref<128x128xf32, #tpu.memory_space<vmem>>
      %dma_wait3A_185 = tpu.memref_slice %arg2[%add3A_171, %mul3A_32] : memref<16384x2048xf32, #tpu.memory_space<hbm>> -> memref<128x128xf32, #tpu.memory_space<hbm>>
      tpu.wait_dma2 semaphore(%dma_wait3A_180 : memref<!tpu.dma_semaphore, #tpu.memory_space<semaphore_mem>>) src(%dma_wait3A_185 : memref<128x128xf32, #tpu.memory_space<hbm>>) dst(%dma_wait3A_184 : memref<128x128xf32, #tpu.memory_space<vmem>>)
      %ge3A_186 = arith.constant 2 : i32
      %ge3A_187 = arith.cmpi sge, %add3A_168, %ge3A_186 : i32
      %convert_element_type3A_188 = arith.extui %ge3A_187 : i1 to i32
      %cond3A_189 = arith.constant 0 : i32
      %cond3A_190 = arith.cmpi ne, %convert_element_type3A_188, %cond3A_189 : i32
      scf.if %cond3A_190 {
        %sub3A_220 = arith.constant 2 : i32
        %sub3A_221 = arith.subi %add3A_168, %sub3A_220 : i32
        %mul3A_222 = arith.constant 128 : i32
        %mul3A_223 = arith.muli %sub3A_221, %mul3A_222 : i32
        %add3A_224 = arith.addi %mul3A_34, %mul3A_223 : i32
        %dma_wait3A_225 = arith.constant 1 : i32
        %dma_wait3A_226 = arith.constant 1 : i32
        %dma_wait3A_227 = arith.constant 0 : i32
        %dma_wait3A_228 = arith.constant 0 : i32
        %dma_wait3A_229 = tpu.memref_slice %arg8[%dma_wait3A_225, %dma_wait3A_227, %dma_wait3A_228] : memref<2x128x128xf32, #tpu.memory_space<vmem>> -> memref<1x128x128xf32, #tpu.memory_space<vmem>>
        %dma_wait3A_230 = tpu.memref_squeeze %dma_wait3A_229 : memref<1x128x128xf32, #tpu.memory_space<vmem>> -> memref<128x128xf32, #tpu.memory_space<vmem>>
        %dma_wait3A_231 = tpu.memref_slice %arg6[%add3A_224, %mul3A_32] : memref<16384x2048xf32, #tpu.memory_space<hbm>> -> memref<128x128xf32, #tpu.memory_space<hbm>>
        %dma_wait3A_232 = tpu.memref_slice %arg13[%dma_wait3A_226] : memref<2x!tpu.dma_semaphore, #tpu.memory_space<semaphore_mem>> -> memref<1x!tpu.dma_semaphore, #tpu.memory_space<semaphore_mem>>
        %dma_wait3A_233 = tpu.memref_squeeze %dma_wait3A_232 : memref<1x!tpu.dma_semaphore, #tpu.memory_space<semaphore_mem>> -> memref<!tpu.dma_semaphore, #tpu.memory_space<semaphore_mem>>
        %dma_wait3A_234 = tpu.memref_slice %arg6[%add3A_224, %mul3A_32] : memref<16384x2048xf32, #tpu.memory_space<hbm>> -> memref<128x128xf32, #tpu.memory_space<hbm>>
        %dma_wait3A_235 = arith.constant 0 : i32
        %dma_wait3A_236 = arith.constant 0 : i32
        %dma_wait3A_237 = tpu.memref_slice %arg8[%dma_wait3A_225, %dma_wait3A_235, %dma_wait3A_236] : memref<2x128x128xf32, #tpu.memory_space<vmem>> -> memref<1x128x128xf32, #tpu.memory_space<vmem>>
        %dma_wait3A_238 = tpu.memref_squeeze %dma_wait3A_237 : memref<1x128x128xf32, #tpu.memory_space<vmem>> -> memref<128x128xf32, #tpu.memory_space<vmem>>
        tpu.wait_dma2 semaphore(%dma_wait3A_233 : memref<!tpu.dma_semaphore, #tpu.memory_space<semaphore_mem>>) src(%dma_wait3A_238 : memref<128x128xf32, #tpu.memory_space<vmem>>) dst(%dma_wait3A_234 : memref<128x128xf32, #tpu.memory_space<hbm>>)
      } else {
      }
      %parallel_loop3A_191 = arith.constant 0 : i32
      %parallel_loop3A_192 = arith.constant 128 : i32
      %parallel_loop3A_193 = arith.constant 1 : i32
      %parallel_loop3A_194 = arith.constant 1 : i32
      %parallel_loop3A_195 = arith.constant 1 : i32
      scf.for %parallel_loop3A_220 = %parallel_loop3A_191 to %parallel_loop3A_192 step %parallel_loop3A_193  : i32 {
        %parallel_loop3A_221 = arith.constant 0 : i32
        %parallel_loop3A_222 = arith.constant 0 : i32
        %parallel_loop3A_223 = tpu.memref_slice %arg7[%parallel_loop3A_194, %parallel_loop3A_221, %parallel_loop3A_222] : memref<2x128x128xf32, #tpu.memory_space<vmem>> -> memref<1x128x128xf32, #tpu.memory_space<vmem>>
        %parallel_loop3A_224 = tpu.memref_squeeze %parallel_loop3A_223 : memref<1x128x128xf32, #tpu.memory_space<vmem>> -> memref<128x128xf32, #tpu.memory_space<vmem>>
        %parallel_loop3A_225 = arith.index_cast %parallel_loop3A_220 : i32 to index
        %parallel_loop3A_226 = arith.constant 0 : index
        %parallel_loop3A_227 = tpu.vector_load %parallel_loop3A_224[%parallel_loop3A_225, %parallel_loop3A_226] {strides = array<i32>} : memref<128x128xf32, #tpu.memory_space<vmem>>, vector<16xf32>,
        %parallel_loop3A_228 = arith.mulf %parallel_loop3A_227, %get3A_39 : vector<16xf32>
        %parallel_loop3A_229 = arith.addf %parallel_loop3A_228, %add3A_45 : vector<16xf32>
        %parallel_loop3A_230 = arith.fptosi %parallel_loop3A_229 : vector<16xf32> to vector<16xi32>
        %parallel_loop3A_231 = arith.sitofp %parallel_loop3A_230 : vector<16xi32> to vector<16xf32>
        %parallel_loop3A_232 = arith.subf %parallel_loop3A_229, %parallel_loop3A_231 : vector<16xf32>
        %parallel_loop3A_233 = arith.constant 0 : i32
        %parallel_loop3A_234 = tpu.memref_slice %arg9[%parallel_loop3A_233] : memref<16384xf32, #tpu.memory_space<vmem>> -> memref<2048xf32, #tpu.memory_space<vmem>>
        %parallel_loop3A_235 = tpu.vector_load_idx %parallel_loop3A_234[%parallel_loop3A_230] : memref<2048xf32, #tpu.memory_space<vmem>>[vector<16xi32>], vector<16xf32>,
        %parallel_loop3A_236 = arith.constant 0 : i32
        %parallel_loop3A_237 = tpu.memref_slice %arg10[%parallel_loop3A_236] : memref<16384xf32, #tpu.memory_space<vmem>> -> memref<2048xf32, #tpu.memory_space<vmem>>
        %parallel_loop3A_238 = tpu.vector_load_idx %parallel_loop3A_237[%parallel_loop3A_230] : memref<2048xf32, #tpu.memory_space<vmem>>[vector<16xi32>], vector<16xf32>,
        %parallel_loop3A_239 = arith.mulf %parallel_loop3A_232, %parallel_loop3A_238 : vector<16xf32>
        %parallel_loop3A_240 = arith.addf %parallel_loop3A_235, %parallel_loop3A_239 : vector<16xf32>
        %parallel_loop3A_241 = arith.constant 0 : i32
        %parallel_loop3A_242 = arith.constant 0 : i32
        %parallel_loop3A_243 = tpu.memref_slice %arg8[%parallel_loop3A_195, %parallel_loop3A_241, %parallel_loop3A_242] : memref<2x128x128xf32, #tpu.memory_space<vmem>> -> memref<1x128x128xf32, #tpu.memory_space<vmem>>
        %parallel_loop3A_244 = tpu.memref_squeeze %parallel_loop3A_243 : memref<1x128x128xf32, #tpu.memory_space<vmem>> -> memref<128x128xf32, #tpu.memory_space<vmem>>
        %parallel_loop3A_245 = arith.index_cast %parallel_loop3A_220 : i32 to index
        %parallel_loop3A_246 = arith.constant 0 : index
        %parallel_loop3A_247 = tpu.vector_load %parallel_loop3A_244[%parallel_loop3A_245, %parallel_loop3A_246] {strides = array<i32>} : memref<128x128xf32, #tpu.memory_space<vmem>>, vector<16xf32>,
        tpu.vector_store %parallel_loop3A_244[%parallel_loop3A_245, %parallel_loop3A_246], %parallel_loop3A_240 {strides = array<i32>} : memref<128x128xf32, #tpu.memory_space<vmem>>, vector<16xf32>,
        %parallel_loop3A_248 = arith.constant 0 : i32
        %parallel_loop3A_249 = arith.constant 0 : i32
        %parallel_loop3A_250 = tpu.memref_slice %arg7[%parallel_loop3A_194, %parallel_loop3A_248, %parallel_loop3A_249] : memref<2x128x128xf32, #tpu.memory_space<vmem>> -> memref<1x128x128xf32, #tpu.memory_space<vmem>>
        %parallel_loop3A_251 = tpu.memref_squeeze %parallel_loop3A_250 : memref<1x128x128xf32, #tpu.memory_space<vmem>> -> memref<128x128xf32, #tpu.memory_space<vmem>>
        %parallel_loop3A_252 = arith.index_cast %parallel_loop3A_220 : i32 to index
        %parallel_loop3A_253 = arith.constant 16 : index
        %parallel_loop3A_254 = tpu.vector_load %parallel_loop3A_251[%parallel_loop3A_252, %parallel_loop3A_253] {strides = array<i32>} : memref<128x128xf32, #tpu.memory_space<vmem>>, vector<16xf32>,
        %parallel_loop3A_255 = arith.mulf %parallel_loop3A_254, %get3A_39 : vector<16xf32>
        %parallel_loop3A_256 = arith.addf %parallel_loop3A_255, %add3A_45 : vector<16xf32>
        %parallel_loop3A_257 = arith.fptosi %parallel_loop3A_256 : vector<16xf32> to vector<16xi32>
        %parallel_loop3A_258 = arith.sitofp %parallel_loop3A_257 : vector<16xi32> to vector<16xf32>
        %parallel_loop3A_259 = arith.subf %parallel_loop3A_256, %parallel_loop3A_258 : vector<16xf32>
        %parallel_loop3A_260 = arith.constant 2048 : i32
        %parallel_loop3A_261 = tpu.memref_slice %arg9[%parallel_loop3A_260] : memref<16384xf32, #tpu.memory_space<vmem>> -> memref<2048xf32, #tpu.memory_space<vmem>>
        %parallel_loop3A_262 = tpu.vector_load_idx %parallel_loop3A_261[%parallel_loop3A_257] : memref<2048xf32, #tpu.memory_space<vmem>>[vector<16xi32>], vector<16xf32>,
        %parallel_loop3A_263 = arith.constant 2048 : i32
        %parallel_loop3A_264 = tpu.memref_slice %arg10[%parallel_loop3A_263] : memref<16384xf32, #tpu.memory_space<vmem>> -> memref<2048xf32, #tpu.memory_space<vmem>>
        %parallel_loop3A_265 = tpu.vector_load_idx %parallel_loop3A_264[%parallel_loop3A_257] : memref<2048xf32, #tpu.memory_space<vmem>>[vector<16xi32>], vector<16xf32>,
        %parallel_loop3A_266 = arith.mulf %parallel_loop3A_259, %parallel_loop3A_265 : vector<16xf32>
        %parallel_loop3A_267 = arith.addf %parallel_loop3A_262, %parallel_loop3A_266 : vector<16xf32>
        %parallel_loop3A_268 = arith.constant 0 : i32
        %parallel_loop3A_269 = arith.constant 0 : i32
        %parallel_loop3A_270 = tpu.memref_slice %arg8[%parallel_loop3A_195, %parallel_loop3A_268, %parallel_loop3A_269] : memref<2x128x128xf32, #tpu.memory_space<vmem>> -> memref<1x128x128xf32, #tpu.memory_space<vmem>>
        %parallel_loop3A_271 = tpu.memref_squeeze %parallel_loop3A_270 : memref<1x128x128xf32, #tpu.memory_space<vmem>> -> memref<128x128xf32, #tpu.memory_space<vmem>>
        %parallel_loop3A_272 = arith.index_cast %parallel_loop3A_220 : i32 to index
        %parallel_loop3A_273 = arith.constant 16 : index
        %parallel_loop3A_274 = tpu.vector_load %parallel_loop3A_271[%parallel_loop3A_272, %parallel_loop3A_273] {strides = array<i32>} : memref<128x128xf32, #tpu.memory_space<vmem>>, vector<16xf32>,
        tpu.vector_store %parallel_loop3A_271[%parallel_loop3A_272, %parallel_loop3A_273], %parallel_loop3A_267 {strides = array<i32>} : memref<128x128xf32, #tpu.memory_space<vmem>>, vector<16xf32>,
        %parallel_loop3A_275 = arith.constant 0 : i32
        %parallel_loop3A_276 = arith.constant 0 : i32
        %parallel_loop3A_277 = tpu.memref_slice %arg7[%parallel_loop3A_194, %parallel_loop3A_275, %parallel_loop3A_276] : memref<2x128x128xf32, #tpu.memory_space<vmem>> -> memref<1x128x128xf32, #tpu.memory_space<vmem>>
        %parallel_loop3A_278 = tpu.memref_squeeze %parallel_loop3A_277 : memref<1x128x128xf32, #tpu.memory_space<vmem>> -> memref<128x128xf32, #tpu.memory_space<vmem>>
        %parallel_loop3A_279 = arith.index_cast %parallel_loop3A_220 : i32 to index
        %parallel_loop3A_280 = arith.constant 32 : index
        %parallel_loop3A_281 = tpu.vector_load %parallel_loop3A_278[%parallel_loop3A_279, %parallel_loop3A_280] {strides = array<i32>} : memref<128x128xf32, #tpu.memory_space<vmem>>, vector<16xf32>,
        %parallel_loop3A_282 = arith.mulf %parallel_loop3A_281, %get3A_39 : vector<16xf32>
        %parallel_loop3A_283 = arith.addf %parallel_loop3A_282, %add3A_45 : vector<16xf32>
        %parallel_loop3A_284 = arith.fptosi %parallel_loop3A_283 : vector<16xf32> to vector<16xi32>
        %parallel_loop3A_285 = arith.sitofp %parallel_loop3A_284 : vector<16xi32> to vector<16xf32>
        %parallel_loop3A_286 = arith.subf %parallel_loop3A_283, %parallel_loop3A_285 : vector<16xf32>
        %parallel_loop3A_287 = arith.constant 4096 : i32
        %parallel_loop3A_288 = tpu.memref_slice %arg9[%parallel_loop3A_287] : memref<16384xf32, #tpu.memory_space<vmem>> -> memref<2048xf32, #tpu.memory_space<vmem>>
        %parallel_loop3A_289 = tpu.vector_load_idx %parallel_loop3A_288[%parallel_loop3A_284] : memref<2048xf32, #tpu.memory_space<vmem>>[vector<16xi32>], vector<16xf32>,
        %parallel_loop3A_290 = arith.constant 4096 : i32
        %parallel_loop3A_291 = tpu.memref_slice %arg10[%parallel_loop3A_290] : memref<16384xf32, #tpu.memory_space<vmem>> -> memref<2048xf32, #tpu.memory_space<vmem>>
        %parallel_loop3A_292 = tpu.vector_load_idx %parallel_loop3A_291[%parallel_loop3A_284] : memref<2048xf32, #tpu.memory_space<vmem>>[vector<16xi32>], vector<16xf32>,
        %parallel_loop3A_293 = arith.mulf %parallel_loop3A_286, %parallel_loop3A_292 : vector<16xf32>
        %parallel_loop3A_294 = arith.addf %parallel_loop3A_289, %parallel_loop3A_293 : vector<16xf32>
        %parallel_loop3A_295 = arith.constant 0 : i32
        %parallel_loop3A_296 = arith.constant 0 : i32
        %parallel_loop3A_297 = tpu.memref_slice %arg8[%parallel_loop3A_195, %parallel_loop3A_295, %parallel_loop3A_296] : memref<2x128x128xf32, #tpu.memory_space<vmem>> -> memref<1x128x128xf32, #tpu.memory_space<vmem>>
        %parallel_loop3A_298 = tpu.memref_squeeze %parallel_loop3A_297 : memref<1x128x128xf32, #tpu.memory_space<vmem>> -> memref<128x128xf32, #tpu.memory_space<vmem>>
        %parallel_loop3A_299 = arith.index_cast %parallel_loop3A_220 : i32 to index
        %parallel_loop3A_300 = arith.constant 32 : index
        %parallel_loop3A_301 = tpu.vector_load %parallel_loop3A_298[%parallel_loop3A_299, %parallel_loop3A_300] {strides = array<i32>} : memref<128x128xf32, #tpu.memory_space<vmem>>, vector<16xf32>,
        tpu.vector_store %parallel_loop3A_298[%parallel_loop3A_299, %parallel_loop3A_300], %parallel_loop3A_294 {strides = array<i32>} : memref<128x128xf32, #tpu.memory_space<vmem>>, vector<16xf32>,
        %parallel_loop3A_302 = arith.constant 0 : i32
        %parallel_loop3A_303 = arith.constant 0 : i32
        %parallel_loop3A_304 = tpu.memref_slice %arg7[%parallel_loop3A_194, %parallel_loop3A_302, %parallel_loop3A_303] : memref<2x128x128xf32, #tpu.memory_space<vmem>> -> memref<1x128x128xf32, #tpu.memory_space<vmem>>
        %parallel_loop3A_305 = tpu.memref_squeeze %parallel_loop3A_304 : memref<1x128x128xf32, #tpu.memory_space<vmem>> -> memref<128x128xf32, #tpu.memory_space<vmem>>
        %parallel_loop3A_306 = arith.index_cast %parallel_loop3A_220 : i32 to index
        %parallel_loop3A_307 = arith.constant 48 : index
        %parallel_loop3A_308 = tpu.vector_load %parallel_loop3A_305[%parallel_loop3A_306, %parallel_loop3A_307] {strides = array<i32>} : memref<128x128xf32, #tpu.memory_space<vmem>>, vector<16xf32>,
        %parallel_loop3A_309 = arith.mulf %parallel_loop3A_308, %get3A_39 : vector<16xf32>
        %parallel_loop3A_310 = arith.addf %parallel_loop3A_309, %add3A_45 : vector<16xf32>
        %parallel_loop3A_311 = arith.fptosi %parallel_loop3A_310 : vector<16xf32> to vector<16xi32>
        %parallel_loop3A_312 = arith.sitofp %parallel_loop3A_311 : vector<16xi32> to vector<16xf32>
        %parallel_loop3A_313 = arith.subf %parallel_loop3A_310, %parallel_loop3A_312 : vector<16xf32>
        %parallel_loop3A_314 = arith.constant 6144 : i32
        %parallel_loop3A_315 = tpu.memref_slice %arg9[%parallel_loop3A_314] : memref<16384xf32, #tpu.memory_space<vmem>> -> memref<2048xf32, #tpu.memory_space<vmem>>
        %parallel_loop3A_316 = tpu.vector_load_idx %parallel_loop3A_315[%parallel_loop3A_311] : memref<2048xf32, #tpu.memory_space<vmem>>[vector<16xi32>], vector<16xf32>,
        %parallel_loop3A_317 = arith.constant 6144 : i32
        %parallel_loop3A_318 = tpu.memref_slice %arg10[%parallel_loop3A_317] : memref<16384xf32, #tpu.memory_space<vmem>> -> memref<2048xf32, #tpu.memory_space<vmem>>
        %parallel_loop3A_319 = tpu.vector_load_idx %parallel_loop3A_318[%parallel_loop3A_311] : memref<2048xf32, #tpu.memory_space<vmem>>[vector<16xi32>], vector<16xf32>,
        %parallel_loop3A_320 = arith.mulf %parallel_loop3A_313, %parallel_loop3A_319 : vector<16xf32>
        %parallel_loop3A_321 = arith.addf %parallel_loop3A_316, %parallel_loop3A_320 : vector<16xf32>
        %parallel_loop3A_322 = arith.constant 0 : i32
        %parallel_loop3A_323 = arith.constant 0 : i32
        %parallel_loop3A_324 = tpu.memref_slice %arg8[%parallel_loop3A_195, %parallel_loop3A_322, %parallel_loop3A_323] : memref<2x128x128xf32, #tpu.memory_space<vmem>> -> memref<1x128x128xf32, #tpu.memory_space<vmem>>
        %parallel_loop3A_325 = tpu.memref_squeeze %parallel_loop3A_324 : memref<1x128x128xf32, #tpu.memory_space<vmem>> -> memref<128x128xf32, #tpu.memory_space<vmem>>
        %parallel_loop3A_326 = arith.index_cast %parallel_loop3A_220 : i32 to index
        %parallel_loop3A_327 = arith.constant 48 : index
        %parallel_loop3A_328 = tpu.vector_load %parallel_loop3A_325[%parallel_loop3A_326, %parallel_loop3A_327] {strides = array<i32>} : memref<128x128xf32, #tpu.memory_space<vmem>>, vector<16xf32>,
        tpu.vector_store %parallel_loop3A_325[%parallel_loop3A_326, %parallel_loop3A_327], %parallel_loop3A_321 {strides = array<i32>} : memref<128x128xf32, #tpu.memory_space<vmem>>, vector<16xf32>,
        %parallel_loop3A_329 = arith.constant 0 : i32
        %parallel_loop3A_330 = arith.constant 0 : i32
        %parallel_loop3A_331 = tpu.memref_slice %arg7[%parallel_loop3A_194, %parallel_loop3A_329, %parallel_loop3A_330] : memref<2x128x128xf32, #tpu.memory_space<vmem>> -> memref<1x128x128xf32, #tpu.memory_space<vmem>>
        %parallel_loop3A_332 = tpu.memref_squeeze %parallel_loop3A_331 : memref<1x128x128xf32, #tpu.memory_space<vmem>> -> memref<128x128xf32, #tpu.memory_space<vmem>>
        %parallel_loop3A_333 = arith.index_cast %parallel_loop3A_220 : i32 to index
        %parallel_loop3A_334 = arith.constant 64 : index
        %parallel_loop3A_335 = tpu.vector_load %parallel_loop3A_332[%parallel_loop3A_333, %parallel_loop3A_334] {strides = array<i32>} : memref<128x128xf32, #tpu.memory_space<vmem>>, vector<16xf32>,
        %parallel_loop3A_336 = arith.mulf %parallel_loop3A_335, %get3A_39 : vector<16xf32>
        %parallel_loop3A_337 = arith.addf %parallel_loop3A_336, %add3A_45 : vector<16xf32>
        %parallel_loop3A_338 = arith.fptosi %parallel_loop3A_337 : vector<16xf32> to vector<16xi32>
        %parallel_loop3A_339 = arith.sitofp %parallel_loop3A_338 : vector<16xi32> to vector<16xf32>
        %parallel_loop3A_340 = arith.subf %parallel_loop3A_337, %parallel_loop3A_339 : vector<16xf32>
        %parallel_loop3A_341 = arith.constant 8192 : i32
        %parallel_loop3A_342 = tpu.memref_slice %arg9[%parallel_loop3A_341] : memref<16384xf32, #tpu.memory_space<vmem>> -> memref<2048xf32, #tpu.memory_space<vmem>>
        %parallel_loop3A_343 = tpu.vector_load_idx %parallel_loop3A_342[%parallel_loop3A_338] : memref<2048xf32, #tpu.memory_space<vmem>>[vector<16xi32>], vector<16xf32>,
        %parallel_loop3A_344 = arith.constant 8192 : i32
        %parallel_loop3A_345 = tpu.memref_slice %arg10[%parallel_loop3A_344] : memref<16384xf32, #tpu.memory_space<vmem>> -> memref<2048xf32, #tpu.memory_space<vmem>>
        %parallel_loop3A_346 = tpu.vector_load_idx %parallel_loop3A_345[%parallel_loop3A_338] : memref<2048xf32, #tpu.memory_space<vmem>>[vector<16xi32>], vector<16xf32>,
        %parallel_loop3A_347 = arith.mulf %parallel_loop3A_340, %parallel_loop3A_346 : vector<16xf32>
        %parallel_loop3A_348 = arith.addf %parallel_loop3A_343, %parallel_loop3A_347 : vector<16xf32>
        %parallel_loop3A_349 = arith.constant 0 : i32
        %parallel_loop3A_350 = arith.constant 0 : i32
        %parallel_loop3A_351 = tpu.memref_slice %arg8[%parallel_loop3A_195, %parallel_loop3A_349, %parallel_loop3A_350] : memref<2x128x128xf32, #tpu.memory_space<vmem>> -> memref<1x128x128xf32, #tpu.memory_space<vmem>>
        %parallel_loop3A_352 = tpu.memref_squeeze %parallel_loop3A_351 : memref<1x128x128xf32, #tpu.memory_space<vmem>> -> memref<128x128xf32, #tpu.memory_space<vmem>>
        %parallel_loop3A_353 = arith.index_cast %parallel_loop3A_220 : i32 to index
        %parallel_loop3A_354 = arith.constant 64 : index
        %parallel_loop3A_355 = tpu.vector_load %parallel_loop3A_352[%parallel_loop3A_353, %parallel_loop3A_354] {strides = array<i32>} : memref<128x128xf32, #tpu.memory_space<vmem>>, vector<16xf32>,
        tpu.vector_store %parallel_loop3A_352[%parallel_loop3A_353, %parallel_loop3A_354], %parallel_loop3A_348 {strides = array<i32>} : memref<128x128xf32, #tpu.memory_space<vmem>>, vector<16xf32>,
        %parallel_loop3A_356 = arith.constant 0 : i32
        %parallel_loop3A_357 = arith.constant 0 : i32
        %parallel_loop3A_358 = tpu.memref_slice %arg7[%parallel_loop3A_194, %parallel_loop3A_356, %parallel_loop3A_357] : memref<2x128x128xf32, #tpu.memory_space<vmem>> -> memref<1x128x128xf32, #tpu.memory_space<vmem>>
        %parallel_loop3A_359 = tpu.memref_squeeze %parallel_loop3A_358 : memref<1x128x128xf32, #tpu.memory_space<vmem>> -> memref<128x128xf32, #tpu.memory_space<vmem>>
        %parallel_loop3A_360 = arith.index_cast %parallel_loop3A_220 : i32 to index
        %parallel_loop3A_361 = arith.constant 80 : index
        %parallel_loop3A_362 = tpu.vector_load %parallel_loop3A_359[%parallel_loop3A_360, %parallel_loop3A_361] {strides = array<i32>} : memref<128x128xf32, #tpu.memory_space<vmem>>, vector<16xf32>,
        %parallel_loop3A_363 = arith.mulf %parallel_loop3A_362, %get3A_39 : vector<16xf32>
        %parallel_loop3A_364 = arith.addf %parallel_loop3A_363, %add3A_45 : vector<16xf32>
        %parallel_loop3A_365 = arith.fptosi %parallel_loop3A_364 : vector<16xf32> to vector<16xi32>
        %parallel_loop3A_366 = arith.sitofp %parallel_loop3A_365 : vector<16xi32> to vector<16xf32>
        %parallel_loop3A_367 = arith.subf %parallel_loop3A_364, %parallel_loop3A_366 : vector<16xf32>
        %parallel_loop3A_368 = arith.constant 10240 : i32
        %parallel_loop3A_369 = tpu.memref_slice %arg9[%parallel_loop3A_368] : memref<16384xf32, #tpu.memory_space<vmem>> -> memref<2048xf32, #tpu.memory_space<vmem>>
        %parallel_loop3A_370 = tpu.vector_load_idx %parallel_loop3A_369[%parallel_loop3A_365] : memref<2048xf32, #tpu.memory_space<vmem>>[vector<16xi32>], vector<16xf32>,
        %parallel_loop3A_371 = arith.constant 10240 : i32
        %parallel_loop3A_372 = tpu.memref_slice %arg10[%parallel_loop3A_371] : memref<16384xf32, #tpu.memory_space<vmem>> -> memref<2048xf32, #tpu.memory_space<vmem>>
        %parallel_loop3A_373 = tpu.vector_load_idx %parallel_loop3A_372[%parallel_loop3A_365] : memref<2048xf32, #tpu.memory_space<vmem>>[vector<16xi32>], vector<16xf32>,
        %parallel_loop3A_374 = arith.mulf %parallel_loop3A_367, %parallel_loop3A_373 : vector<16xf32>
        %parallel_loop3A_375 = arith.addf %parallel_loop3A_370, %parallel_loop3A_374 : vector<16xf32>
        %parallel_loop3A_376 = arith.constant 0 : i32
        %parallel_loop3A_377 = arith.constant 0 : i32
        %parallel_loop3A_378 = tpu.memref_slice %arg8[%parallel_loop3A_195, %parallel_loop3A_376, %parallel_loop3A_377] : memref<2x128x128xf32, #tpu.memory_space<vmem>> -> memref<1x128x128xf32, #tpu.memory_space<vmem>>
        %parallel_loop3A_379 = tpu.memref_squeeze %parallel_loop3A_378 : memref<1x128x128xf32, #tpu.memory_space<vmem>> -> memref<128x128xf32, #tpu.memory_space<vmem>>
        %parallel_loop3A_380 = arith.index_cast %parallel_loop3A_220 : i32 to index
        %parallel_loop3A_381 = arith.constant 80 : index
        %parallel_loop3A_382 = tpu.vector_load %parallel_loop3A_379[%parallel_loop3A_380, %parallel_loop3A_381] {strides = array<i32>} : memref<128x128xf32, #tpu.memory_space<vmem>>, vector<16xf32>,
        tpu.vector_store %parallel_loop3A_379[%parallel_loop3A_380, %parallel_loop3A_381], %parallel_loop3A_375 {strides = array<i32>} : memref<128x128xf32, #tpu.memory_space<vmem>>, vector<16xf32>,
        %parallel_loop3A_383 = arith.constant 0 : i32
        %parallel_loop3A_384 = arith.constant 0 : i32
        %parallel_loop3A_385 = tpu.memref_slice %arg7[%parallel_loop3A_194, %parallel_loop3A_383, %parallel_loop3A_384] : memref<2x128x128xf32, #tpu.memory_space<vmem>> -> memref<1x128x128xf32, #tpu.memory_space<vmem>>
        %parallel_loop3A_386 = tpu.memref_squeeze %parallel_loop3A_385 : memref<1x128x128xf32, #tpu.memory_space<vmem>> -> memref<128x128xf32, #tpu.memory_space<vmem>>
        %parallel_loop3A_387 = arith.index_cast %parallel_loop3A_220 : i32 to index
        %parallel_loop3A_388 = arith.constant 96 : index
        %parallel_loop3A_389 = tpu.vector_load %parallel_loop3A_386[%parallel_loop3A_387, %parallel_loop3A_388] {strides = array<i32>} : memref<128x128xf32, #tpu.memory_space<vmem>>, vector<16xf32>,
        %parallel_loop3A_390 = arith.mulf %parallel_loop3A_389, %get3A_39 : vector<16xf32>
        %parallel_loop3A_391 = arith.addf %parallel_loop3A_390, %add3A_45 : vector<16xf32>
        %parallel_loop3A_392 = arith.fptosi %parallel_loop3A_391 : vector<16xf32> to vector<16xi32>
        %parallel_loop3A_393 = arith.sitofp %parallel_loop3A_392 : vector<16xi32> to vector<16xf32>
        %parallel_loop3A_394 = arith.subf %parallel_loop3A_391, %parallel_loop3A_393 : vector<16xf32>
        %parallel_loop3A_395 = arith.constant 12288 : i32
        %parallel_loop3A_396 = tpu.memref_slice %arg9[%parallel_loop3A_395] : memref<16384xf32, #tpu.memory_space<vmem>> -> memref<2048xf32, #tpu.memory_space<vmem>>
        %parallel_loop3A_397 = tpu.vector_load_idx %parallel_loop3A_396[%parallel_loop3A_392] : memref<2048xf32, #tpu.memory_space<vmem>>[vector<16xi32>], vector<16xf32>,
        %parallel_loop3A_398 = arith.constant 12288 : i32
        %parallel_loop3A_399 = tpu.memref_slice %arg10[%parallel_loop3A_398] : memref<16384xf32, #tpu.memory_space<vmem>> -> memref<2048xf32, #tpu.memory_space<vmem>>
        %parallel_loop3A_400 = tpu.vector_load_idx %parallel_loop3A_399[%parallel_loop3A_392] : memref<2048xf32, #tpu.memory_space<vmem>>[vector<16xi32>], vector<16xf32>,
        %parallel_loop3A_401 = arith.mulf %parallel_loop3A_394, %parallel_loop3A_400 : vector<16xf32>
        %parallel_loop3A_402 = arith.addf %parallel_loop3A_397, %parallel_loop3A_401 : vector<16xf32>
        %parallel_loop3A_403 = arith.constant 0 : i32
        %parallel_loop3A_404 = arith.constant 0 : i32
        %parallel_loop3A_405 = tpu.memref_slice %arg8[%parallel_loop3A_195, %parallel_loop3A_403, %parallel_loop3A_404] : memref<2x128x128xf32, #tpu.memory_space<vmem>> -> memref<1x128x128xf32, #tpu.memory_space<vmem>>
        %parallel_loop3A_406 = tpu.memref_squeeze %parallel_loop3A_405 : memref<1x128x128xf32, #tpu.memory_space<vmem>> -> memref<128x128xf32, #tpu.memory_space<vmem>>
        %parallel_loop3A_407 = arith.index_cast %parallel_loop3A_220 : i32 to index
        %parallel_loop3A_408 = arith.constant 96 : index
        %parallel_loop3A_409 = tpu.vector_load %parallel_loop3A_406[%parallel_loop3A_407, %parallel_loop3A_408] {strides = array<i32>} : memref<128x128xf32, #tpu.memory_space<vmem>>, vector<16xf32>,
        tpu.vector_store %parallel_loop3A_406[%parallel_loop3A_407, %parallel_loop3A_408], %parallel_loop3A_402 {strides = array<i32>} : memref<128x128xf32, #tpu.memory_space<vmem>>, vector<16xf32>,
        %parallel_loop3A_410 = arith.constant 0 : i32
        %parallel_loop3A_411 = arith.constant 0 : i32
        %parallel_loop3A_412 = tpu.memref_slice %arg7[%parallel_loop3A_194, %parallel_loop3A_410, %parallel_loop3A_411] : memref<2x128x128xf32, #tpu.memory_space<vmem>> -> memref<1x128x128xf32, #tpu.memory_space<vmem>>
        %parallel_loop3A_413 = tpu.memref_squeeze %parallel_loop3A_412 : memref<1x128x128xf32, #tpu.memory_space<vmem>> -> memref<128x128xf32, #tpu.memory_space<vmem>>
        %parallel_loop3A_414 = arith.index_cast %parallel_loop3A_220 : i32 to index
        %parallel_loop3A_415 = arith.constant 112 : index
        %parallel_loop3A_416 = tpu.vector_load %parallel_loop3A_413[%parallel_loop3A_414, %parallel_loop3A_415] {strides = array<i32>} : memref<128x128xf32, #tpu.memory_space<vmem>>, vector<16xf32>,
        %parallel_loop3A_417 = arith.mulf %parallel_loop3A_416, %get3A_39 : vector<16xf32>
        %parallel_loop3A_418 = arith.addf %parallel_loop3A_417, %add3A_45 : vector<16xf32>
        %parallel_loop3A_419 = arith.fptosi %parallel_loop3A_418 : vector<16xf32> to vector<16xi32>
        %parallel_loop3A_420 = arith.sitofp %parallel_loop3A_419 : vector<16xi32> to vector<16xf32>
        %parallel_loop3A_421 = arith.subf %parallel_loop3A_418, %parallel_loop3A_420 : vector<16xf32>
        %parallel_loop3A_422 = arith.constant 14336 : i32
        %parallel_loop3A_423 = tpu.memref_slice %arg9[%parallel_loop3A_422] : memref<16384xf32, #tpu.memory_space<vmem>> -> memref<2048xf32, #tpu.memory_space<vmem>>
        %parallel_loop3A_424 = tpu.vector_load_idx %parallel_loop3A_423[%parallel_loop3A_419] : memref<2048xf32, #tpu.memory_space<vmem>>[vector<16xi32>], vector<16xf32>,
        %parallel_loop3A_425 = arith.constant 14336 : i32
        %parallel_loop3A_426 = tpu.memref_slice %arg10[%parallel_loop3A_425] : memref<16384xf32, #tpu.memory_space<vmem>> -> memref<2048xf32, #tpu.memory_space<vmem>>
        %parallel_loop3A_427 = tpu.vector_load_idx %parallel_loop3A_426[%parallel_loop3A_419] : memref<2048xf32, #tpu.memory_space<vmem>>[vector<16xi32>], vector<16xf32>,
        %parallel_loop3A_428 = arith.mulf %parallel_loop3A_421, %parallel_loop3A_427 : vector<16xf32>
        %parallel_loop3A_429 = arith.addf %parallel_loop3A_424, %parallel_loop3A_428 : vector<16xf32>
        %parallel_loop3A_430 = arith.constant 0 : i32
        %parallel_loop3A_431 = arith.constant 0 : i32
        %parallel_loop3A_432 = tpu.memref_slice %arg8[%parallel_loop3A_195, %parallel_loop3A_430, %parallel_loop3A_431] : memref<2x128x128xf32, #tpu.memory_space<vmem>> -> memref<1x128x128xf32, #tpu.memory_space<vmem>>
        %parallel_loop3A_433 = tpu.memref_squeeze %parallel_loop3A_432 : memref<1x128x128xf32, #tpu.memory_space<vmem>> -> memref<128x128xf32, #tpu.memory_space<vmem>>
        %parallel_loop3A_434 = arith.index_cast %parallel_loop3A_220 : i32 to index
        %parallel_loop3A_435 = arith.constant 112 : index
        %parallel_loop3A_436 = tpu.vector_load %parallel_loop3A_433[%parallel_loop3A_434, %parallel_loop3A_435] {strides = array<i32>} : memref<128x128xf32, #tpu.memory_space<vmem>>, vector<16xf32>,
        tpu.vector_store %parallel_loop3A_433[%parallel_loop3A_434, %parallel_loop3A_435], %parallel_loop3A_429 {strides = array<i32>} : memref<128x128xf32, #tpu.memory_space<vmem>>, vector<16xf32>,
      } {sc.loop_unroll_factor = 4 : i64, sc.parallel_access}
      %mul3A_196 = arith.constant 128 : i32
      %mul3A_197 = arith.muli %add3A_168, %mul3A_196 : i32
      %add3A_198 = arith.addi %mul3A_34, %mul3A_197 : i32
      %dma_start3A_199 = arith.constant 1 : i32
      %dma_start3A_200 = arith.constant 1 : i32
      %dma_start3A_201 = arith.constant 0 : i32
      %dma_start3A_202 = arith.constant 0 : i32
      %dma_start3A_203 = tpu.memref_slice %arg8[%dma_start3A_199, %dma_start3A_201, %dma_start3A_202] : memref<2x128x128xf32, #tpu.memory_space<vmem>> -> memref<1x128x128xf32, #tpu.memory_space<vmem>>
      %dma_start3A_204 = tpu.memref_squeeze %dma_start3A_203 : memref<1x128x128xf32, #tpu.memory_space<vmem>> -> memref<128x128xf32, #tpu.memory_space<vmem>>
      %dma_start3A_205 = tpu.memref_slice %arg6[%add3A_198, %mul3A_32] : memref<16384x2048xf32, #tpu.memory_space<hbm>> -> memref<128x128xf32, #tpu.memory_space<hbm>>
      %dma_start3A_206 = tpu.memref_slice %arg13[%dma_start3A_200] : memref<2x!tpu.dma_semaphore, #tpu.memory_space<semaphore_mem>> -> memref<1x!tpu.dma_semaphore, #tpu.memory_space<semaphore_mem>>
      %dma_start3A_207 = tpu.memref_squeeze %dma_start3A_206 : memref<1x!tpu.dma_semaphore, #tpu.memory_space<semaphore_mem>> -> memref<!tpu.dma_semaphore, #tpu.memory_space<semaphore_mem>>
      %dma_start3A_208 = tpu.memref_slice %arg6[%add3A_198, %mul3A_32] : memref<16384x2048xf32, #tpu.memory_space<hbm>> -> memref<128x128xf32, #tpu.memory_space<hbm>>
      %dma_start3A_209 = arith.constant 0 : i32
      %dma_start3A_210 = arith.constant 0 : i32
      %dma_start3A_211 = tpu.memref_slice %arg8[%dma_start3A_199, %dma_start3A_209, %dma_start3A_210] : memref<2x128x128xf32, #tpu.memory_space<vmem>> -> memref<1x128x128xf32, #tpu.memory_space<vmem>>
      %dma_start3A_212 = tpu.memref_squeeze %dma_start3A_211 : memref<1x128x128xf32, #tpu.memory_space<vmem>> -> memref<128x128xf32, #tpu.memory_space<vmem>>
      tpu.enqueue_dma source(%dma_start3A_212 : memref<128x128xf32, #tpu.memory_space<vmem>>) target(%dma_start3A_208 : memref<128x128xf32, #tpu.memory_space<hbm>>) target_semaphore(%dma_start3A_207 : memref<!tpu.dma_semaphore, #tpu.memory_space<semaphore_mem>>)
      %add3A_213 = arith.constant 2 : i32
      %add3A_214 = arith.addi %add3A_168, %add3A_213 : i32
      %lt3A_215 = arith.constant 64 : i32
      %lt3A_216 = arith.cmpi slt, %add3A_214, %lt3A_215 : i32
      %convert_element_type3A_217 = arith.extui %lt3A_216 : i1 to i32
      %cond3A_218 = arith.constant 0 : i32
      %cond3A_219 = arith.cmpi ne, %convert_element_type3A_217, %cond3A_218 : i32
      scf.if %cond3A_219 {
        %add3A_220 = arith.constant 2 : i32
        %add3A_221 = arith.addi %add3A_168, %add3A_220 : i32
        %mul3A_222 = arith.constant 128 : i32
        %mul3A_223 = arith.muli %add3A_221, %mul3A_222 : i32
        %add3A_224 = arith.addi %mul3A_34, %mul3A_223 : i32
        %dma_start3A_225 = arith.constant 1 : i32
        %dma_start3A_226 = arith.constant 1 : i32
        %dma_start3A_227 = arith.constant 0 : i32
        %dma_start3A_228 = arith.constant 0 : i32
        %dma_start3A_229 = tpu.memref_slice %arg7[%dma_start3A_225, %dma_start3A_227, %dma_start3A_228] : memref<2x128x128xf32, #tpu.memory_space<vmem>> -> memref<1x128x128xf32, #tpu.memory_space<vmem>>
        %dma_start3A_230 = tpu.memref_squeeze %dma_start3A_229 : memref<1x128x128xf32, #tpu.memory_space<vmem>> -> memref<128x128xf32, #tpu.memory_space<vmem>>
        %dma_start3A_231 = tpu.memref_slice %arg2[%add3A_224, %mul3A_32] : memref<16384x2048xf32, #tpu.memory_space<hbm>> -> memref<128x128xf32, #tpu.memory_space<hbm>>
        %dma_start3A_232 = tpu.memref_slice %arg12[%dma_start3A_226] : memref<2x!tpu.dma_semaphore, #tpu.memory_space<semaphore_mem>> -> memref<1x!tpu.dma_semaphore, #tpu.memory_space<semaphore_mem>>
        %dma_start3A_233 = tpu.memref_squeeze %dma_start3A_232 : memref<1x!tpu.dma_semaphore, #tpu.memory_space<semaphore_mem>> -> memref<!tpu.dma_semaphore, #tpu.memory_space<semaphore_mem>>
        %dma_start3A_234 = arith.constant 0 : i32
        %dma_start3A_235 = arith.constant 0 : i32
        %dma_start3A_236 = tpu.memref_slice %arg7[%dma_start3A_225, %dma_start3A_234, %dma_start3A_235] : memref<2x128x128xf32, #tpu.memory_space<vmem>> -> memref<1x128x128xf32, #tpu.memory_space<vmem>>
        %dma_start3A_237 = tpu.memref_squeeze %dma_start3A_236 : memref<1x128x128xf32, #tpu.memory_space<vmem>> -> memref<128x128xf32, #tpu.memory_space<vmem>>
        %dma_start3A_238 = tpu.memref_slice %arg2[%add3A_224, %mul3A_32] : memref<16384x2048xf32, #tpu.memory_space<hbm>> -> memref<128x128xf32, #tpu.memory_space<hbm>>
        tpu.enqueue_dma source(%dma_start3A_238 : memref<128x128xf32, #tpu.memory_space<hbm>>) target(%dma_start3A_237 : memref<128x128xf32, #tpu.memory_space<vmem>>) target_semaphore(%dma_start3A_233 : memref<!tpu.dma_semaphore, #tpu.memory_space<semaphore_mem>>)
      } else {
      }
    }
    %scan3A_80 = arith.constant 32 : i32
    %add3A_81 = arith.constant 7936 : i32
    %add3A_82 = arith.addi %mul3A_34, %add3A_81 : i32
    %dma_wait3A = arith.constant 0 : i32
    %dma_wait3A_83 = arith.constant 0 : i32
    %dma_wait3A_84 = arith.constant 0 : i32
    %dma_wait3A_85 = arith.constant 0 : i32
    %dma_wait3A_86 = tpu.memref_slice %arg8[%dma_wait3A, %dma_wait3A_84, %dma_wait3A_85] : memref<2x128x128xf32, #tpu.memory_space<vmem>> -> memref<1x128x128xf32, #tpu.memory_space<vmem>>
    %dma_wait3A_87 = tpu.memref_squeeze %dma_wait3A_86 : memref<1x128x128xf32, #tpu.memory_space<vmem>> -> memref<128x128xf32, #tpu.memory_space<vmem>>
    %dma_wait3A_88 = tpu.memref_slice %arg6[%add3A_82, %mul3A_32] : memref<16384x2048xf32, #tpu.memory_space<hbm>> -> memref<128x128xf32, #tpu.memory_space<hbm>>
    %dma_wait3A_89 = tpu.memref_slice %arg13[%dma_wait3A_83] : memref<2x!tpu.dma_semaphore, #tpu.memory_space<semaphore_mem>> -> memref<1x!tpu.dma_semaphore, #tpu.memory_space<semaphore_mem>>
    %dma_wait3A_90 = tpu.memref_squeeze %dma_wait3A_89 : memref<1x!tpu.dma_semaphore, #tpu.memory_space<semaphore_mem>> -> memref<!tpu.dma_semaphore, #tpu.memory_space<semaphore_mem>>
    %dma_wait3A_91 = tpu.memref_slice %arg6[%add3A_82, %mul3A_32] : memref<16384x2048xf32, #tpu.memory_space<hbm>> -> memref<128x128xf32, #tpu.memory_space<hbm>>
    %dma_wait3A_92 = arith.constant 0 : i32
    %dma_wait3A_93 = arith.constant 0 : i32
    %dma_wait3A_94 = tpu.memref_slice %arg8[%dma_wait3A, %dma_wait3A_92, %dma_wait3A_93] : memref<2x128x128xf32, #tpu.memory_space<vmem>> -> memref<1x128x128xf32, #tpu.memory_space<vmem>>
    %dma_wait3A_95 = tpu.memref_squeeze %dma_wait3A_94 : memref<1x128x128xf32, #tpu.memory_space<vmem>> -> memref<128x128xf32, #tpu.memory_space<vmem>>
    tpu.wait_dma2 semaphore(%dma_wait3A_90 : memref<!tpu.dma_semaphore, #tpu.memory_space<semaphore_mem>>) src(%dma_wait3A_95 : memref<128x128xf32, #tpu.memory_space<vmem>>) dst(%dma_wait3A_91 : memref<128x128xf32, #tpu.memory_space<hbm>>)
    %add3A_96 = arith.constant 8064 : i32
    %add3A_97 = arith.addi %mul3A_34, %add3A_96 : i32
    %dma_wait3A_98 = arith.constant 1 : i32
    %dma_wait3A_99 = arith.constant 1 : i32
    %dma_wait3A_100 = arith.constant 0 : i32
    %dma_wait3A_101 = arith.constant 0 : i32
    %dma_wait3A_102 = tpu.memref_slice %arg8[%dma_wait3A_98, %dma_wait3A_100, %dma_wait3A_101] : memref<2x128x128xf32, #tpu.memory_space<vmem>> -> memref<1x128x128xf32, #tpu.memory_space<vmem>>
    %dma_wait3A_103 = tpu.memref_squeeze %dma_wait3A_102 : memref<1x128x128xf32, #tpu.memory_space<vmem>> -> memref<128x128xf32, #tpu.memory_space<vmem>>
    %dma_wait3A_104 = tpu.memref_slice %arg6[%add3A_97, %mul3A_32] : memref<16384x2048xf32, #tpu.memory_space<hbm>> -> memref<128x128xf32, #tpu.memory_space<hbm>>
    %dma_wait3A_105 = tpu.memref_slice %arg13[%dma_wait3A_99] : memref<2x!tpu.dma_semaphore, #tpu.memory_space<semaphore_mem>> -> memref<1x!tpu.dma_semaphore, #tpu.memory_space<semaphore_mem>>
    %dma_wait3A_106 = tpu.memref_squeeze %dma_wait3A_105 : memref<1x!tpu.dma_semaphore, #tpu.memory_space<semaphore_mem>> -> memref<!tpu.dma_semaphore, #tpu.memory_space<semaphore_mem>>
    %dma_wait3A_107 = tpu.memref_slice %arg6[%add3A_97, %mul3A_32] : memref<16384x2048xf32, #tpu.memory_space<hbm>> -> memref<128x128xf32, #tpu.memory_space<hbm>>
    %dma_wait3A_108 = arith.constant 0 : i32
    %dma_wait3A_109 = arith.constant 0 : i32
    %dma_wait3A_110 = tpu.memref_slice %arg8[%dma_wait3A_98, %dma_wait3A_108, %dma_wait3A_109] : memref<2x128x128xf32, #tpu.memory_space<vmem>> -> memref<1x128x128xf32, #tpu.memory_space<vmem>>
    %dma_wait3A_111 = tpu.memref_squeeze %dma_wait3A_110 : memref<1x128x128xf32, #tpu.memory_space<vmem>> -> memref<128x128xf32, #tpu.memory_space<vmem>>
    tpu.wait_dma2 semaphore(%dma_wait3A_106 : memref<!tpu.dma_semaphore, #tpu.memory_space<semaphore_mem>>) src(%dma_wait3A_111 : memref<128x128xf32, #tpu.memory_space<vmem>>) dst(%dma_wait3A_107 : memref<128x128xf32, #tpu.memory_space<hbm>>)
    return
  }
}

</mosaic_0001>

<sc_bundles>
// kernel: kernel.3.cloned.1.call-start
scs
__scs_entry_jumppad:
0x0: {  	(pc) =	sbr.rel $0x88, $3  }
0x1: {  	(tag) =	ssettag $0x0;
	lr =	simm.s32 $0x1  }
0x2: {  	[smem:$0x3F9E] =	sst lr;
	_ =	strace $0xD0000000  }
0x3: {  	_ = 	snop  }
0x4: {  	_ = 	snop  }
0x5: {  	_ = 	snop  }
0x6: {  	_ = 	snop  }
0x7: {  	_ = 	snop  }
__scs_overlays_trampoline_lowered:
0x8: {  	[smem:$0x3FAD] =	sst s0  }
0x9: {  	[smem:$0x3FAE] =	sst s1  }
0xa: {  	[smem:$0x3FAF] =	sst s2  }
0xb: {  	[smem:$0x3FB0] =	sst s3  }
0xc: {  	[smem:$0x3FB1] =	sst s4  }
0xd: {  	[smem:$0x3FB2] =	sst s5  }
0xe: {  	[smem:$0x3FB3] =	sst s6  }
0xf: {  	[smem:$0x3FB4] =	sst s7  }
0x10: {  	[smem:$0x3FB5] =	sst s8  }
0x11: {  	[smem:$0x3FB6] =	sst s9;
	s0 =	simm.s32 @!p0 $0x0  }
0x12: {  	s1 =	sld [smem:$0x3F9C];
	s0 =	simm.s32 @p0 $0x1  }
0x13: {  	[smem:$0x3FB7] =	sst s0;
	s0 =	simm.s32 @!p1 $0x0  }
0x14: {  	s2 =	sld [smem:$0x3F9B];
	s0 =	simm.s32 @p1 $0x1  }
0x15: {  	[smem:$0x3FB8] =	sst s0;
	s0 =	simm.s32 @!p2 $0x0  }
0x16: {  	s3 =	sld [smem:$0x3FDB];
	s0 =	simm.s32 @p2 $0x1  }
0x17: {  	s4 =	simm.s32 $0x1BF5;
	[smem:$0x3FBA] =	sst s0  }
0x18: {  	s0 =	sld [smem:$0x3F9D];
	_ =	swait.ge [sflag:s4], $0x0  }
0x19: {  	s7 =	sld [smem:$0x3F9E]  }
0x1a: {  	s8 =	sadd.s32 $0xFFFFE003, lr  }
0x1b: {  	s9 =	sadd.s32 $0xFFFFFEF7, lr;
	s5 =	simm.s32 $0xFFFFFFFF;
	p2 =	slt.u32 s8, $0xFFFFF086  }
0x1c: {  	p1 =	slt.u32 s9, $0xF7A;
	s5 =	simm.s32 @!p2 $0x0  }
0x1d: {  	s5 =	simm.s32 @p1 $0x1;
	p0 =	seq.s32 s7, s2  }
0x1e: {  	s7 =	smul.u32 @!p0 $0xF7A, s2;
	p2 =	seq.s32 @!p0 s5, $0x0  }
0x1f: {  	s9 =	smul.u32 $0xF7A, s1;
	s8 =	simm.s32 @!p0 $0x1BF5;
	p2 =	por !p2, p0  }
0x20: {  	[sflag:s8] =	ssyncset.s32 @!p0 $0xFFFFF086;
	s6 =	sadd.s32 @!p0 s3, s7;
	s7 =	simm.s32 @!p0 $0x108  }
0x21: {  	s3 =	sadd.s32 s3, s9;
	s6 =	sadd.s32 @!p0 $0x88, s6;
	s7 =	simm.s32 @p2 $0x1082  }
0x22: {  	[simem:s7], [sflag:s8] =	dma.local @!p0 [hbm:s6], $0xF7A  }
0x23: {  	s9 =	sor.u32 $0xD0000000, s2;
	s6 =	simm.s32 $0x108;
	_ =	swait.ge @!p0 [sflag:s8], $0x0  }
0x24: {  	s3 =	sadd.s32 $0x88, s3;
	s6 =	simm.s32 @!p1 $0x1082;
	[sflag:s4] =	ssyncset.s32 $0xFFFFF086  }
0x25: {  	[simem:s6], [sflag:s4] =	dma.local [hbm:s3], $0xF7A  }
0x26: {  	[smem:$0x3F9E] =	sst s1;
	(tag) =	ssettag s2;
	_ =	strace s9  }
0x27: {  	s1 =	sld [smem:$0x3FAE]  }
0x28: {  	s2 =	sld [smem:$0x3FAF]  }
0x29: {  	s4 =	sld [smem:$0x3FB1]  }
0x2a: {  	p0 =	seq.s32 s5, $0x0;
	s5 =	sld [smem:$0x3FB2]  }
0x2b: {  	s6 =	sld [smem:$0x3FB3]  }
0x2c: {  	s7 =	sld [smem:$0x3FB4]  }
0x2d: {  	s3 =	simm.s32 $0x108;
	s8 =	sld [smem:$0x3FB5]  }
0x2e: {  	s3 =	simm.s32 @!p0 $0x1082;
	s9 =	sld [smem:$0x3FB6]  }
0x2f: {  	lr =	sadd.s32 s0, s3;
	s0 =	sld [smem:$0x3FAD]  }
0x30: {  	s3 =	sld [smem:$0x3FB0]  }
0x31: {  	[smem:$0x3FB9] =	sst s10  }
0x32: {  	s10 =	sld [smem:$0x3FB7];
	_ =	sdelay $0x3  }
0x33: {  	p0 =	seq.s32 s10, $0x1;
	s10 =	sld [smem:$0x3FB9];
	_ =	sdelay $0x3  }
0x34: {  	[smem:$0x3FB9] =	sst s10  }
0x35: {  	s10 =	sld [smem:$0x3FB8];
	_ =	sdelay $0x3  }
0x36: {  	p1 =	seq.s32 s10, $0x1;
	s10 =	sld [smem:$0x3FB9];
	_ =	sdelay $0x3  }
0x37: {  	[smem:$0x3FB9] =	sst s10  }
0x38: {  	s10 =	sld [smem:$0x3FBA]  }
0x39: {  	_ = 	snop;
	(pc) =	sbr.ind lr, $3  }
0x3a: {  	_ = 	snop  }
0x3b: {  	_ = 	snop  }
0x3c: {  	p2 =	seq.s32 s10, $0x1;
	s10 =	sld [smem:$0x3FB9]  }
0x3d: {  	_ =	shalt  }
0x3e: {  	_ =	shalt  }
0x3f: {  	_ =	shalt  }
0x40: {  	_ =	shalt  }
0x41: {  	_ =	shalt  }
0x42: {  	_ =	shalt  }
0x43: {  	_ =	shalt  }
0x44: {  	_ =	shalt  }
0x45: {  	_ =	shalt  }
0x46: {  	_ =	shalt  }
0x47: {  	_ =	shalt  }
0x48: {  	_ =	shalt  }
0x49: {  	_ =	shalt  }
0x4a: {  	_ =	shalt  }
0x4b: {  	_ =	shalt  }
0x4c: {  	_ =	shalt  }
0x4d: {  	_ =	shalt  }
0x4e: {  	_ =	shalt  }
0x4f: {  	_ =	shalt  }
0x50: {  	_ =	shalt  }
0x51: {  	_ =	shalt  }
0x52: {  	_ =	shalt  }
0x53: {  	_ =	shalt  }
0x54: {  	_ =	shalt  }
0x55: {  	_ =	shalt  }
0x56: {  	_ =	shalt  }
0x57: {  	_ =	shalt  }
0x58: {  	_ =	shalt  }
0x59: {  	_ =	shalt  }
0x5a: {  	_ =	shalt  }
0x5b: {  	_ =	shalt  }
0x5c: {  	_ =	shalt  }
0x5d: {  	_ =	shalt  }
0x5e: {  	_ =	shalt  }
0x5f: {  	_ =	shalt  }
0x60: {  	_ =	shalt  }
0x61: {  	_ =	shalt  }
0x62: {  	_ =	shalt  }
0x63: {  	_ =	shalt  }
0x64: {  	_ =	shalt  }
0x65: {  	_ =	shalt  }
0x66: {  	_ =	shalt  }
0x67: {  	_ =	shalt  }
0x68: {  	_ =	shalt  }
0x69: {  	_ =	shalt  }
0x6a: {  	_ =	shalt  }
0x6b: {  	_ =	shalt  }
0x6c: {  	_ =	shalt  }
0x6d: {  	_ =	shalt  }
0x6e: {  	_ =	shalt  }
0x6f: {  	_ =	shalt  }
0x70: {  	_ =	shalt  }
0x71: {  	_ =	shalt  }
0x72: {  	_ =	shalt  }
0x73: {  	_ =	shalt  }
0x74: {  	_ =	shalt  }
0x75: {  	_ =	shalt  }
0x76: {  	_ =	shalt  }
0x77: {  	_ =	shalt  }
0x78: {  	_ =	shalt  }
0x79: {  	_ =	shalt  }
0x7a: {  	_ =	shalt  }
0x7b: {  	_ =	shalt  }
0x7c: {  	_ =	shalt  }
0x7d: {  	_ =	shalt  }
0x7e: {  	_ =	shalt  }
0x7f: {  	_ =	shalt  }
0x80: {  	_ =	shalt  }
0x81: {  	_ =	shalt  }
0x82: {  	_ =	shalt  }
0x83: {  	_ =	shalt  }
0x84: {  	_ =	shalt  }
0x85: {  	_ =	shalt  }
0x86: {  	_ =	shalt  }
0x87: {  	_ =	shalt  }
.Lfunc_end0:
.L_simem_size_0:
called_computation_lowered:
.L_overlay_start_0:
0x88: {  	s2 =	sld [smem:$0x3FD9]  }
0x89: {  	s3 =	sld [smem:$0x3FFE];
	_ =	sdelay $0x1  }
0x8a: {  	s1 =	srdreg.scid  }
0x8b: {  	s0 =	sand.u32 $0x1, s1  }
0x8c: {  	s17 =	sshll.u32 s0, $0xA;
	s2 =	sadd.s32 s3, s2  }
0x8d: {  	s2 =	sadd.s32 s2, s17  }
0x8e: {  	[smem:$0x3FC5] =	sst s2  }
0x8f: {  	_ = 	snop  }
0x90: {  	s2 =	sld [smem:$0x3FC9]  }
0x91: {  	s18 =	sld [smem:$0x3FC8]  }
0x92: {  	s4 =	sld [smem:$0x3FD0];
	(tm) =	ssettm $0x1  }
0x93: {  	s5 =	sld [smem:$0x3FFB];
	_ =	sdelay $0x3  }
0x94: {  	_ =	strace s5  }
0x95: {  	s5 =	sld [smem:$0x3FFC];
	_ =	sdelay $0x3  }
0x96: {  	_ =	strace s5  }
0x97: {  	s5 =	sld [smem:$0x3FFD];
	_ =	sdelay $0x3  }
0x98: {  	_ =	strace s5  }
0x99: {  	_ =	strace $0x8FFFFFFF  }
0x9a: {  	s19 =	sld [smem:$0x3FDB];
	_ =	sdelay $0x1  }
0x9b: {  	s6 =	simm.s32 $_scs_section_size  }
0x9c: {  	s7 =	simm.s32 $_size__tile_overlayer_lowered;
	s8 =	simm.s32 $_tile_overlayer_lowered  }
0x9d: {  	s22 =	simm.s32 $0x1BFF;
	s21 =	sshll.u32 s8, $0x1;
	s5 =	sadd.s32 s6, s19  }
0x9e: {  	s9 =	simm.s32 $0x0;
	s20 =	sshll.u32 s7, $0x1;
	s7 =	sadd.s32 s21, s5  }
0x9f: {  	[timem:s9], [sflag:s22] =	dma.local [hbm:s7], s20  }
0xa0: {  	_ =	swait.ge [sflag:s22], s20  }
0xa1: {  	s6 =	ssub.s32 $0x0, s20;
	[sflag:s22] =	ssyncset.done $0x0  }
0xa2: {  	[sflag:s22] =	ssyncadd.s32 s6;
	_ =	sdelay $0x1  }
0xa3: {  	s23 =	simm.s32 $0x1B8B  }
0xa4: {  	_ =	swait.ge [sflag:s23], $0x1  }
0xa5: {  	[sflag:s23] =	ssyncset.done $0x0  }
0xa6: {  	s25 =	simm.s32 $0x1B8E;
	s24 =	sld [smem:$0x3FFE];
	[sflag:s23] =	ssyncadd.s32 $0xFFFFFFFF  }
0xa7: {  	s26 =	simm.s32 $execute0_lowered;
	[smem:$0x3FD2] =	sst s25  }
0xa8: {  	s7 =	sshll.u32 s26, $0x1;
	_ =	strace $0x80000046;
	[dreg:$0x1] =	wrdreg $0xFFFFFFFF  }
0xa9: {  	s28 =	simm.s32 $_size_execute0_lowered;
	s5 =	sadd.s32 s5, s7;
	[dreg:$0x0] =	wrdreg $0x0  }
0xaa: {  	s7 =	sshll.u32 s28, $0x1;
	[dreg:$0x2] =	wrdreg s5  }
0xab: {  	[dreg:$0x3] =	wrdreg s7  }
0xac: {  	[dreg:$0x4] =	wrdreg $0xC0  }
0xad: {  	_ =	task [dreg:s9], $0x5FFFF  }
0xae: {  	[dreg:$0x1] =	wrdreg $0xFFFFFFFF  }
0xaf: {  	[dreg:$0x0] =	wrdreg $0x60  }
0xb0: {  	[dreg:$0x2] =	wrdreg s2  }
0xb1: {  	[dreg:$0x3] =	wrdreg s18  }
0xb2: {  	[dreg:$0x4] =	wrdreg s24  }
0xb3: {  	[dreg:$0x5] =	wrdreg s4  }
0xb4: {  	[dreg:$0x6] =	wrdreg $0x9  }
0xb5: {  	_ =	task.clear_ibuf [dreg:s9], $0x7FFFF;
	_ =	strace $0x90000046  }
0xb6: {  	s29 =	simm.s32 $0x9;
	_ =	strace $0x80000048  }
0xb7: {  	_ =	swait.ge [sflag:s29], $0x1  }
0xb8: {  	[sflag:s29] =	ssyncadd.s32 $0xFFFFFFFF  }
0xb9: {  	_ =	strace $0x90000048  }
0xba: {  	_ =	sfence  }
0xbb: {  	s30 =	sld [smem:$0x0];
	_ =	sdelay $0x2  }
0xbc: {  	s31 =	sshll.u32 s1, $0xD;
	s1 =	sshrl.u32 s1, $0x2  }
0xbd: {  	s3 =	sand.u32 $0x4000, s31;
	s1 =	sadd.s32 s1, s30  }
0xbe: {  	s0 =	sor.u32 s3, s0;
	s1 =	sshll.u32 s1, $0x11  }
0xbf: {  	s0 =	sor.u32 s1, s0  }
0xc0: {  	s0 =	sadd.s32 $0x8F2B, s0  }
0xc1: {  	[sflag:s0] =	ssyncadd.remote.s32 $0x1  }
0xc2: {  	_ =	sfence.sel $0xFFFF  }
0xc3: {  	[dreg:$0x0] =	wrdreg $0xFFFFFFFF;
	(pc) =	sbr.abs _section_cstart, $3  }
0xc4: {  	[dreg:$0x1] =	wrdreg $0xFFFFFFFF  }
0xc5: {  	_ =	task.clear_ibuf [dreg:s9], $0x2FFFF;
	_ =	strace $0x9FFFFFFF  }
0xc6: {  	(tm) =	ssettm $0x7FFFFFFF  }
0xc7: {  	_ =	shalt  }
tec
execute0_lowered:
.L_overlay_start_1:
0x0: {  	(tag) =	ssettag $0x1  }
0x1: {  	s7 =	rddreg [dreg:$0x0]  }
0x2: {  	s0 =	rddreg [dreg:$0x1]  }
0x3: {  	s1 =	rddreg [dreg:$0x2]  }
0x4: {  	s4 =	stileid.u32;
	s2 =	srdreg.scid  }
0x5: {  	s5 =	simm.s32 $0x0;
	s14 =	simm.s32 $0x10000;
	s16 =	simm.s32 $0x14000  }
0x6: {  	s28 =	simm.s32 $0x12000;
	s29 =	simm.s32 $0x16000;
	s30 =	simm.s32 $0x12800  }
0x7: {  	s31 =	simm.s32 $0x16800;
	s9 =	simm.s32 $0x2;
	s10 =	simm.s32 $0x4  }
0x8: {  	v0 =	vimm.f32 $1.920000000e+03;
	vm0 =	vcmask $0x300;
	s3 =	sshll.u32 s4, $0x1;
	s2 =	sand.u32 $0x1, s2;
	[smem:$0x7FF] =	sst s5  }
0x9: {  	vm14 =	vcmask $0x704;
	s4 =	sshll.u32 s4, $0x15;
	v0 =	vsel vm0, $0x0, v0;
	s3 =	sand.u32 $0xE, s3;
	_ =	strace $0x80000047  }
0xa: {  	vm15 =	vcmask $0xB08;
	s4 =	sand.u32 $0x1000000, s4;
	v0 =	vsel vm14, $0x43000000, v0;
	s3 =	sor.u32 s2, s3;
	s2 =	ssub.s32 $0x2, s2  }
0xb: {  	vm4 =	vcmask $0xF0C;
	v0 =	vsel vm15, $0x43800000, v0;
	s17 =	sshll.u32 s3, $0xA;
	s3 =	sshll.u32 s3, $0xB;
	s19 =	sshrl.u32 s2, $0x1  }
0xc: {  	vm5 =	vcmask $0x1310;
	v0 =	vsel vm4, $0x43C00000, v0;
	s8 =	sor.u32 s4, s17;
	s18 =	sadd.s32 s3, s1;
	s1 =	sadd.s32 $0x600, s1  }
0xd: {  	vm6 =	vcmask $0x1714;
	s20 =	ssub.s32 s2, s19;
	s0 =	sadd.s32 s0, s3;
	v0 =	vsel vm5, $0x44000000, v0;
	s19 =	simm.s32 $0x4000  }
0xe: {  	vm7 =	vcmask $0x1B18;
	s17 =	simm.s32 $0x13800;
	s3 =	simm.s32 $0x0;
	[dreg:$0x6] =	wrdreg s1;
	v0 =	vsel vm6, $0x44200000, v0  }
0xf: {  	vm8 =	vcmask $0x1F1C;
	s6 =	sshrl.u32 s8, $0x3;
	[dreg:$0x8] =	wrdreg s0;
	s22 =	sadd.s32 $0xA00, s18;
	v0 =	vsel vm7, $0x44400000, v0  }
0x10: {  	vm9 =	vcmask $0x2320;
	s24 =	sor.u32 $0x80000, s8;
	[dreg:$0x5] =	wrdreg s8;
	s25 =	sor.u32 $0xC0000, s8;
	v0 =	vsel vm8, $0x44600000, v0  }
0x11: {  	vm10 =	vcmask $0x2724;
	s26 =	smax.u32 s20, $0x1;
	s18 =	simm.s32 $0x400;
	[dreg:$0x9] =	wrdreg s22;
	v0 =	vsel vm9, $0x44800000, v0  }
0x12: {  	vm11 =	vcmask $0x2B28;
	s20 =	simm.s32 $0x1;
	s0 =	simm.s32 $0x13000;
	[dreg:$0xb] =	wrdreg s24;
	v0 =	vsel vm10, $0x44900000, v0  }
.Ltmp0:
0x13: {  	vm12 =	vcmask $0x2F2C;
	s1 =	simm.s32 $0x17000;
	[dreg:$0xc] =	wrdreg s25;
	v0 =	vsel vm11, $0x44A00000, v0;
	(pc) =	sbr.rel .LBB2_1-.Ltmp0, $4  }
0x14: {  	vm13 =	vcmask $0x3330;
	s21 =	sadd.s32 s7, s6;
	[dreg:$0xd] =	wrdreg s26;
	s22 =	simm.s32 $0x14800;
	v0 =	vsel vm12, $0x44B00000, v0  }
0x15: {  	vm14 =	vcmask $0x3734;
	s24 =	simm.s32 $0x15000;
	s25 =	simm.s32 $0x11800;
	s26 =	simm.s32 $0x15800;
	v0 =	vsel vm13, $0x44C00000, v0  }
0x16: {  	vm15 =	vcmask $0x3B38;
	s6 =	simm.s32 $0x17800;
	[dreg:$0x7] =	wrdreg s21;
	s23 =	sadd.s32 $0x8000, s21;
	v0 =	vsel vm14, $0x44D00000, v0  }
0x17: {  	s21 =	simm.s32 $0x10800;
	[dreg:$0xa] =	wrdreg s23;
	s23 =	simm.s32 $0x11000;
	v0 =	vsel vm15, $0x44E00000, v0  }
.LBB2_12:
0x18: {  	s2 =	simm.s32 $0x3  }
0x19: {  	_ =	swait.ge [sflag:s2], $0x4000  }
0x1a: {  	[sflag:s2] =	ssyncset.done $0x0  }
0x1b: {  	[sflag:s2] =	ssyncadd.s32 $0xFFFFC000  }
0x1c: {  	_ =	swait.ge [sflag:s10], $0x4000  }
0x1d: {  	s3 =	rddreg [dreg:$0xe]  }
0x1e: {  	s15 =	rddreg [dreg:$0xd];
	s3 =	sadd.s32 $0x1, s3  }
0x1f: {  	p0 =	sne.s32 s3, s15  }
.Ltmp1:
0x20: {  	_ = 	snop;
	(pc) =	sbr.rel @!p0 .LBB2_13-.Ltmp1, $3  }
0x21: {  	_ =	sdelay $0x1  }
0x22: {  	[sflag:s10] =	ssyncset.done $0x0  }
0x23: {  	[sflag:s10] =	ssyncadd.s32 $0xFFFFC000  }
.LBB2_1:
0x24: {  	[dreg:$0xe] =	wrdreg s3  }
0x25: {  	s2 =	simm.s32 $0x0;
	s8 =	rddreg [dreg:$0x8];
	s4 =	simm.s32 $0x5  }
0x26: {  	[tilespmem:s14], [sflag:$0x5] =	stream.linear.gather [hbm4b:s8+s2], $0x4000, $0x38;
	[tilespmem:$0x18080] =	vst v63  }
0x27: {  	_ =	swait.ge [sflag:s4], $0x4000  }
0x28: {  	[sflag:s4] =	ssyncset.done $0x0  }
0x29: {  	s11 =	rddreg [dreg:$0x9];
	[sflag:s4] =	ssyncadd.s32 $0xFFFFC000  }
0x2a: {  	[tilespmem:s16], [sflag:$0x5] =	stream.linear.gather [hbm4b:s11+s2], $0x4000, $0x38;
	[tilespmem:$0x18080] =	vst v63  }
0x2b: {  	_ =	swait.ge [sflag:s4], $0x4000  }
0x2c: {  	[sflag:s4] =	ssyncset.done $0x0  }
0x2d: {  	s5 =	simm.s32 $0x18000;
	s12 =	rddreg [dreg:$0x6];
	[sflag:s4] =	ssyncadd.s32 $0xFFFFC000  }
0x2e: {  	[tilespmem:s5], [sflag:$0x5] =	stream.linear.gather [hbm4b:s12+s2], $0x80, $0x38;
	[tilespmem:$0x18080] =	vst v63  }
0x2f: {  	_ =	swait.ge [sflag:s4], $0x80  }
0x30: {  	[sflag:s4] =	ssyncset.done $0x0  }
0x31: {  	[sflag:s4] =	ssyncadd.s32 $0xFFFFFF80  }
0x32: {  	v2 =	vld [tilespmem:$0x18010];
	_ =	sdelay $0x1  }
0x33: {  	s13 =	rddreg [dreg:$0x7]  }
0x34: {  	v1 =	vld [tilespmem:$0x18000];
	[tilespmem:s2], [sflag:$0x1] =	stream.strided.gather [hbm4b:s13+s18], $0x4000, s19, s18, $0x38  }
0x35: {  	s15 =	rddreg [dreg:$0xa]  }
0x36: {  	[tilespmem:s19], [sflag:$0x2] =	stream.strided.gather [hbm4b:s15+s18], $0x4000, s19, s18, $0x38;
	v2 =	vadd.f32 v0, v2;
	[tilespmem:$0x18080] =	vst v63  }
0x37: {  	s15 =	simm.s32 $0x0  }
.LBB2_2:
0x38: {  	_ =	swait.ge [sflag:s20], $0x4000  }
0x39: {  	p0 =	seq.s32 s15, $0x0;
	[sflag:s20] =	ssyncset.done $0x0  }
0x3a: {  	s2 =	simm.s32 @!p0 $0x3;
	[sflag:s20] =	ssyncadd.s32 $0xFFFFC000  }
0x3b: {  	_ =	swait.ge @!p0 [sflag:s2], $0x4000  }
0x3c: {  	[sflag:s2] =	ssyncset.done @!p0 $0x0  }
0x3d: {  	s7 =	simm.s32 $0x100;
	[sflag:s2] =	ssyncadd.s32 @!p0 $0xFFFFC000  }
0x3e: {  	v3 =	vld [tilespmem:s7+$0x80];
	_ =	sdelay $0x4  }
0x3f: {  	v3 =	vmul.f32 v3, v1;
	_ =	sdelay $0x1  }
0x40: {  	v3 =	vadd.f32 v3, v2;
	_ =	sdelay $0x1  }
0x41: {  	v4 =	vtrunc.f32 v3  }
0x42: {  	v4 =	vcvt.f32.s32 v4  }
0x43: {  	v5 =	vld [tilespmem:s7+$0xFFFFFF00];
	_ =	sdelay $0x1  }
0x44: {  	v6 =	vld [tilespmem:s7+$0xFFFFFF80];
	_ =	sdelay $0x2  }
0x45: {  	v5 =	vmul.f32 v5, v1;
	v7 =	vld.idx.msk [tilespmem:v4+s16+$0x0], $0xffff  }
0x46: {  	v8 =	vcvt.s32.f32 v4  }
0x47: {  	v6 =	vmul.f32 v6, v1;
	v5 =	vadd.f32 v5, v2;
	v4 =	vld.idx.msk [tilespmem:v4+s14+$0x0], $0xffff  }
0x48: {  	v3 =	vsub.f32 v3, v8  }
0x49: {  	v6 =	vadd.f32 v6, v2;
	v9 =	vtrunc.f32 v5;
	v8 =	vld [tilespmem:s7+$0x0]  }
0x4a: {  	v9 =	vcvt.f32.s32 v9;
	v3 =	vmul.f32 v3, v7  }
0x4b: {  	v7 =	vtrunc.f32 v6  }
0x4c: {  	v7 =	vcvt.f32.s32 v7;
	v3 =	vadd.f32 v3, v4  }
0x4d: {  	s4 =	simm.s32 $0x8100  }
0x4e: {  	v4 =	vmul.f32 v8, v1;
	[tilespmem:s4+$0x80] =	vst v3  }
0x4f: {  	v3 =	vld [tilespmem:s7+$0x90]  }
0x50: {  	v8 =	vld.idx.msk [tilespmem:v9+s16+$0x0], $0xffff;
	v4 =	vadd.f32 v4, v2  }
0x51: {  	v11 =	vcvt.s32.f32 v9;
	v9 =	vld.idx.msk [tilespmem:v9+s14+$0x0], $0xffff  }
0x52: {  	v10 =	vtrunc.f32 v4;
	v12 =	vld.idx.msk [tilespmem:v7+s16+$0x0], $0xffff  }
0x53: {  	v5 =	vsub.f32 v5, v11;
	v13 =	vcvt.s32.f32 v7;
	v10 =	vcvt.f32.s32 v10  }
0x54: {  	v7 =	vld.idx.msk [tilespmem:v7+s14+$0x0], $0xffff;
	v3 =	vmul.f32 v3, v1  }
0x55: {  	v6 =	vsub.f32 v6, v13;
	v5 =	vmul.f32 v5, v8  }
0x56: {  	v3 =	vadd.f32 v3, v2  }
0x57: {  	v5 =	vadd.f32 v5, v9;
	v6 =	vmul.f32 v6, v12  }
0x58: {  	v8 =	vtrunc.f32 v3  }
0x59: {  	[tilespmem:s4+$0xFFFFFF00] =	vst v5;
	v9 =	vld.idx.msk [tilespmem:v10+s16+$0x0], $0xffff;
	v6 =	vadd.f32 v6, v7;
	v7 =	vcvt.f32.s32 v8  }
0x5a: {  	v5 =	vld [tilespmem:s7+$0xFFFFFF10];
	v8 =	vcvt.s32.f32 v10  }
0x5b: {  	v10 =	vld.idx.msk [tilespmem:v10+s14+$0x0], $0xffff  }
0x5c: {  	v4 =	vsub.f32 v4, v8  }
0x5d: {  	[tilespmem:s4+$0xFFFFFF80] =	vst v6  }
0x5e: {  	v6 =	vld [tilespmem:s7+$0xFFFFFF90];
	v4 =	vmul.f32 v4, v9  }
0x5f: {  	v8 =	vld.idx.msk [tilespmem:v7+s22+$0x0], $0xffff  }
0x60: {  	v5 =	vmul.f32 v5, v1;
	v9 =	vcvt.s32.f32 v7;
	v4 =	vadd.f32 v4, v10  }
0x61: {  	v7 =	vld.idx.msk [tilespmem:v7+s21+$0x0], $0xffff  }
0x62: {  	v3 =	vsub.f32 v3, v9;
	[tilespmem:s4+$0x0] =	vst v4;
	v4 =	vadd.f32 v5, v2  }
0x63: {  	v6 =	vmul.f32 v6, v1  }
0x64: {  	v5 =	vld [tilespmem:s7+$0x10];
	v9 =	vtrunc.f32 v4;
	v3 =	vmul.f32 v3, v8  }
0x65: {  	v6 =	vadd.f32 v6, v2;
	v8 =	vcvt.f32.s32 v9  }
0x66: {  	v3 =	vadd.f32 v3, v7  }
0x67: {  	v9 =	vtrunc.f32 v6  }
0x68: {  	v9 =	vcvt.f32.s32 v9;
	[tilespmem:s4+$0x90] =	vst v3  }
0x69: {  	v5 =	vmul.f32 v5, v1;
	v3 =	vld [tilespmem:s7+$0xA0];
	_ =	sdelay $0x1  }
0x6a: {  	v5 =	vadd.f32 v5, v2;
	v7 =	vld.idx.msk [tilespmem:v8+s22+$0x0], $0xffff  }
0x6b: {  	v11 =	vcvt.s32.f32 v8  }
0x6c: {  	v8 =	vld.idx.msk [tilespmem:v8+s21+$0x0], $0xffff;
	v10 =	vtrunc.f32 v5  }
0x6d: {  	v4 =	vsub.f32 v4, v11;
	v12 =	vld.idx.msk [tilespmem:v9+s22+$0x0], $0xffff;
	v10 =	vcvt.f32.s32 v10;
	v3 =	vmul.f32 v3, v1  }
0x6e: {  	v13 =	vcvt.s32.f32 v9  }
0x6f: {  	v9 =	vld.idx.msk [tilespmem:v9+s21+$0x0], $0xffff;
	v4 =	vmul.f32 v4, v7;
	v3 =	vadd.f32 v3, v2  }
0x70: {  	v6 =	vsub.f32 v6, v13  }
0x71: {  	v4 =	vadd.f32 v4, v8;
	v7 =	vtrunc.f32 v3  }
0x72: {  	v6 =	vmul.f32 v6, v12;
	v7 =	vcvt.f32.s32 v7  }
0x73: {  	v8 =	vld.idx.msk [tilespmem:v10+s22+$0x0], $0xffff;
	[tilespmem:s4+$0xFFFFFF10] =	vst v4  }
0x74: {  	v11 =	vcvt.s32.f32 v10;
	v6 =	vadd.f32 v6, v9;
	v4 =	vld [tilespmem:s7+$0xFFFFFF20]  }
0x75: {  	v10 =	vld.idx.msk [tilespmem:v10+s21+$0x0], $0xffff  }
0x76: {  	v5 =	vsub.f32 v5, v11;
	[tilespmem:s4+$0xFFFFFF90] =	vst v6  }
0x77: {  	v6 =	vld [tilespmem:s7+$0xFFFFFFA0]  }
0x78: {  	v5 =	vmul.f32 v5, v8;
	v8 =	vld.idx.msk [tilespmem:v7+s24+$0x0], $0xffff  }
0x79: {  	v9 =	vcvt.s32.f32 v7;
	v4 =	vmul.f32 v4, v1  }
0x7a: {  	v5 =	vadd.f32 v5, v10;
	v7 =	vld.idx.msk [tilespmem:v7+s23+$0x0], $0xffff  }
0x7b: {  	v3 =	vsub.f32 v3, v9;
	v4 =	vadd.f32 v4, v2  }
0x7c: {  	[tilespmem:s4+$0x10] =	vst v5;
	v5 =	vmul.f32 v6, v1  }
0x7d: {  	v6 =	vld [tilespmem:s7+$0x20];
	v9 =	vtrunc.f32 v4;
	v3 =	vmul.f32 v3, v8  }
0x7e: {  	v5 =	vadd.f32 v5, v2;
	v8 =	vcvt.f32.s32 v9  }
0x7f: {  	v3 =	vadd.f32 v3, v7  }
0x80: {  	v9 =	vtrunc.f32 v5  }
0x81: {  	v7 =	vcvt.f32.s32 v9;
	[tilespmem:s4+$0xA0] =	vst v3  }
0x82: {  	v6 =	vmul.f32 v6, v1;
	v3 =	vld [tilespmem:s7+$0xB0];
	_ =	sdelay $0x1  }
0x83: {  	v6 =	vadd.f32 v6, v2;
	v9 =	vld.idx.msk [tilespmem:v8+s24+$0x0], $0xffff  }
0x84: {  	v11 =	vcvt.s32.f32 v8  }
0x85: {  	v8 =	vld.idx.msk [tilespmem:v8+s23+$0x0], $0xffff;
	v10 =	vtrunc.f32 v6  }
0x86: {  	v4 =	vsub.f32 v4, v11;
	v10 =	vcvt.f32.s32 v10;
	v12 =	vld.idx.msk [tilespmem:v7+s24+$0x0], $0xffff;
	v3 =	vmul.f32 v3, v1  }
0x87: {  	v13 =	vcvt.s32.f32 v7  }
0x88: {  	v7 =	vld.idx.msk [tilespmem:v7+s23+$0x0], $0xffff;
	v4 =	vmul.f32 v4, v9;
	v3 =	vadd.f32 v3, v2  }
0x89: {  	v5 =	vsub.f32 v5, v13  }
0x8a: {  	s8 =	simm.s32 $0x300;
	v4 =	vadd.f32 v4, v8;
	v8 =	vtrunc.f32 v3  }
0x8b: {  	v11 =	vld [tilespmem:s8+$0x80];
	v5 =	vmul.f32 v5, v12;
	v8 =	vcvt.f32.s32 v8  }
0x8c: {  	v9 =	vld.idx.msk [tilespmem:v10+s24+$0x0], $0xffff  }
0x8d: {  	[tilespmem:s4+$0xFFFFFF20] =	vst v4;
	v4 =	vadd.f32 v5, v7;
	v7 =	vld.idx.msk [tilespmem:v10+s23+$0x0], $0xffff;
	v10 =	vcvt.s32.f32 v10  }
0x8e: {  	v14 =	vld [tilespmem:s8+$0x0]  }
0x8f: {  	v5 =	vld [tilespmem:s7+$0xFFFFFF30];
	v6 =	vsub.f32 v6, v10  }
0x90: {  	v10 =	vld [tilespmem:s8+$0xFFFFFF80]  }
0x91: {  	v11 =	vmul.f32 v11, v1;
	v6 =	vmul.f32 v6, v9;
	v12 =	vld.idx.msk [tilespmem:v8+s26+$0x0], $0xffff  }
0x92: {  	v13 =	vcvt.s32.f32 v8;
	v9 =	vld [tilespmem:s8+$0xFFFFFF00]  }
0x93: {  	v11 =	vadd.f32 v11, v2;
	v8 =	vld.idx.msk [tilespmem:v8+s25+$0x0], $0xffff;
	v6 =	vadd.f32 v6, v7  }
0x94: {  	[tilespmem:s4+$0xFFFFFFA0] =	vst v4;
	v3 =	vsub.f32 v3, v13;
	v5 =	vmul.f32 v5, v1  }
0x95: {  	v10 =	vmul.f32 v10, v1;
	[tilespmem:s4+$0x20] =	vst v6;
	v6 =	vtrunc.f32 v11  }
0x96: {  	v4 =	vld [tilespmem:s7+$0xFFFFFFB0];
	v5 =	vadd.f32 v5, v2;
	v6 =	vcvt.f32.s32 v6;
	v3 =	vmul.f32 v3, v12  }
0x97: {  	v13 =	vmul.f32 v14, v1;
	v10 =	vadd.f32 v10, v2  }
0x98: {  	v7 =	vtrunc.f32 v5;
	v3 =	vadd.f32 v3, v8;
	v8 =	vmul.f32 v9, v1  }
0x99: {  	v7 =	vcvt.f32.s32 v7;
	v9 =	vld [tilespmem:s7+$0x30]  }
0x9a: {  	[tilespmem:s4+$0xB0] =	vst v3;
	v3 =	vadd.f32 v8, v2;
	v8 =	vadd.f32 v13, v2;
	v13 =	vtrunc.f32 v10  }
0x9b: {  	v4 =	vmul.f32 v4, v1;
	v14 =	vld [tilespmem:s7+$0xC0];
	v13 =	vcvt.f32.s32 v13  }
0x9c: {  	v21 =	vcvt.s32.f32 v6;
	v19 =	vld.idx.msk [tilespmem:v6+s16+$0x0], $0xffff;
	v15 =	vtrunc.f32 v3  }
0x9d: {  	v17 =	vtrunc.f32 v8;
	v15 =	vcvt.f32.s32 v15  }
0x9e: {  	v4 =	vadd.f32 v4, v2;
	v6 =	vld.idx.msk [tilespmem:v6+s14+$0x0], $0xffff;
	v9 =	vmul.f32 v9, v1;
	v17 =	vcvt.f32.s32 v17  }
0x9f: {  	v11 =	vsub.f32 v11, v21;
	v16 =	vld.idx.msk [tilespmem:v7+s26+$0x0], $0xffff  }
0xa0: {  	v12 =	vtrunc.f32 v4;
	v18 =	vld.idx.msk [tilespmem:v7+s25+$0x0], $0xffff;
	v9 =	vadd.f32 v9, v2;
	v14 =	vmul.f32 v14, v1  }
0xa1: {  	v12 =	vcvt.f32.s32 v12;
	v11 =	vmul.f32 v11, v19;
	v23 =	vld.idx.msk [tilespmem:v13+s16+$0x0], $0xffff  }
0xa2: {  	v19 =	vcvt.s32.f32 v13;
	v22 =	vtrunc.f32 v9;
	v13 =	vld.idx.msk [tilespmem:v13+s14+$0x0], $0xffff;
	v14 =	vadd.f32 v14, v2  }
0xa3: {  	v27 =	vcvt.s32.f32 v17;
	v21 =	vcvt.f32.s32 v22;
	v24 =	vld.idx.msk [tilespmem:v15+s16+$0x0], $0xffff  }
0xa4: {  	v22 =	vcvt.s32.f32 v15;
	v25 =	vld.idx.msk [tilespmem:v17+s16+$0x0], $0xffff;
	v26 =	vtrunc.f32 v14  }
0xa5: {  	v6 =	vadd.f32 v11, v6;
	v10 =	vsub.f32 v10, v19;
	v15 =	vld.idx.msk [tilespmem:v15+s14+$0x0], $0xffff;
	v26 =	vcvt.f32.s32 v26  }
0xa6: {  	s11 =	simm.s32 $0x8300;
	v11 =	vld.idx.msk [tilespmem:v17+s14+$0x0], $0xffff;
	v3 =	vsub.f32 v3, v22  }
0xa7: {  	v20 =	vld.idx.msk [tilespmem:v12+s26+$0x0], $0xffff;
	v8 =	vsub.f32 v8, v27;
	[tilespmem:s11+$0x80] =	vst v6;
	v6 =	vmul.f32 v10, v23  }
0xa8: {  	v10 =	vld [tilespmem:s8+$0x90];
	v3 =	vmul.f32 v3, v24  }
0xa9: {  	v17 =	vld.idx.msk [tilespmem:v12+s25+$0x0], $0xffff;
	v8 =	vmul.f32 v8, v25;
	v6 =	vadd.f32 v6, v13  }
0xaa: {  	v19 =	vld.idx.msk [tilespmem:v21+s26+$0x0], $0xffff;
	v3 =	vadd.f32 v3, v15  }
0xab: {  	v7 =	vcvt.s32.f32 v7;
	v8 =	vadd.f32 v8, v11;
	[tilespmem:s11+$0xFFFFFF80] =	vst v6;
	v15 =	vld.idx.msk [tilespmem:v26+s29+$0x0], $0xffff  }
0xac: {  	v12 =	vcvt.s32.f32 v12;
	v11 =	vld.idx.msk [tilespmem:v26+s28+$0x0], $0xffff;
	[tilespmem:s11+$0xFFFFFF00] =	vst v3  }
0xad: {  	v6 =	vmul.f32 v10, v1;
	v3 =	vsub.f32 v5, v7;
	v7 =	vcvt.s32.f32 v26;
	[tilespmem:s11+$0x0] =	vst v8;
	v13 =	vld [tilespmem:s8+$0xFFFFFF10]  }
0xae: {  	v4 =	vsub.f32 v4, v12;
	v5 =	vcvt.s32.f32 v21;
	v8 =	vld [tilespmem:s8+$0x10]  }
0xaf: {  	v10 =	vld [tilespmem:s8+$0xFFFFFF90];
	v6 =	vadd.f32 v6, v2;
	v3 =	vmul.f32 v3, v16;
	v7 =	vsub.f32 v14, v7  }
0xb0: {  	v4 =	vmul.f32 v4, v20;
	v5 =	vsub.f32 v9, v5;
	v9 =	vld.idx.msk [tilespmem:v21+s25+$0x0], $0xffff  }
0xb1: {  	v12 =	vtrunc.f32 v6;
	v3 =	vadd.f32 v3, v18;
	v7 =	vmul.f32 v7, v15  }
0xb2: {  	v4 =	vadd.f32 v4, v17;
	v5 =	vmul.f32 v5, v19;
	v13 =	vmul.f32 v13, v1  }
0xb3: {  	[tilespmem:s4+$0xFFFFFF30] =	vst v3;
	v3 =	vadd.f32 v7, v11;
	v7 =	vcvt.f32.s32 v12;
	v8 =	vmul.f32 v8, v1  }
0xb4: {  	[tilespmem:s4+$0xFFFFFFB0] =	vst v4;
	v10 =	vmul.f32 v10, v1;
	v4 =	vadd.f32 v13, v2  }
0xb5: {  	v11 =	vld [tilespmem:s7+$0xFFFFFF40];
	v5 =	vadd.f32 v5, v9;
	[tilespmem:s4+$0xC0] =	vst v3;
	v8 =	vadd.f32 v8, v2  }
0xb6: {  	v3 =	vadd.f32 v10, v2;
	v10 =	vld [tilespmem:s7+$0xD0];
	v12 =	vtrunc.f32 v4  }
0xb7: {  	v9 =	vld [tilespmem:s7+$0xFFFFFFC0];
	[tilespmem:s4+$0x30] =	vst v5;
	v14 =	vtrunc.f32 v8;
	v5 =	vcvt.f32.s32 v12  }
0xb8: {  	v13 =	vld [tilespmem:s7+$0x40];
	v14 =	vcvt.f32.s32 v14  }
0xb9: {  	v16 =	vcvt.s32.f32 v7;
	v12 =	vtrunc.f32 v3;
	v15 =	vld.idx.msk [tilespmem:v7+s22+$0x0], $0xffff  }
0xba: {  	v12 =	vcvt.f32.s32 v12;
	v11 =	vmul.f32 v11, v1  }
0xbb: {  	v6 =	vsub.f32 v6, v16;
	v7 =	vld.idx.msk [tilespmem:v7+s21+$0x0], $0xffff;
	v10 =	vmul.f32 v10, v1  }
0xbc: {  	v9 =	vmul.f32 v9, v1;
	v21 =	vcvt.s32.f32 v5;
	v11 =	vadd.f32 v11, v2  }
0xbd: {  	v22 =	vcvt.s32.f32 v14;
	v13 =	vmul.f32 v13, v1;
	v10 =	vadd.f32 v10, v2;
	v17 =	vld.idx.msk [tilespmem:v5+s22+$0x0], $0xffff  }
0xbe: {  	v9 =	vadd.f32 v9, v2;
	v16 =	vtrunc.f32 v11;
	v6 =	vmul.f32 v6, v15;
	v20 =	vld.idx.msk [tilespmem:v14+s22+$0x0], $0xffff  }
0xbf: {  	v15 =	vcvt.f32.s32 v16;
	v5 =	vld.idx.msk [tilespmem:v5+s21+$0x0], $0xffff;
	v16 =	vtrunc.f32 v10  }
0xc0: {  	v18 =	vtrunc.f32 v9;
	v19 =	vld.idx.msk [tilespmem:v12+s22+$0x0], $0xffff;
	v16 =	vcvt.f32.s32 v16;
	v6 =	vadd.f32 v6, v7  }
0xc1: {  	v14 =	vld.idx.msk [tilespmem:v14+s21+$0x0], $0xffff;
	v7 =	vcvt.f32.s32 v18;
	v18 =	vcvt.s32.f32 v12  }
0xc2: {  	v4 =	vsub.f32 v4, v21;
	v12 =	vld.idx.msk [tilespmem:v12+s21+$0x0], $0xffff;
	[tilespmem:s11+$0x90] =	vst v6  }
0xc3: {  	v6 =	vadd.f32 v13, v2;
	v3 =	vsub.f32 v3, v18;
	v13 =	vld [tilespmem:s8+$0xA0]  }
0xc4: {  	v8 =	vsub.f32 v8, v22;
	v4 =	vmul.f32 v4, v17  }
0xc5: {  	v18 =	vld.idx.msk [tilespmem:v15+s29+$0x0], $0xffff;
	v3 =	vmul.f32 v3, v19  }
0xc6: {  	v8 =	vmul.f32 v8, v20;
	v17 =	vtrunc.f32 v6;
	v4 =	vadd.f32 v4, v5;
	v19 =	vld.idx.msk [tilespmem:v16+s31+$0x0], $0xffff  }
0xc7: {  	v20 =	vcvt.s32.f32 v16;
	v17 =	vcvt.f32.s32 v17;
	v5 =	vld.idx.msk [tilespmem:v7+s29+$0x0], $0xffff;
	v3 =	vadd.f32 v3, v12  }
0xc8: {  	v12 =	vld.idx.msk [tilespmem:v16+s30+$0x0], $0xffff;
	[tilespmem:s11+$0xFFFFFF10] =	vst v4;
	v4 =	vadd.f32 v8, v14;
	v8 =	vmul.f32 v13, v1  }
0xc9: {  	v10 =	vsub.f32 v10, v20;
	v13 =	vld [tilespmem:s8+$0xFFFFFF20];
	[tilespmem:s11+$0xFFFFFF90] =	vst v3  }
0xca: {  	v20 =	vcvt.s32.f32 v7;
	v7 =	vld.idx.msk [tilespmem:v7+s28+$0x0], $0xffff;
	[tilespmem:s11+$0x10] =	vst v4;
	v4 =	vadd.f32 v8, v2  }
0xcb: {  	v14 =	vcvt.s32.f32 v15;
	v3 =	vld [tilespmem:s8+$0xFFFFFFA0];
	v8 =	vmul.f32 v10, v19  }
0xcc: {  	v15 =	vld.idx.msk [tilespmem:v15+s28+$0x0], $0xffff;
	v19 =	vtrunc.f32 v4  }
0xcd: {  	v11 =	vsub.f32 v11, v14;
	v16 =	vld.idx.msk [tilespmem:v17+s29+$0x0], $0xffff;
	v8 =	vadd.f32 v8, v12;
	v12 =	vcvt.f32.s32 v19  }
0xce: {  	v14 =	vcvt.s32.f32 v17;
	v10 =	vld [tilespmem:s8+$0x20];
	v13 =	vmul.f32 v13, v1  }
0xcf: {  	v9 =	vsub.f32 v9, v20;
	v17 =	vld.idx.msk [tilespmem:v17+s28+$0x0], $0xffff;
	v11 =	vmul.f32 v11, v18  }
0xd0: {  	v6 =	vsub.f32 v6, v14;
	v3 =	vmul.f32 v3, v1;
	[tilespmem:s4+$0xD0] =	vst v8;
	v13 =	vadd.f32 v13, v2  }
0xd1: {  	v5 =	vmul.f32 v9, v5;
	v11 =	vadd.f32 v11, v15;
	v8 =	vld [tilespmem:s7+$0xE0]  }
0xd2: {  	v3 =	vadd.f32 v3, v2;
	v6 =	vmul.f32 v6, v16;
	v9 =	vtrunc.f32 v13  }
0xd3: {  	v5 =	vadd.f32 v5, v7;
	v10 =	vmul.f32 v10, v1;
	v9 =	vcvt.f32.s32 v9;
	v15 =	vld.idx.msk [tilespmem:v12+s24+$0x0], $0xffff  }
0xd4: {  	[tilespmem:s4+$0xFFFFFF40] =	vst v11;
	v16 =	vcvt.s32.f32 v12;
	v14 =	vtrunc.f32 v3;
	v6 =	vadd.f32 v6, v17;
	v12 =	vld.idx.msk [tilespmem:v12+s23+$0x0], $0xffff  }
0xd5: {  	[tilespmem:s4+$0xFFFFFFC0] =	vst v5;
	v10 =	vadd.f32 v10, v2;
	v11 =	vcvt.f32.s32 v14;
	v14 =	vld [tilespmem:s7+$0xFFFFFF50]  }
0xd6: {  	v4 =	vsub.f32 v4, v16;
	[tilespmem:s4+$0x40] =	vst v6;
	v6 =	vld [tilespmem:s7+$0xFFFFFFD0];
	v8 =	vmul.f32 v8, v1  }
0xd7: {  	v7 =	vtrunc.f32 v10  }
0xd8: {  	v5 =	vcvt.f32.s32 v7;
	v7 =	vadd.f32 v8, v2;
	v8 =	vld [tilespmem:s7+$0x50];
	v4 =	vmul.f32 v4, v15  }
0xd9: {  	v18 =	vcvt.s32.f32 v11;
	v16 =	vld.idx.msk [tilespmem:v9+s24+$0x0], $0xffff  }
0xda: {  	v17 =	vld.idx.msk [tilespmem:v9+s23+$0x0], $0xffff;
	v9 =	vcvt.s32.f32 v9;
	v4 =	vadd.f32 v4, v12  }
0xdb: {  	v18 =	vsub.f32 v3, v18;
	v6 =	vmul.f32 v6, v1;
	v12 =	vmul.f32 v14, v1;
	v14 =	vld.idx.msk [tilespmem:v11+s24+$0x0], $0xffff  }
0xdc: {  	v15 =	vtrunc.f32 v7;
	v11 =	vld.idx.msk [tilespmem:v11+s23+$0x0], $0xffff;
	[tilespmem:s11+$0xA0] =	vst v4;
	v4 =	vsub.f32 v13, v9;
	v9 =	vcvt.s32.f32 v5  }
0xdd: {  	v15 =	vcvt.f32.s32 v15;
	v3 =	vadd.f32 v6, v2;
	v8 =	vmul.f32 v8, v1;
	v13 =	vld [tilespmem:s8+$0xB0]  }
0xde: {  	v19 =	vld.idx.msk [tilespmem:v5+s24+$0x0], $0xffff;
	v12 =	vadd.f32 v12, v2;
	v6 =	vsub.f32 v10, v9;
	v10 =	vmul.f32 v4, v16  }
0xdf: {  	v4 =	vadd.f32 v8, v2  }
0xe0: {  	s13 =	simm.s32 $0x500;
	v5 =	vld.idx.msk [tilespmem:v5+s23+$0x0], $0xffff;
	v9 =	vtrunc.f32 v12;
	v14 =	vmul.f32 v18, v14;
	v10 =	vadd.f32 v10, v17  }
0xe1: {  	v50 =	vld [tilespmem:s13+$0xFFFFFF00];
	v8 =	vtrunc.f32 v3;
	v18 =	vtrunc.f32 v4  }
0xe2: {  	v13 =	vmul.f32 v13, v1;
	[tilespmem:s11+$0xFFFFFF20] =	vst v10;
	v10 =	vadd.f32 v14, v11;
	v11 =	vcvt.f32.s32 v18;
	v18 =	vld [tilespmem:s13+$0x80]  }
0xe3: {  	v9 =	vcvt.f32.s32 v9;
	v6 =	vmul.f32 v6, v19;
	v14 =	vld [tilespmem:s8+$0xFFFFFF30]  }
0xe4: {  	v8 =	vcvt.f32.s32 v8;
	v16 =	vld.idx.msk [tilespmem:v15+s1+$0x0], $0xffff;
	v13 =	vadd.f32 v13, v2;
	[tilespmem:s11+$0xFFFFFFA0] =	vst v10  }
0xe5: {  	v17 =	vcvt.s32.f32 v15;
	v5 =	vadd.f32 v6, v5;
	v10 =	vld [tilespmem:s8+$0xFFFFFFB0]  }
0xe6: {  	v15 =	vld.idx.msk [tilespmem:v15+s0+$0x0], $0xffff;
	v6 =	vtrunc.f32 v13  }
0xe7: {  	v22 =	vld [tilespmem:s13+$0xFFFFFF80];
	v7 =	vsub.f32 v7, v17;
	[tilespmem:s11+$0x20] =	vst v5;
	v6 =	vcvt.f32.s32 v6;
	v18 =	vmul.f32 v18, v1  }
0xe8: {  	v5 =	vmul.f32 v14, v1;
	v14 =	vld [tilespmem:s8+$0x30]  }
0xe9: {  	v7 =	vmul.f32 v7, v16;
	v16 =	vld.idx.msk [tilespmem:v9+s31+$0x0], $0xffff;
	v18 =	vadd.f32 v18, v2  }
0xea: {  	v17 =	vld.idx.msk [tilespmem:v8+s31+$0x0], $0xffff;
	v5 =	vadd.f32 v5, v2;
	v10 =	vmul.f32 v10, v1  }
0xeb: {  	v19 =	vcvt.s32.f32 v9;
	v9 =	vld.idx.msk [tilespmem:v9+s30+$0x0], $0xffff;
	v7 =	vadd.f32 v7, v15;
	v54 =	vtrunc.f32 v18  }
0xec: {  	v15 =	vld.idx.msk [tilespmem:v11+s31+$0x0], $0xffff;
	v20 =	vtrunc.f32 v5;
	v10 =	vadd.f32 v10, v2;
	v27 =	vcvt.f32.s32 v54  }
0xed: {  	[tilespmem:s4+$0xE0] =	vst v7;
	v21 =	vld.idx.msk [tilespmem:v6+s26+$0x0], $0xffff;
	v20 =	vcvt.f32.s32 v20;
	v14 =	vmul.f32 v14, v1  }
0xee: {  	v49 =	vcvt.s32.f32 v6;
	v7 =	vld [tilespmem:s7+$0xF0];
	v23 =	vtrunc.f32 v10  }
0xef: {  	v12 =	vsub.f32 v12, v19;
	v6 =	vld.idx.msk [tilespmem:v6+s25+$0x0], $0xffff;
	v19 =	vcvt.f32.s32 v23;
	v14 =	vadd.f32 v14, v2  }
0xf0: {  	v22 =	vmul.f32 v22, v1;
	v13 =	vsub.f32 v13, v49;
	v23 =	vld [tilespmem:s13+$0x0]  }
0xf1: {  	v12 =	vmul.f32 v12, v16;
	v16 =	vld.idx.msk [tilespmem:v8+s30+$0x0], $0xffff;
	v51 =	vtrunc.f32 v14  }
0xf2: {  	v13 =	vmul.f32 v13, v21;
	v21 =	vcvt.f32.s32 v51;
	v33 =	vld.idx.msk [tilespmem:v27+s16+$0x0], $0xffff  }
0xf3: {  	v22 =	vadd.f32 v22, v2;
	v9 =	vadd.f32 v12, v9;
	v53 =	vld.idx.msk [tilespmem:v20+s26+$0x0], $0xffff  }
0xf4: {  	v25 =	vmul.f32 v50, v1;
	v6 =	vadd.f32 v13, v6;
	v13 =	vld.idx.msk [tilespmem:v20+s25+$0x0], $0xffff  }
0xf5: {  	v55 =	vtrunc.f32 v22;
	[tilespmem:s4+$0xFFFFFF50] =	vst v9;
	v23 =	vmul.f32 v23, v1;
	v12 =	vld.idx.msk [tilespmem:v19+s26+$0x0], $0xffff  }
0xf6: {  	v8 =	vcvt.s32.f32 v8;
	v9 =	vcvt.f32.s32 v55;
	v29 =	vld.idx.msk [tilespmem:v19+s25+$0x0], $0xffff;
	[tilespmem:s11+$0xB0] =	vst v6;
	v6 =	vadd.f32 v25, v2  }
0xf7: {  	v34 =	vcvt.s32.f32 v27;
	v20 =	vcvt.s32.f32 v20;
	v23 =	vadd.f32 v23, v2;
	v28 =	vld [tilespmem:s8+$0xC0]  }
0xf8: {  	v3 =	vsub.f32 v3, v8;
	v19 =	vcvt.s32.f32 v19;
	v31 =	vtrunc.f32 v6;
	v32 =	vld.idx.msk [tilespmem:v21+s26+$0x0], $0xffff  }
0xf9: {  	v5 =	vsub.f32 v5, v20;
	v56 =	vtrunc.f32 v23;
	v20 =	vld.idx.msk [tilespmem:v21+s25+$0x0], $0xffff;
	v31 =	vcvt.f32.s32 v31  }
0xfa: {  	v10 =	vsub.f32 v10, v19;
	v19 =	vcvt.s32.f32 v21;
	v21 =	vld.idx.msk [tilespmem:v27+s14+$0x0], $0xffff;
	v25 =	vcvt.f32.s32 v56  }
0xfb: {  	v52 =	vld.idx.msk [tilespmem:v11+s30+$0x0], $0xffff;
	v3 =	vmul.f32 v3, v17;
	v18 =	vsub.f32 v18, v34  }
0xfc: {  	v30 =	vld [tilespmem:s7+$0xFFFFFF60];
	v5 =	vmul.f32 v5, v53;
	v28 =	vmul.f32 v28, v1  }
0xfd: {  	v7 =	vmul.f32 v7, v1;
	v57 =	vld.idx.msk [tilespmem:v9+s16+$0x0], $0xffff;
	v18 =	vmul.f32 v18, v33  }
0xfe: {  	v60 =	vcvt.s32.f32 v9;
	v9 =	vld.idx.msk [tilespmem:v9+s14+$0x0], $0xffff;
	v5 =	vadd.f32 v5, v13;
	v28 =	vadd.f32 v28, v2  }
0xff: {  	v14 =	vsub.f32 v14, v19;
	v10 =	vmul.f32 v10, v12;
	v18 =	vadd.f32 v18, v21;
	v19 =	vld.idx.msk [tilespmem:v31+s16+$0x0], $0xffff  }
0x100: {  	s12 =	simm.s32 $0x8500;
	v58 =	vcvt.s32.f32 v31;
	[tilespmem:s11+$0xFFFFFF30] =	vst v5;
	v12 =	vld.idx.msk [tilespmem:v25+s16+$0x0], $0xffff;
	v59 =	vtrunc.f32 v28  }
0x101: {  	v5 =	vcvt.s32.f32 v11;
	v11 =	vsub.f32 v22, v60;
	v31 =	vld.idx.msk [tilespmem:v31+s14+$0x0], $0xffff;
	[tilespmem:s12+$0x80] =	vst v18;
	v13 =	vcvt.f32.s32 v59  }
0x102: {  	v61 =	vcvt.s32.f32 v25;
	v10 =	vadd.f32 v10, v29;
	v6 =	vsub.f32 v6, v58;
	v8 =	vld [tilespmem:s13+$0x90]  }
0x103: {  	v14 =	vmul.f32 v14, v32;
	v4 =	vsub.f32 v4, v5;
	v5 =	vmul.f32 v11, v57;
	v25 =	vld.idx.msk [tilespmem:v25+s14+$0x0], $0xffff  }
0x104: {  	v7 =	vadd.f32 v7, v2;
	[tilespmem:s11+$0xFFFFFFB0] =	vst v10;
	v10 =	vsub.f32 v23, v61;
	v6 =	vmul.f32 v6, v19  }
0x105: {  	v14 =	vadd.f32 v14, v20;
	v5 =	vadd.f32 v5, v9;
	v4 =	vmul.f32 v4, v15  }
0x106: {  	v21 =	vld [tilespmem:s8+$0xFFFFFF40];
	v15 =	vadd.f32 v3, v16;
	v10 =	vmul.f32 v10, v12;
	v6 =	vadd.f32 v6, v31  }
0x107: {  	[tilespmem:s11+$0x30] =	vst v14;
	v14 =	vmul.f32 v30, v1;
	v3 =	vmul.f32 v8, v1;
	v12 =	vld.idx.msk [tilespmem:v13+s29+$0x0], $0xffff  }
0x108: {  	v19 =	vcvt.s32.f32 v13;
	v10 =	vadd.f32 v10, v25;
	v13 =	vld.idx.msk [tilespmem:v13+s28+$0x0], $0xffff;
	[tilespmem:s12+$0xFFFFFF00] =	vst v6  }
0x109: {  	v11 =	vtrunc.f32 v7;
	[tilespmem:s12+$0xFFFFFF80] =	vst v5;
	v17 =	vadd.f32 v3, v2;
	v6 =	vadd.f32 v14, v2;
	v14 =	vld [tilespmem:s13+$0xFFFFFF10]  }
0x10a: {  	v11 =	vcvt.f32.s32 v11;
	v8 =	vld [tilespmem:s13+$0xFFFFFF90];
	v5 =	vsub.f32 v28, v19;
	[tilespmem:s12+$0x0] =	vst v10  }
0x10b: {  	v16 =	vld [tilespmem:s13+$0x10];
	v19 =	vtrunc.f32 v17;
	v10 =	vtrunc.f32 v6  }
0x10c: {  	v18 =	vld [tilespmem:s8+$0xFFFFFFC0];
	v4 =	vadd.f32 v4, v52;
	v5 =	vmul.f32 v5, v12;
	v12 =	vmul.f32 v21, v1  }
0x10d: {  	v9 =	vld [tilespmem:s8+$0x40];
	[tilespmem:s4+$0xFFFFFFD0] =	vst v15;
	v19 =	vcvt.f32.s32 v19;
	v10 =	vcvt.f32.s32 v10  }
0x10e: {  	[tilespmem:s4+$0x50] =	vst v4;
	v4 =	vld [tilespmem:s7+$0xFFFFFFE0];
	v5 =	vadd.f32 v5, v13;
	v12 =	vadd.f32 v12, v2;
	v14 =	vmul.f32 v14, v1  }
0x10f: {  	v22 =	vld [tilespmem:s7+$0x60];
	v8 =	vmul.f32 v8, v1  }
0x110: {  	v3 =	vld.idx.msk [tilespmem:v11+s17+$0x0], $0xffff;
	v15 =	vmul.f32 v16, v1;
	[tilespmem:s11+$0xC0] =	vst v5;
	v5 =	vtrunc.f32 v12;
	v14 =	vadd.f32 v14, v2  }
0x111: {  	v8 =	vadd.f32 v8, v2;
	v16 =	vld [tilespmem:s8+$0xD0];
	v21 =	vcvt.f32.s32 v5  }
0x112: {  	v18 =	vmul.f32 v18, v1;
	v13 =	vld.idx.msk [tilespmem:v11+s6+$0x0], $0xffff;
	v15 =	vadd.f32 v15, v2;
	v5 =	vtrunc.f32 v14  }
0x113: {  	v37 =	vld.idx.msk [tilespmem:v19+s22+$0x0], $0xffff;
	v62 =	vcvt.f32.s32 v5;
	v5 =	vtrunc.f32 v8  }
0x114: {  	v23 =	vld.idx.msk [tilespmem:v10+s1+$0x0], $0xffff;
	v36 =	vcvt.f32.s32 v5;
	v5 =	vtrunc.f32 v15  }
0x115: {  	v63 =	vld.idx.msk [tilespmem:v10+s0+$0x0], $0xffff;
	v10 =	vcvt.s32.f32 v10;
	v38 =	vcvt.f32.s32 v5  }
0x116: {  	v5 =	vmul.f32 v16, v1;
	v16 =	vcvt.s32.f32 v19;
	v19 =	vld.idx.msk [tilespmem:v19+s21+$0x0], $0xffff  }
0x117: {  	v18 =	vadd.f32 v18, v2;
	v6 =	vsub.f32 v6, v10;
	v39 =	vld.idx.msk [tilespmem:v21+s29+$0x0], $0xffff  }
0x118: {  	v47 =	vcvt.s32.f32 v21;
	v21 =	vld.idx.msk [tilespmem:v21+s28+$0x0], $0xffff;
	v40 =	vadd.f32 v5, v2;
	v5 =	vcvt.s32.f32 v11  }
0x119: {  	v9 =	vmul.f32 v9, v1;
	v6 =	vmul.f32 v6, v23;
	v11 =	vsub.f32 v17, v16;
	v41 =	vld.idx.msk [tilespmem:v62+s22+$0x0], $0xffff  }
0x11a: {  	v20 =	vtrunc.f32 v18;
	v42 =	vtrunc.f32 v40;
	v5 =	vsub.f32 v7, v5;
	v7 =	vld.idx.msk [tilespmem:v36+s22+$0x0], $0xffff  }
0x11b: {  	v6 =	vadd.f32 v6, v63;
	v11 =	vmul.f32 v11, v37;
	v26 =	vld.idx.msk [tilespmem:v36+s21+$0x0], $0xffff;
	v43 =	vcvt.f32.s32 v42  }
0x11c: {  	v20 =	vcvt.f32.s32 v20;
	v44 =	vcvt.s32.f32 v62;
	v45 =	vld.idx.msk [tilespmem:v38+s22+$0x0], $0xffff  }
0x11d: {  	[tilespmem:s4+$0xFFFFFF60] =	vst v6;
	v5 =	vmul.f32 v5, v13;
	v11 =	vadd.f32 v11, v19;
	v13 =	vcvt.s32.f32 v36;
	v19 =	vld.idx.msk [tilespmem:v62+s21+$0x0], $0xffff  }
0x11e: {  	v9 =	vadd.f32 v9, v2;
	v14 =	vsub.f32 v14, v44;
	v46 =	vcvt.s32.f32 v38;
	v48 =	vld [tilespmem:s7+$0xFFFFFF70]  }
0x11f: {  	v4 =	vmul.f32 v4, v1;
	v8 =	vsub.f32 v8, v13;
	[tilespmem:s12+$0x90] =	vst v11;
	v11 =	vld.idx.msk [tilespmem:v38+s21+$0x0], $0xffff  }
0x120: {  	v17 =	vtrunc.f32 v9;
	v10 =	vsub.f32 v15, v46;
	v13 =	vmul.f32 v14, v41;
	v14 =	vld [tilespmem:s13+$0xA0]  }
0x121: {  	v17 =	vcvt.f32.s32 v17;
	v7 =	vmul.f32 v8, v7;
	v8 =	vld.idx.msk [tilespmem:v43+s31+$0x0], $0xffff  }
0x122: {  	v16 =	vld.idx.msk [tilespmem:v20+s29+$0x0], $0xffff;
	v10 =	vmul.f32 v10, v45;
	v13 =	vadd.f32 v13, v19;
	v19 =	vcvt.s32.f32 v43  }
0x123: {  	v4 =	vadd.f32 v4, v2;
	v15 =	vmul.f32 v22, v1;
	v23 =	vld.idx.msk [tilespmem:v43+s30+$0x0], $0xffff;
	v7 =	vadd.f32 v7, v26  }
0x124: {  	v24 =	vmul.f32 v48, v1;
	[tilespmem:s12+$0xFFFFFF10] =	vst v13;
	v10 =	vadd.f32 v10, v11;
	v11 =	vsub.f32 v40, v19  }
0x125: {  	v15 =	vadd.f32 v15, v2;
	v13 =	vtrunc.f32 v4;
	v14 =	vmul.f32 v14, v1;
	v19 =	vld [tilespmem:s13+$0xFFFFFF20];
	[tilespmem:s12+$0xFFFFFF90] =	vst v7  }
0x126: {  	v7 =	vsub.f32 v12, v47;
	v12 =	vcvt.f32.s32 v13;
	v13 =	vld [tilespmem:s13+$0xFFFFFFA0];
	[tilespmem:s12+$0x10] =	vst v10;
	v8 =	vmul.f32 v11, v8  }
0x127: {  	v10 =	vcvt.s32.f32 v20;
	v11 =	vtrunc.f32 v15;
	v6 =	vadd.f32 v14, v2;
	v14 =	vld [tilespmem:s13+$0x20]  }
0x128: {  	v22 =	vld.idx.msk [tilespmem:v17+s29+$0x0], $0xffff;
	v7 =	vmul.f32 v7, v39;
	v11 =	vcvt.f32.s32 v11;
	v8 =	vadd.f32 v8, v23  }
0x129: {  	v20 =	vld.idx.msk [tilespmem:v20+s28+$0x0], $0xffff;
	v23 =	vcvt.s32.f32 v17;
	v49 =	vtrunc.f32 v6  }
0x12a: {  	v7 =	vadd.f32 v7, v21;
	v17 =	vld.idx.msk [tilespmem:v17+s28+$0x0], $0xffff;
	v25 =	vcvt.f32.s32 v49;
	v19 =	vmul.f32 v19, v1;
	[tilespmem:s11+$0xD0] =	vst v8  }
0x12b: {  	v8 =	vsub.f32 v18, v10;
	v9 =	vsub.f32 v9, v23;
	v10 =	vmul.f32 v13, v1;
	v13 =	vld [tilespmem:s8+$0xE0]  }
0x12c: {  	v18 =	vld.idx.msk [tilespmem:v12+s1+$0x0], $0xffff;
	[tilespmem:s11+$0xFFFFFF40] =	vst v7;
	v7 =	vadd.f32 v19, v2;
	v14 =	vmul.f32 v14, v1  }
0x12d: {  	v19 =	vld [tilespmem:s8+$0xFFFFFF50];
	v8 =	vmul.f32 v8, v16;
	v16 =	vcvt.s32.f32 v12;
	v10 =	vadd.f32 v10, v2  }
0x12e: {  	v9 =	vmul.f32 v9, v22;
	v12 =	vld.idx.msk [tilespmem:v12+s0+$0x0], $0xffff;
	v22 =	vtrunc.f32 v7;
	v14 =	vadd.f32 v14, v2  }
0x12f: {  	v21 =	vld.idx.msk [tilespmem:v11+s1+$0x0], $0xffff;
	v8 =	vadd.f32 v8, v20;
	v20 =	vcvt.f32.s32 v22;
	v22 =	vtrunc.f32 v10  }
0x130: {  	v9 =	vadd.f32 v9, v17;
	v23 =	vld.idx.msk [tilespmem:v25+s24+$0x0], $0xffff;
	v17 =	vtrunc.f32 v14;
	v13 =	vmul.f32 v13, v1  }
0x131: {  	[tilespmem:s11+$0xFFFFFFC0] =	vst v8;
	v8 =	vcvt.f32.s32 v22;
	v22 =	vcvt.s32.f32 v25;
	v25 =	vld.idx.msk [tilespmem:v25+s23+$0x0], $0xffff  }
0x132: {  	v50 =	vcvt.s32.f32 v11;
	v4 =	vsub.f32 v4, v16;
	[tilespmem:s11+$0x40] =	vst v9;
	v9 =	vcvt.f32.s32 v17;
	v17 =	vld [tilespmem:s8+$0xFFFFFFD0]  }
0x133: {  	v51 =	vcvt.s32.f32 v20;
	v13 =	vadd.f32 v13, v2;
	v6 =	vsub.f32 v6, v22;
	v22 =	vld [tilespmem:s8+$0x50]  }
0x134: {  	v11 =	vld.idx.msk [tilespmem:v11+s0+$0x0], $0xffff;
	v16 =	vmul.f32 v19, v1;
	v4 =	vmul.f32 v4, v18  }
0x135: {  	v15 =	vsub.f32 v15, v50;
	v19 =	vtrunc.f32 v13;
	v52 =	vld.idx.msk [tilespmem:v20+s24+$0x0], $0xffff;
	v6 =	vmul.f32 v6, v23  }
0x136: {  	v53 =	vcvt.s32.f32 v8;
	v7 =	vsub.f32 v7, v51;
	v20 =	vld.idx.msk [tilespmem:v20+s23+$0x0], $0xffff;
	v19 =	vcvt.f32.s32 v19  }
0x137: {  	v16 =	vadd.f32 v16, v2;
	v54 =	vld.idx.msk [tilespmem:v8+s24+$0x0], $0xffff;
	v6 =	vadd.f32 v6, v25;
	v17 =	vmul.f32 v17, v1  }
0x138: {  	v55 =	vcvt.s32.f32 v9;
	v4 =	vadd.f32 v4, v12;
	v56 =	vld.idx.msk [tilespmem:v9+s24+$0x0], $0xffff;
	v22 =	vmul.f32 v22, v1  }
0x139: {  	v10 =	vsub.f32 v10, v53;
	v18 =	vtrunc.f32 v16;
	v57 =	vld.idx.msk [tilespmem:v8+s23+$0x0], $0xffff;
	[tilespmem:s12+$0xA0] =	vst v6;
	v6 =	vadd.f32 v17, v2  }
0x13a: {  	v58 =	vcvt.f32.s32 v18;
	v8 =	vmul.f32 v15, v21;
	v15 =	vld [tilespmem:s13+$0xB0];
	v18 =	vadd.f32 v22, v2  }
0x13b: {  	v14 =	vsub.f32 v14, v55;
	v9 =	vld.idx.msk [tilespmem:v9+s23+$0x0], $0xffff;
	v7 =	vmul.f32 v7, v52;
	v12 =	vtrunc.f32 v6  }
0x13c: {  	v8 =	vadd.f32 v8, v11;
	v17 =	vld.idx.msk [tilespmem:v19+s1+$0x0], $0xffff;
	v22 =	vcvt.f32.s32 v12;
	v11 =	vtrunc.f32 v18  }
0x13d: {  	[tilespmem:s4+$0xFFFFFFE0] =	vst v4;
	v7 =	vadd.f32 v7, v20;
	v10 =	vmul.f32 v10, v54;
	v12 =	vcvt.s32.f32 v19;
	v19 =	vld.idx.msk [tilespmem:v19+s0+$0x0], $0xffff  }
0x13e: {  	v23 =	vadd.f32 v24, v2;
	[tilespmem:s4+$0x60] =	vst v8;
	v20 =	vld [tilespmem:s7+$0xFFFFFFF0];
	v8 =	vcvt.f32.s32 v11;
	v11 =	vmul.f32 v14, v56  }
0x13f: {  	v21 =	vld [tilespmem:s7+$0x70];
	[tilespmem:s12+$0xFFFFFF20] =	vst v7;
	v7 =	vadd.f32 v10, v57;
	v10 =	vsub.f32 v13, v12;
	v12 =	vmul.f32 v15, v1  }
0x140: {  	v59 =	vadd.f32 v5, v3;
	v3 =	vcvt.s32.f32 v58;
	v14 =	vld [tilespmem:s13+$0xFFFFFF30];
	v9 =	vadd.f32 v11, v9  }
0x141: {  	v4 =	vtrunc.f32 v23;
	[tilespmem:s12+$0xFFFFFFA0] =	vst v7;
	v7 =	vld.idx.msk [tilespmem:v58+s31+$0x0], $0xffff;
	v5 =	vmul.f32 v10, v17;
	v17 =	vadd.f32 v12, v2  }
0x142: {  	v4 =	vcvt.f32.s32 v4;
	v16 =	vsub.f32 v16, v3;
	v10 =	vcvt.s32.f32 v22;
	v60 =	vld [tilespmem:s13+$0xFFFFFFB0]  }
0x143: {  	v12 =	vcvt.s32.f32 v8;
	[tilespmem:s12+$0x20] =	vst v9;
	v13 =	vld.idx.msk [tilespmem:v22+s31+$0x0], $0xffff;
	v5 =	vadd.f32 v5, v19;
	v3 =	vtrunc.f32 v17  }
0x144: {  	v62 =	vmul.f32 v20, v1;
	v20 =	vld [tilespmem:s13+$0x30];
	v19 =	vcvt.f32.s32 v3  }
0x145: {  	v61 =	vcvt.s32.f32 v4;
	v11 =	vld.idx.msk [tilespmem:v8+s31+$0x0], $0xffff;
	v15 =	vsub.f32 v6, v10;
	v6 =	vmul.f32 v14, v1;
	[tilespmem:s11+$0xE0] =	vst v5  }
0x146: {  	v63 =	vmul.f32 v21, v1;
	v12 =	vsub.f32 v18, v12;
	v5 =	vadd.f32 v62, v2;
	v9 =	vld [tilespmem:s8+$0xF0]  }
0x147: {  	s3 =	simm.s32 $0x8;
	v10 =	vld.idx.msk [tilespmem:v22+s30+$0x0], $0xffff;
	v3 =	vsub.f32 v23, v61;
	v18 =	vadd.f32 v6, v2;
	v21 =	vmul.f32 v60, v1  }
0x148: {  	s5 =	simm.s32 $0x700;
	s2 =	simm.s32 $0x8500;
	[tilespmem:s4+$0xF0] =	vst v59;
	s7 =	sshll.u32 s15, $0x13;
	v14 =	vld.idx.msk [tilespmem:v58+s30+$0x0], $0xffff;
	v16 =	vmul.f32 v16, v7;
	v6 =	vadd.f32 v63, v2;
	v7 =	vtrunc.f32 v5  }
.LBB2_3:
0x149: {  	v22 =	vld [tilespmem:s5+$0x80];
	s3 =	sadd.s32 $0x4, s3;
	v23 =	vtrunc.f32 v18;
	v21 =	vadd.f32 v21, v2;
	v13 =	vmul.f32 v15, v13  }
0x14a: {  	p1 =	slt.u32 s3, $0x7C;
	v15 =	vcvt.f32.s32 v23;
	v20 =	vmul.f32 v20, v1;
	v23 =	vld.idx.msk [tilespmem:v19+s26+$0x0], $0xffff  }
0x14b: {  	v24 =	vld [tilespmem:s5+$0xFFFFFF80];
	v25 =	vtrunc.f32 v21;
	v9 =	vmul.f32 v9, v1  }
0x14c: {  	v26 =	vcvt.s32.f32 v19;
	v25 =	vcvt.f32.s32 v25;
	v20 =	vadd.f32 v20, v2;
	v19 =	vld.idx.msk [tilespmem:v19+s25+$0x0], $0xffff  }
0x14d: {  	v11 =	vmul.f32 v12, v11;
	v28 =	vcvt.s32.f32 v15;
	v27 =	vld [tilespmem:s5+$0x0];
	v9 =	vadd.f32 v9, v2  }
0x14e: {  	v17 =	vsub.f32 v17, v26;
	v12 =	vld [tilespmem:s5+$0xFFFFFF00];
	v22 =	vmul.f32 v22, v1;
	v29 =	vtrunc.f32 v20  }
0x14f: {  	v18 =	vsub.f32 v18, v28;
	v26 =	vcvt.f32.s32 v29;
	v8 =	vld.idx.msk [tilespmem:v8+s30+$0x0], $0xffff;
	v28 =	vtrunc.f32 v9  }
0x150: {  	v17 =	vmul.f32 v17, v23;
	v22 =	vadd.f32 v22, v2;
	v29 =	vld.idx.msk [tilespmem:v15+s26+$0x0], $0xffff;
	v23 =	vcvt.f32.s32 v28  }
0x151: {  	v14 =	vadd.f32 v16, v14;
	v24 =	vmul.f32 v24, v1;
	v28 =	vcvt.s32.f32 v25;
	v15 =	vld.idx.msk [tilespmem:v15+s25+$0x0], $0xffff  }
0x152: {  	v17 =	vadd.f32 v17, v19;
	v16 =	vmul.f32 v27, v1;
	v27 =	vtrunc.f32 v22;
	v30 =	vld.idx.msk [tilespmem:v25+s26+$0x0], $0xffff  }
0x153: {  	v19 =	vadd.f32 v24, v2;
	v12 =	vmul.f32 v12, v1;
	v24 =	vcvt.f32.s32 v27;
	v25 =	vld.idx.msk [tilespmem:v25+s25+$0x0], $0xffff;
	[tilespmem:s11+$0xFFFFFF50] =	vst v14  }
0x154: {  	v14 =	vadd.f32 v16, v2;
	v16 =	vsub.f32 v21, v28;
	v21 =	vcvt.s32.f32 v26;
	[tilespmem:s12+$0xB0] =	vst v17;
	v17 =	vld [tilespmem:s8+$0xFFFFFF60]  }
0x155: {  	v10 =	vadd.f32 v13, v10;
	v27 =	vtrunc.f32 v19;
	v12 =	vadd.f32 v12, v2;
	v28 =	vld [tilespmem:s13+$0xC0]  }
0x156: {  	v13 =	vcvt.f32.s32 v27;
	v27 =	vtrunc.f32 v14;
	v20 =	vsub.f32 v20, v21;
	v21 =	vld.idx.msk [tilespmem:v23+s6+$0x0], $0xffff  }
0x157: {  	v8 =	vadd.f32 v11, v8;
	v31 =	vtrunc.f32 v12;
	v27 =	vcvt.f32.s32 v27;
	v32 =	vld.idx.msk [tilespmem:v26+s26+$0x0], $0xffff;
	[tilespmem:s11+$0xFFFFFFD0] =	vst v10  }
0x158: {  	v11 =	vcvt.s32.f32 v23;
	v10 =	vcvt.f32.s32 v31;
	v23 =	vld.idx.msk [tilespmem:v23+s17+$0x0], $0xffff  }
0x159: {  	v31 =	vcvt.s32.f32 v13;
	v33 =	vcvt.s32.f32 v27;
	v34 =	vld.idx.msk [tilespmem:v24+s16+$0x0], $0xffff;
	[tilespmem:s11+$0x50] =	vst v8  }
0x15a: {  	v9 =	vsub.f32 v9, v11;
	v8 =	vcvt.s32.f32 v10;
	v26 =	vld.idx.msk [tilespmem:v26+s25+$0x0], $0xffff;
	v28 =	vmul.f32 v28, v1  }
0x15b: {  	v11 =	vsub.f32 v19, v31;
	v19 =	vcvt.s32.f32 v24;
	v14 =	vsub.f32 v14, v33;
	v24 =	vld.idx.msk [tilespmem:v24+s14+$0x0], $0xffff  }
0x15c: {  	v9 =	vmul.f32 v9, v21;
	v8 =	vsub.f32 v12, v8;
	v12 =	vld.idx.msk [tilespmem:v13+s16+$0x0], $0xffff;
	v28 =	vadd.f32 v28, v2  }
0x15d: {  	v18 =	vmul.f32 v18, v29;
	v16 =	vmul.f32 v16, v30;
	v19 =	vsub.f32 v22, v19;
	v21 =	vld.idx.msk [tilespmem:v27+s16+$0x0], $0xffff  }
0x15e: {  	v20 =	vmul.f32 v20, v32;
	v9 =	vadd.f32 v9, v23;
	v22 =	vld.idx.msk [tilespmem:v10+s16+$0x0], $0xffff;
	v29 =	vtrunc.f32 v28  }
0x15f: {  	v15 =	vadd.f32 v18, v15;
	v19 =	vmul.f32 v19, v34;
	v10 =	vld.idx.msk [tilespmem:v10+s14+$0x0], $0xffff;
	v18 =	vcvt.f32.s32 v29  }
0x160: {  	v16 =	vadd.f32 v16, v25;
	v20 =	vadd.f32 v20, v26;
	v13 =	vld.idx.msk [tilespmem:v13+s14+$0x0], $0xffff;
	[tilespmem:s11+$0xF0] =	vst v9;
	v9 =	vtrunc.f32 v6  }
0x161: {  	v19 =	vadd.f32 v19, v24;
	v23 =	vld.idx.msk [tilespmem:v27+s14+$0x0], $0xffff;
	[tilespmem:s12+$0xFFFFFF30] =	vst v15;
	v15 =	vmul.f32 v17, v1;
	v17 =	vcvt.f32.s32 v7  }
0x162: {  	v11 =	vmul.f32 v11, v12;
	s12 =	sadd.s32 $0x200, s12;
	v7 =	vcvt.f32.s32 v9;
	v12 =	vld [tilespmem:s13+$0xFFFFFF40];
	[tilespmem:s2+$0xFFFFFFB0] =	vst v16  }
0x163: {  	v9 =	vmul.f32 v14, v21;
	[tilespmem:s12+$0x80] =	vst v19;
	v14 =	vld [tilespmem:s13+$0xFFFFFFC0];
	v15 =	vadd.f32 v15, v2;
	v16 =	vcvt.s32.f32 v17  }
0x164: {  	v8 =	vmul.f32 v8, v22;
	v19 =	vld [tilespmem:s5+$0x90];
	[tilespmem:s2+$0x30] =	vst v20;
	v20 =	vcvt.s32.f32 v7  }
0x165: {  	v21 =	vld.idx.msk [tilespmem:v18+s29+$0x0], $0xffff;
	v22 =	vtrunc.f32 v15;
	v5 =	vsub.f32 v5, v16  }
0x166: {  	v8 =	vadd.f32 v8, v10;
	v10 =	vadd.f32 v11, v13;
	v11 =	vld [tilespmem:s13+$0x40];
	v13 =	vcvt.f32.s32 v22  }
0x167: {  	v16 =	vcvt.s32.f32 v18;
	v9 =	vadd.f32 v9, v23;
	v12 =	vmul.f32 v12, v1;
	v18 =	vld.idx.msk [tilespmem:v18+s28+$0x0], $0xffff  }
0x168: {  	v6 =	vsub.f32 v6, v20;
	[tilespmem:s12+$0xFFFFFF00] =	vst v8;
	v8 =	vmul.f32 v14, v1;
	v14 =	vcvt.s32.f32 v13;
	v22 =	vld [tilespmem:s8+$0xFFFFFFE0]  }
0x169: {  	v16 =	vsub.f32 v28, v16;
	v20 =	vld [tilespmem:s5+$0xFFFFFF10];
	[tilespmem:s12+$0xFFFFFF80] =	vst v10;
	v10 =	vmul.f32 v19, v1;
	v12 =	vadd.f32 v12, v2  }
0x16a: {  	v19 =	vld [tilespmem:s5+$0xFFFFFF90];
	[tilespmem:s12+$0x0] =	vst v9;
	v8 =	vadd.f32 v8, v2;
	v9 =	vsub.f32 v15, v14  }
0x16b: {  	v15 =	vmul.f32 v16, v21;
	v14 =	vld [tilespmem:s5+$0x10];
	v10 =	vadd.f32 v10, v2;
	v11 =	vmul.f32 v11, v1  }
0x16c: {  	v16 =	vtrunc.f32 v12;
	v21 =	vtrunc.f32 v8;
	v23 =	vld [tilespmem:s8+$0x60]  }
0x16d: {  	v15 =	vadd.f32 v15, v18;
	v24 =	vtrunc.f32 v10;
	v11 =	vadd.f32 v11, v2;
	v18 =	vld.idx.msk [tilespmem:v13+s1+$0x0], $0xffff  }
0x16e: {  	v20 =	vmul.f32 v20, v1;
	v24 =	vcvt.f32.s32 v24;
	v13 =	vld.idx.msk [tilespmem:v13+s0+$0x0], $0xffff  }
0x16f: {  	v19 =	vmul.f32 v19, v1;
	v25 =	vtrunc.f32 v11;
	[tilespmem:s2+$0xC0] =	vst v15;
	v15 =	vld.idx.msk [tilespmem:v4+s6+$0x0], $0xffff  }
0x170: {  	v16 =	vcvt.f32.s32 v16;
	v20 =	vadd.f32 v20, v2;
	v14 =	vmul.f32 v14, v1;
	v26 =	vld [tilespmem:s13+$0xD0]  }
0x171: {  	v21 =	vcvt.f32.s32 v21;
	v25 =	vcvt.f32.s32 v25;
	v19 =	vadd.f32 v19, v2;
	v27 =	vld.idx.msk [tilespmem:v17+s6+$0x0], $0xffff  }
0x172: {  	v29 =	vcvt.s32.f32 v16;
	v28 =	vtrunc.f32 v20;
	v14 =	vadd.f32 v14, v2;
	v30 =	vld.idx.msk [tilespmem:v7+s6+$0x0], $0xffff  }
0x173: {  	v28 =	vcvt.f32.s32 v28;
	v31 =	vtrunc.f32 v19;
	v4 =	vld.idx.msk [tilespmem:v4+s17+$0x0], $0xffff  }
0x174: {  	v12 =	vsub.f32 v12, v29;
	v31 =	vcvt.f32.s32 v31;
	v32 =	vtrunc.f32 v14;
	v33 =	vld.idx.msk [tilespmem:v24+s22+$0x0], $0xffff  }
0x175: {  	v29 =	vcvt.f32.s32 v32;
	v26 =	vmul.f32 v26, v1;
	v17 =	vld.idx.msk [tilespmem:v17+s17+$0x0], $0xffff  }
0x176: {  	v34 =	vcvt.s32.f32 v24;
	v32 =	vcvt.s32.f32 v28;
	v24 =	vld.idx.msk [tilespmem:v24+s21+$0x0], $0xffff  }
0x177: {  	v35 =	vcvt.s32.f32 v31;
	v36 =	vcvt.s32.f32 v29;
	v37 =	vld.idx.msk [tilespmem:v16+s29+$0x0], $0xffff;
	v26 =	vadd.f32 v26, v2  }
0x178: {  	v10 =	vsub.f32 v10, v34;
	v20 =	vsub.f32 v20, v32;
	v32 =	vcvt.s32.f32 v21;
	v34 =	vld.idx.msk [tilespmem:v21+s29+$0x0], $0xffff  }
0x179: {  	v19 =	vsub.f32 v19, v35;
	v38 =	vld.idx.msk [tilespmem:v28+s22+$0x0], $0xffff;
	v14 =	vsub.f32 v14, v36;
	v35 =	vtrunc.f32 v26  }
0x17a: {  	v10 =	vmul.f32 v10, v33;
	v8 =	vsub.f32 v8, v32;
	v36 =	vld.idx.msk [tilespmem:v31+s22+$0x0], $0xffff;
	v32 =	vcvt.f32.s32 v35  }
0x17b: {  	v22 =	vmul.f32 v22, v1;
	v35 =	vcvt.s32.f32 v25;
	v33 =	vld.idx.msk [tilespmem:v29+s22+$0x0], $0xffff  }
0x17c: {  	v9 =	vmul.f32 v9, v18;
	v18 =	vmul.f32 v23, v1;
	v10 =	vadd.f32 v10, v24;
	v28 =	vld.idx.msk [tilespmem:v28+s21+$0x0], $0xffff  }
0x17d: {  	v22 =	vadd.f32 v22, v2;
	v12 =	vmul.f32 v12, v37;
	v11 =	vsub.f32 v11, v35;
	v23 =	vld.idx.msk [tilespmem:v31+s21+$0x0], $0xffff  }
0x17e: {  	v8 =	vmul.f32 v8, v34;
	v24 =	vld.idx.msk [tilespmem:v29+s21+$0x0], $0xffff;
	[tilespmem:s12+$0x90] =	vst v10;
	v10 =	vadd.f32 v18, v2  }
0x17f: {  	v9 =	vadd.f32 v9, v13;
	v13 =	vtrunc.f32 v22;
	v18 =	vmul.f32 v20, v38;
	v20 =	vld [tilespmem:s5+$0xA0]  }
0x180: {  	v19 =	vmul.f32 v19, v36;
	v29 =	vld.idx.msk [tilespmem:v32+s31+$0x0], $0xffff;
	v31 =	vtrunc.f32 v10  }
0x181: {  	v14 =	vmul.f32 v14, v33;
	v33 =	vld.idx.msk [tilespmem:v25+s29+$0x0], $0xffff;
	[tilespmem:s11+$0xFFFFFF60] =	vst v9;
	v9 =	vcvt.f32.s32 v13  }
0x182: {  	v13 =	vadd.f32 v18, v28;
	v18 =	vcvt.s32.f32 v32;
	v31 =	vcvt.f32.s32 v31;
	v28 =	vld.idx.msk [tilespmem:v32+s30+$0x0], $0xffff  }
0x183: {  	v3 =	vmul.f32 v3, v15;
	v19 =	vadd.f32 v19, v23;
	v16 =	vld.idx.msk [tilespmem:v16+s28+$0x0], $0xffff;
	v23 =	vcvt.s32.f32 v9  }
0x184: {  	v15 =	vsub.f32 v26, v18;
	[tilespmem:s12+$0xFFFFFF10] =	vst v13;
	v13 =	vadd.f32 v14, v24;
	v14 =	vmul.f32 v20, v1;
	v18 =	vld [tilespmem:s8+$0xFFFFFF70]  }
0x185: {  	v5 =	vmul.f32 v5, v27;
	v20 =	vld [tilespmem:s5+$0xFFFFFF20];
	[tilespmem:s12+$0xFFFFFF90] =	vst v19;
	v19 =	vsub.f32 v22, v23;
	v22 =	vcvt.s32.f32 v31  }
0x186: {  	v6 =	vmul.f32 v6, v30;
	v23 =	vld [tilespmem:s5+$0xFFFFFFA0];
	[tilespmem:s12+$0x10] =	vst v13;
	v13 =	vadd.f32 v14, v2;
	v14 =	vmul.f32 v15, v29  }
0x187: {  	v3 =	vadd.f32 v3, v4;
	v11 =	vmul.f32 v11, v33;
	v15 =	vld [tilespmem:s5+$0x20];
	v10 =	vsub.f32 v10, v22  }
0x188: {  	v5 =	vadd.f32 v5, v17;
	v4 =	vtrunc.f32 v13;
	v21 =	vld.idx.msk [tilespmem:v21+s28+$0x0], $0xffff;
	v14 =	vadd.f32 v14, v28  }
0x189: {  	v12 =	vadd.f32 v12, v16;
	v4 =	vcvt.f32.s32 v4;
	v16 =	vld.idx.msk [tilespmem:v25+s28+$0x0], $0xffff;
	v17 =	vmul.f32 v18, v1;
	[tilespmem:s4+$0xFFFFFF70] =	vst v3  }
0x18a: {  	v18 =	vmul.f32 v20, v1;
	[tilespmem:s2+$0xD0] =	vst v14;
	v14 =	vld.idx.msk [tilespmem:v9+s1+$0x0], $0xffff  }
0x18b: {  	v20 =	vmul.f32 v23, v1;
	[tilespmem:s2+$0xFFFFFF40] =	vst v12;
	v12 =	vld [tilespmem:s13+$0xE0];
	v3 =	vadd.f32 v17, v2  }
0x18c: {  	v17 =	vadd.f32 v18, v2;
	v15 =	vmul.f32 v15, v1;
	v18 =	vld [tilespmem:s13+$0xFFFFFF50];
	[tilespmem:s4+$0xFFFFFFF0] =	vst v5  }
0x18d: {  	v5 =	vadd.f32 v20, v2;
	v20 =	vtrunc.f32 v3;
	v22 =	vld.idx.msk [tilespmem:v31+s1+$0x0], $0xffff  }
0x18e: {  	v8 =	vadd.f32 v8, v21;
	v23 =	vtrunc.f32 v17;
	v15 =	vadd.f32 v15, v2;
	v9 =	vld.idx.msk [tilespmem:v9+s0+$0x0], $0xffff  }
0x18f: {  	v11 =	vadd.f32 v11, v16;
	v21 =	vcvt.f32.s32 v23;
	v23 =	vtrunc.f32 v5;
	v24 =	vld.idx.msk [tilespmem:v4+s24+$0x0], $0xffff  }
0x190: {  	v16 =	vtrunc.f32 v15;
	[tilespmem:s2+$0xFFFFFFC0] =	vst v8;
	v8 =	vmul.f32 v12, v1;
	v12 =	vld.idx.msk [tilespmem:v31+s0+$0x0], $0xffff  }
0x191: {  	v25 =	vcvt.s32.f32 v4;
	v23 =	vcvt.f32.s32 v23;
	v4 =	vld.idx.msk [tilespmem:v4+s23+$0x0], $0xffff;
	[tilespmem:s2+$0x40] =	vst v11  }
0x192: {  	v11 =	vcvt.s32.f32 v21;
	v16 =	vcvt.f32.s32 v16;
	v26 =	vld [tilespmem:s13+$0xFFFFFFD0];
	v27 =	vadd.f32 v8, v2  }
0x193: {  	v13 =	vsub.f32 v13, v25;
	v18 =	vmul.f32 v18, v1;
	v8 =	vcvt.s32.f32 v23;
	v25 =	vld [tilespmem:s13+$0x50]  }
0x194: {  	v11 =	vsub.f32 v17, v11;
	v17 =	vcvt.s32.f32 v16;
	v28 =	vtrunc.f32 v27;
	v7 =	vld.idx.msk [tilespmem:v7+s17+$0x0], $0xffff  }
0x195: {  	v5 =	vsub.f32 v5, v8;
	v8 =	vmul.f32 v13, v24;
	v29 =	vld.idx.msk [tilespmem:v21+s24+$0x0], $0xffff;
	v13 =	vcvt.f32.s32 v28  }
0x196: {  	v14 =	vmul.f32 v19, v14;
	v18 =	vadd.f32 v18, v2;
	v15 =	vsub.f32 v15, v17;
	v21 =	vld.idx.msk [tilespmem:v21+s23+$0x0], $0xffff  }
0x197: {  	v10 =	vmul.f32 v10, v22;
	v4 =	vadd.f32 v8, v4;
	v17 =	vld.idx.msk [tilespmem:v23+s24+$0x0], $0xffff;
	v8 =	vmul.f32 v26, v1  }
0x198: {  	v9 =	vadd.f32 v14, v9;
	v22 =	vtrunc.f32 v18;
	v19 =	vld.idx.msk [tilespmem:v16+s24+$0x0], $0xffff;
	v24 =	vmul.f32 v25, v1  }
0x199: {  	v22 =	vcvt.f32.s32 v22;
	v14 =	vld.idx.msk [tilespmem:v23+s23+$0x0], $0xffff;
	[tilespmem:s12+$0xA0] =	vst v4;
	v23 =	vadd.f32 v8, v2;
	v8 =	vadd.f32 v10, v12  }
0x19a: {  	v4 =	vcvt.f32.s32 v20;
	v6 =	vadd.f32 v6, v7;
	v10 =	vld [tilespmem:s5+$0xB0];
	v12 =	vadd.f32 v24, v2;
	[tilespmem:s11+$0xFFFFFFE0] =	vst v9  }
0x19b: {  	v7 =	vmul.f32 v11, v29;
	v9 =	vtrunc.f32 v23;
	v11 =	vld.idx.msk [tilespmem:v13+s1+$0x0], $0xffff;
	[tilespmem:s11+$0x60] =	vst v8  }
0x19c: {  	v16 =	vld.idx.msk [tilespmem:v16+s23+$0x0], $0xffff;
	v24 =	vcvt.f32.s32 v9;
	v8 =	vtrunc.f32 v12;
	[tilespmem:s4+$0x70] =	vst v6;
	s4 =	smov.u32 s11;
	s11 =	smov.u32 s2;
	s2 =	smov.u32 s12  }
0x19d: {  	v6 =	vadd.f32 v7, v21;
	v5 =	vmul.f32 v5, v17;
	v7 =	vcvt.s32.f32 v13;
	v9 =	vld.idx.msk [tilespmem:v13+s0+$0x0], $0xffff  }
0x19e: {  	v13 =	vmul.f32 v15, v19;
	v8 =	vcvt.f32.s32 v8;
	v20 =	vld [tilespmem:s8+$0xFFFFFFF0]  }
0x19f: {  	v5 =	vadd.f32 v5, v14;
	v7 =	vsub.f32 v27, v7;
	[tilespmem:s12+$0xFFFFFF20] =	vst v6;
	v6 =	vmul.f32 v10, v1;
	v10 =	vld [tilespmem:s8+$0x70];
	s8 =	smov.u32 s13;
	s13 =	smov.u32 s5  }
0x1a0: {  	v15 =	vcvt.s32.f32 v22;
	v19 =	vcvt.s32.f32 v24;
	v14 =	vld [tilespmem:s5+$0xFFFFFF30]  }
0x1a1: {  	v7 =	vmul.f32 v7, v11;
	[tilespmem:s12+$0xFFFFFFA0] =	vst v5;
	v17 =	vadd.f32 v6, v2;
	v6 =	vld.idx.msk [tilespmem:v22+s31+$0x0], $0xffff;
	v5 =	vcvt.s32.f32 v8  }
0x1a2: {  	v11 =	vadd.f32 v13, v16;
	v16 =	vsub.f32 v18, v15;
	v18 =	vcvt.s32.f32 v4;
	v21 =	vld [tilespmem:s5+$0xFFFFFFB0]  }
0x1a3: {  	v15 =	vsub.f32 v23, v19;
	v7 =	vadd.f32 v7, v9;
	v25 =	vtrunc.f32 v17;
	v13 =	vld.idx.msk [tilespmem:v24+s31+$0x0], $0xffff  }
.Ltmp2:
0x1a4: {  	v12 =	vsub.f32 v12, v5;
	v5 =	vmul.f32 v20, v1;
	[tilespmem:s12+$0x20] =	vst v11;
	v19 =	vcvt.f32.s32 v25;
	v11 =	vld.idx.msk [tilespmem:v8+s31+$0x0], $0xffff;
	(pc) =	sbr.rel @p1 .LBB2_3-.Ltmp2, $4  }
0x1a5: {  	v3 =	vsub.f32 v3, v18;
	v23 =	vmul.f32 v10, v1;
	v14 =	vmul.f32 v14, v1;
	v20 =	vld [tilespmem:s5+$0x30];
	[tilespmem:s11+$0xE0] =	vst v7  }
0x1a6: {  	v5 =	vadd.f32 v5, v2;
	v9 =	vld [tilespmem:s8+$0xF0]  }
0x1a7: {  	v16 =	vmul.f32 v16, v6;
	v18 =	vadd.f32 v14, v2;
	v21 =	vmul.f32 v21, v1;
	v14 =	vld.idx.msk [tilespmem:v22+s30+$0x0], $0xffff  }
0x1a8: {  	s5 =	sadd.s32 $0x200, s5;
	v6 =	vadd.f32 v23, v2;
	v7 =	vtrunc.f32 v5;
	v10 =	vld.idx.msk [tilespmem:v24+s30+$0x0], $0xffff  }
0x1a9: {  	_ =	sdelay $0x3  }
0x1aa: {  	v22 =	vld.idx.msk [tilespmem:v19+s26+$0x0], $0xffff  }
0x1ab: {  	v23 =	vcvt.s32.f32 v19  }
0x1ac: {  	v41 =	vld.idx.msk [tilespmem:v19+s25+$0x0], $0xffff  }
0x1ad: {  	v17 =	vsub.f32 v17, v23  }
0x1ae: {  	v42 =	vtrunc.f32 v18;
	v20 =	vmul.f32 v20, v1  }
0x1af: {  	v21 =	vadd.f32 v21, v2;
	v23 =	vcvt.f32.s32 v42;
	v17 =	vmul.f32 v17, v22  }
0x1b0: {  	v20 =	vadd.f32 v20, v2  }
0x1b1: {  	v43 =	vtrunc.f32 v21;
	v17 =	vadd.f32 v17, v41  }
0x1b2: {  	v22 =	vcvt.f32.s32 v43;
	v24 =	vtrunc.f32 v20  }
0x1b3: {  	v44 =	vcvt.f32.s32 v24;
	[tilespmem:s12+$0xB0] =	vst v17  }
0x1b4: {  	v17 =	vld [tilespmem:s13+$0xC0]  }
0x1b5: {  	v45 =	vld.idx.msk [tilespmem:v23+s26+$0x0], $0xffff  }
0x1b6: {  	v25 =	vld.idx.msk [tilespmem:v23+s25+$0x0], $0xffff;
	v23 =	vcvt.s32.f32 v23;
	_ =	sdelay $0x1  }
0x1b7: {  	v46 =	vsub.f32 v18, v23;
	v26 =	vld.idx.msk [tilespmem:v22+s26+$0x0], $0xffff  }
0x1b8: {  	v27 =	vcvt.s32.f32 v22;
	v28 =	vld.idx.msk [tilespmem:v44+s26+$0x0], $0xffff;
	v17 =	vmul.f32 v17, v1  }
0x1b9: {  	v47 =	vcvt.s32.f32 v44;
	v22 =	vld.idx.msk [tilespmem:v22+s25+$0x0], $0xffff;
	v18 =	vmul.f32 v46, v45  }
0x1ba: {  	v21 =	vsub.f32 v21, v27;
	v19 =	vld.idx.msk [tilespmem:v44+s25+$0x0], $0xffff;
	v17 =	vadd.f32 v17, v2  }
0x1bb: {  	v20 =	vsub.f32 v20, v47;
	v18 =	vadd.f32 v18, v25  }
0x1bc: {  	v21 =	vmul.f32 v21, v26;
	v48 =	vtrunc.f32 v17  }
0x1bd: {  	v20 =	vmul.f32 v20, v28;
	[tilespmem:s12+$0xFFFFFF30] =	vst v18;
	v23 =	vcvt.f32.s32 v48  }
0x1be: {  	v21 =	vadd.f32 v21, v22;
	v18 =	vld [tilespmem:s13+$0xFFFFFF40]  }
0x1bf: {  	v19 =	vadd.f32 v20, v19  }
0x1c0: {  	[tilespmem:s2+$0xFFFFFFB0] =	vst v21  }
0x1c1: {  	v49 =	vld [tilespmem:s13+$0xFFFFFFC0];
	[tilespmem:s2+$0x30] =	vst v19  }
0x1c2: {  	v19 =	vld [tilespmem:s13+$0x40]  }
0x1c3: {  	v18 =	vmul.f32 v18, v1;
	v50 =	vld.idx.msk [tilespmem:v23+s29+$0x0], $0xffff  }
0x1c4: {  	v51 =	vcvt.s32.f32 v23  }
0x1c5: {  	v18 =	vadd.f32 v18, v2;
	v23 =	vld.idx.msk [tilespmem:v23+s28+$0x0], $0xffff  }
0x1c6: {  	v17 =	vsub.f32 v17, v51;
	v20 =	vmul.f32 v49, v1  }
0x1c7: {  	v19 =	vmul.f32 v19, v1;
	v52 =	vtrunc.f32 v18  }
0x1c8: {  	v20 =	vadd.f32 v20, v2;
	v21 =	vcvt.f32.s32 v52;
	v17 =	vmul.f32 v17, v50  }
0x1c9: {  	v19 =	vadd.f32 v19, v2  }
0x1ca: {  	v53 =	vtrunc.f32 v20;
	v17 =	vadd.f32 v17, v23  }
0x1cb: {  	v54 =	vtrunc.f32 v19;
	v22 =	vcvt.f32.s32 v53  }
0x1cc: {  	v55 =	vcvt.f32.s32 v54;
	[tilespmem:s2+$0xC0] =	vst v17  }
0x1cd: {  	v17 =	vld [tilespmem:s13+$0xD0]  }
0x1ce: {  	v56 =	vld.idx.msk [tilespmem:v21+s29+$0x0], $0xffff  }
0x1cf: {  	v58 =	vcvt.s32.f32 v21  }
0x1d0: {  	v21 =	vld.idx.msk [tilespmem:v21+s28+$0x0], $0xffff  }
0x1d1: {  	v18 =	vsub.f32 v18, v58;
	v57 =	vld.idx.msk [tilespmem:v22+s29+$0x0], $0xffff  }
0x1d2: {  	v60 =	vcvt.s32.f32 v22;
	v59 =	vld.idx.msk [tilespmem:v55+s29+$0x0], $0xffff;
	v17 =	vmul.f32 v17, v1  }
0x1d3: {  	v61 =	vcvt.s32.f32 v55;
	v22 =	vld.idx.msk [tilespmem:v22+s28+$0x0], $0xffff;
	v18 =	vmul.f32 v18, v56  }
0x1d4: {  	v20 =	vsub.f32 v20, v60;
	v23 =	vld.idx.msk [tilespmem:v55+s28+$0x0], $0xffff;
	v17 =	vadd.f32 v17, v2  }
0x1d5: {  	v19 =	vsub.f32 v19, v61;
	v18 =	vadd.f32 v18, v21  }
0x1d6: {  	v20 =	vmul.f32 v20, v57;
	v62 =	vtrunc.f32 v17  }
0x1d7: {  	v19 =	vmul.f32 v19, v59;
	[tilespmem:s2+$0xFFFFFF40] =	vst v18;
	v63 =	vcvt.f32.s32 v62  }
0x1d8: {  	v20 =	vadd.f32 v20, v22;
	v18 =	vld [tilespmem:s13+$0xFFFFFF50]  }
0x1d9: {  	v19 =	vadd.f32 v19, v23  }
0x1da: {  	[tilespmem:s2+$0xFFFFFFC0] =	vst v20  }
0x1db: {  	v20 =	vld [tilespmem:s13+$0xFFFFFFD0];
	[tilespmem:s2+$0x40] =	vst v19  }
0x1dc: {  	v19 =	vld [tilespmem:s13+$0x50]  }
0x1dd: {  	v18 =	vmul.f32 v18, v1;
	v24 =	vld.idx.msk [tilespmem:v63+s31+$0x0], $0xffff  }
0x1de: {  	v25 =	vcvt.s32.f32 v63  }
0x1df: {  	v8 =	vld.idx.msk [tilespmem:v8+s30+$0x0], $0xffff;
	v13 =	vmul.f32 v15, v13;
	v11 =	vmul.f32 v12, v11;
	v18 =	vadd.f32 v18, v2  }
0x1e0: {  	v14 =	vadd.f32 v16, v14;
	v17 =	vsub.f32 v17, v25;
	v26 =	vmul.f32 v20, v1  }
0x1e1: {  	v27 =	vld.idx.msk [tilespmem:v63+s30+$0x0], $0xffff;
	v28 =	vmul.f32 v19, v1;
	v32 =	vtrunc.f32 v18  }
0x1e2: {  	[tilespmem:s11+$0xFFFFFF50] =	vst v14;
	v29 =	vadd.f32 v26, v2;
	v31 =	vmul.f32 v17, v24;
	v17 =	vcvt.f32.s32 v32  }
0x1e3: {  	v10 =	vadd.f32 v13, v10;
	v30 =	vld [tilespmem:s8+$0xFFFFFF60];
	v12 =	vadd.f32 v28, v2  }
0x1e4: {  	v8 =	vadd.f32 v11, v8;
	v33 =	vtrunc.f32 v29  }
0x1e5: {  	[tilespmem:s11+$0xFFFFFFD0] =	vst v10;
	v34 =	vcvt.f32.s32 v33;
	v36 =	vtrunc.f32 v12  }
0x1e6: {  	[tilespmem:s11+$0x50] =	vst v8;
	v37 =	vld [tilespmem:s8+$0xFFFFFFE0];
	v13 =	vcvt.f32.s32 v36;
	v35 =	vadd.f32 v31, v27  }
0x1e7: {  	v39 =	vld [tilespmem:s8+$0x60]  }
0x1e8: {  	v38 =	vmul.f32 v30, v1;
	[tilespmem:s2+$0xD0] =	vst v35;
	v40 =	vld.idx.msk [tilespmem:v17+s31+$0x0], $0xffff  }
0x1e9: {  	v41 =	vcvt.s32.f32 v17;
	v10 =	vld [tilespmem:s13+$0xE0]  }
0x1ea: {  	v15 =	vadd.f32 v38, v2;
	v17 =	vld.idx.msk [tilespmem:v17+s30+$0x0], $0xffff  }
0x1eb: {  	v8 =	vmul.f32 v37, v1;
	v18 =	vsub.f32 v18, v41;
	v42 =	vld.idx.msk [tilespmem:v34+s31+$0x0], $0xffff  }
0x1ec: {  	v43 =	vtrunc.f32 v15;
	v44 =	vcvt.s32.f32 v34;
	v45 =	vld.idx.msk [tilespmem:v13+s31+$0x0], $0xffff  }
0x1ed: {  	v8 =	vadd.f32 v8, v2;
	v46 =	vcvt.s32.f32 v13;
	v11 =	vld.idx.msk [tilespmem:v34+s30+$0x0], $0xffff;
	v18 =	vmul.f32 v18, v40  }
0x1ee: {  	v22 =	vcvt.f32.s32 v43;
	v14 =	vsub.f32 v29, v44;
	v13 =	vld.idx.msk [tilespmem:v13+s30+$0x0], $0xffff;
	v10 =	vmul.f32 v10, v1  }
0x1ef: {  	v9 =	vmul.f32 v9, v1;
	v12 =	vsub.f32 v12, v46;
	v17 =	vadd.f32 v18, v17  }
0x1f0: {  	v16 =	vmul.f32 v39, v1;
	v14 =	vmul.f32 v14, v42;
	v10 =	vadd.f32 v10, v2  }
0x1f1: {  	v47 =	vtrunc.f32 v8;
	v12 =	vmul.f32 v12, v45;
	[tilespmem:s2+$0xFFFFFF50] =	vst v17  }
0x1f2: {  	v19 =	vcvt.f32.s32 v47;
	v11 =	vadd.f32 v14, v11;
	v48 =	vtrunc.f32 v10;
	v17 =	vld [tilespmem:s13+$0xFFFFFF60]  }
0x1f3: {  	v12 =	vadd.f32 v12, v13;
	v18 =	vcvt.f32.s32 v48  }
0x1f4: {  	v9 =	vadd.f32 v9, v2;
	v53 =	vadd.f32 v16, v2;
	v49 =	vld.idx.msk [tilespmem:v22+s1+$0x0], $0xffff;
	[tilespmem:s2+$0xFFFFFFD0] =	vst v11  }
0x1f5: {  	v50 =	vcvt.s32.f32 v22;
	[tilespmem:s2+$0x50] =	vst v12;
	v54 =	vld [tilespmem:s13+$0xFFFFFFE0]  }
0x1f6: {  	v37 =	vtrunc.f32 v9;
	v16 =	vtrunc.f32 v53;
	v55 =	vld [tilespmem:s13+$0x60]  }
0x1f7: {  	v52 =	vsub.f32 v15, v50;
	v51 =	vld.idx.msk [tilespmem:v22+s0+$0x0], $0xffff;
	v22 =	vcvt.f32.s32 v37;
	v17 =	vmul.f32 v17, v1  }
0x1f8: {  	v16 =	vcvt.f32.s32 v16;
	v56 =	vld.idx.msk [tilespmem:v19+s1+$0x0], $0xffff  }
0x1f9: {  	v57 =	vcvt.s32.f32 v19;
	v11 =	vmul.f32 v52, v49;
	v58 =	vld.idx.msk [tilespmem:v18+s1+$0x0], $0xffff;
	v17 =	vadd.f32 v17, v2  }
0x1fa: {  	v19 =	vld.idx.msk [tilespmem:v19+s0+$0x0], $0xffff;
	v59 =	vcvt.s32.f32 v18;
	v12 =	vmul.f32 v54, v1  }
0x1fb: {  	v8 =	vsub.f32 v8, v57;
	v18 =	vld.idx.msk [tilespmem:v18+s0+$0x0], $0xffff;
	v60 =	vmul.f32 v55, v1;
	v61 =	vtrunc.f32 v17  }
0x1fc: {  	v10 =	vsub.f32 v10, v59;
	v12 =	vadd.f32 v12, v2;
	v62 =	vcvt.f32.s32 v61  }
0x1fd: {  	v47 =	vld.idx.msk [tilespmem:v22+s17+$0x0], $0xffff;
	v31 =	vcvt.s32.f32 v16;
	v8 =	vmul.f32 v8, v56;
	v13 =	vadd.f32 v60, v2  }
0x1fe: {  	v29 =	vld.idx.msk [tilespmem:v16+s1+$0x0], $0xffff;
	v11 =	vadd.f32 v11, v51;
	v28 =	vtrunc.f32 v12;
	v10 =	vmul.f32 v10, v58  }
0x1ff: {  	v16 =	vld.idx.msk [tilespmem:v16+s0+$0x0], $0xffff;
	v8 =	vadd.f32 v8, v19;
	v30 =	vtrunc.f32 v13;
	v19 =	vcvt.f32.s32 v28  }
0x200: {  	v46 =	vld.idx.msk [tilespmem:v22+s6+$0x0], $0xffff;
	[tilespmem:s11+$0xFFFFFF60] =	vst v11;
	v32 =	vcvt.f32.s32 v30;
	v10 =	vadd.f32 v10, v18  }
0x201: {  	v63 =	vld [tilespmem:s8+$0xFFFFFF70]  }
0x202: {  	[tilespmem:s2+$0xE0] =	vst v10;
	v36 =	vld.idx.msk [tilespmem:v62+s1+$0x0], $0xffff  }
0x203: {  	v34 =	vsub.f32 v53, v31;
	v11 =	vcvt.s32.f32 v62;
	v35 =	vld [tilespmem:s13+$0xF0]  }
0x204: {  	v38 =	vld.idx.msk [tilespmem:v62+s0+$0x0], $0xffff  }
0x205: {  	v10 =	vmul.f32 v34, v29;
	v11 =	vsub.f32 v17, v11;
	v39 =	vld.idx.msk [tilespmem:v19+s1+$0x0], $0xffff  }
0x206: {  	v7 =	vcvt.f32.s32 v7;
	v40 =	vcvt.s32.f32 v19;
	v41 =	vld.idx.msk [tilespmem:v32+s1+$0x0], $0xffff  }
0x207: {  	v42 =	vcvt.s32.f32 v32;
	v10 =	vadd.f32 v10, v16;
	v19 =	vld.idx.msk [tilespmem:v19+s0+$0x0], $0xffff;
	v11 =	vmul.f32 v11, v36  }
0x208: {  	v43 =	vtrunc.f32 v6;
	[tilespmem:s11+$0xFFFFFFE0] =	vst v8;
	v44 =	vsub.f32 v12, v40;
	v8 =	vld.idx.msk [tilespmem:v32+s0+$0x0], $0xffff  }
0x209: {  	v22 =	vcvt.s32.f32 v22;
	v33 =	vld [tilespmem:s8+$0xFFFFFFF0];
	v13 =	vsub.f32 v13, v42;
	[tilespmem:s11+$0x60] =	vst v10;
	v11 =	vadd.f32 v11, v38  }
0x20a: {  	v45 =	vld [tilespmem:s8+$0x70];
	v14 =	vmul.f32 v35, v1;
	v10 =	vmul.f32 v44, v39  }
0x20b: {  	v48 =	vcvt.f32.s32 v43;
	v13 =	vmul.f32 v13, v41;
	[tilespmem:s2+$0xFFFFFF60] =	vst v11  }
0x20c: {  	v15 =	vmul.f32 v63, v1;
	v14 =	vadd.f32 v14, v2;
	v10 =	vadd.f32 v10, v19;
	v51 =	vld [tilespmem:s13+$0xFFFFFF70]  }
0x20d: {  	v56 =	vld.idx.msk [tilespmem:v7+s6+$0x0], $0xffff;
	v9 =	vsub.f32 v9, v22;
	v8 =	vadd.f32 v13, v8  }
0x20e: {  	v49 =	vld.idx.msk [tilespmem:v4+s6+$0x0], $0xffff;
	v50 =	vmul.f32 v33, v1;
	v15 =	vadd.f32 v15, v2;
	v53 =	vtrunc.f32 v14;
	[tilespmem:s2+$0xFFFFFFE0] =	vst v10  }
0x20f: {  	v12 =	vmul.f32 v45, v1;
	v18 =	vcvt.f32.s32 v53;
	[tilespmem:s2+$0x60] =	vst v8;
	v54 =	vld [tilespmem:s13+$0xFFFFFFF0]  }
0x210: {  	v9 =	vmul.f32 v9, v46;
	v52 =	vtrunc.f32 v15;
	v11 =	vadd.f32 v50, v2;
	v55 =	vld [tilespmem:s13+$0x70]  }
0x211: {  	v57 =	vld.idx.msk [tilespmem:v48+s6+$0x0], $0xffff;
	v10 =	vcvt.f32.s32 v52;
	v12 =	vadd.f32 v12, v2;
	v13 =	vmul.f32 v51, v1  }
0x212: {  	v61 =	vld.idx.msk [tilespmem:v7+s17+$0x0], $0xffff;
	v7 =	vcvt.s32.f32 v7;
	v58 =	vtrunc.f32 v11  }
0x213: {  	v60 =	vld.idx.msk [tilespmem:v4+s17+$0x0], $0xffff;
	v59 =	vtrunc.f32 v12;
	v25 =	vcvt.f32.s32 v58;
	v13 =	vadd.f32 v13, v2  }
0x214: {  	v62 =	vld.idx.msk [tilespmem:v48+s17+$0x0], $0xffff;
	v26 =	vcvt.f32.s32 v59;
	v8 =	vmul.f32 v54, v1  }
0x215: {  	v5 =	vsub.f32 v5, v7;
	v63 =	vld.idx.msk [tilespmem:v18+s6+$0x0], $0xffff;
	v21 =	vmul.f32 v55, v1;
	v29 =	vtrunc.f32 v13  }
0x216: {  	v20 =	vcvt.s32.f32 v48;
	v36 =	vld.idx.msk [tilespmem:v18+s17+$0x0], $0xffff;
	v8 =	vadd.f32 v8, v2;
	v29 =	vcvt.f32.s32 v29  }
0x217: {  	v3 =	vmul.f32 v3, v49;
	v5 =	vmul.f32 v5, v56;
	v30 =	vld.idx.msk [tilespmem:v10+s6+$0x0], $0xffff;
	v21 =	vadd.f32 v21, v2  }
0x218: {  	v9 =	vadd.f32 v9, v47;
	v37 =	vcvt.s32.f32 v18;
	v40 =	vld.idx.msk [tilespmem:v10+s17+$0x0], $0xffff;
	v31 =	vtrunc.f32 v8  }
0x219: {  	v3 =	vadd.f32 v3, v60;
	v32 =	vld.idx.msk [tilespmem:v25+s6+$0x0], $0xffff;
	v33 =	vtrunc.f32 v21;
	v31 =	vcvt.f32.s32 v31  }
0x21a: {  	v39 =	vsub.f32 v6, v20;
	v42 =	vcvt.s32.f32 v10;
	v41 =	vld.idx.msk [tilespmem:v25+s17+$0x0], $0xffff;
	v33 =	vcvt.f32.s32 v33  }
0x21b: {  	[tilespmem:s11+$0xF0] =	vst v9;
	v5 =	vadd.f32 v5, v61;
	v7 =	vsub.f32 v14, v37;
	v44 =	vcvt.s32.f32 v25;
	v38 =	vld.idx.msk [tilespmem:v26+s6+$0x0], $0xffff  }
0x21c: {  	[tilespmem:s4+$0xFFFFFF70] =	vst v3;
	v6 =	vmul.f32 v39, v57;
	v4 =	vsub.f32 v15, v42;
	v46 =	vcvt.s32.f32 v26;
	v45 =	vld.idx.msk [tilespmem:v29+s6+$0x0], $0xffff  }
0x21d: {  	[tilespmem:s4+$0xFFFFFFF0] =	vst v5;
	v48 =	vsub.f32 v11, v44;
	v43 =	vld.idx.msk [tilespmem:v26+s17+$0x0], $0xffff;
	v7 =	vmul.f32 v7, v63;
	v49 =	vcvt.s32.f32 v29  }
0x21e: {  	v6 =	vadd.f32 v6, v62;
	v51 =	vsub.f32 v12, v46;
	v4 =	vmul.f32 v4, v30;
	v53 =	vld.idx.msk [tilespmem:v29+s17+$0x0], $0xffff  }
0x21f: {  	v3 =	vadd.f32 v7, v36;
	v54 =	vmul.f32 v48, v32;
	v55 =	vsub.f32 v13, v49;
	v47 =	vld.idx.msk [tilespmem:v31+s6+$0x0], $0xffff  }
0x220: {  	[tilespmem:s4+$0x70] =	vst v6;
	v52 =	vcvt.s32.f32 v31;
	v4 =	vadd.f32 v4, v40;
	v5 =	vmul.f32 v51, v38;
	v50 =	vld.idx.msk [tilespmem:v33+s6+$0x0], $0xffff  }
0x221: {  	v56 =	vcvt.s32.f32 v33;
	[tilespmem:s2+$0xF0] =	vst v3;
	v3 =	vadd.f32 v54, v41;
	v57 =	vld.idx.msk [tilespmem:v31+s17+$0x0], $0xffff;
	v7 =	vmul.f32 v55, v45  }
0x222: {  	v8 =	vsub.f32 v8, v52;
	[tilespmem:s11+$0xFFFFFF70] =	vst v4;
	v60 =	vadd.f32 v5, v43;
	v58 =	vld.idx.msk [tilespmem:v33+s17+$0x0], $0xffff  }
0x223: {  	v59 =	vsub.f32 v21, v56;
	[tilespmem:s11+$0xFFFFFFF0] =	vst v3;
	v62 =	vadd.f32 v7, v53  }
0x224: {  	[tilespmem:s11+$0x70] =	vst v60;
	v61 =	vmul.f32 v8, v47  }
0x225: {  	p1 =	sne.s32 s15, $0x1F;
	v3 =	vmul.f32 v59, v50;
	[tilespmem:s2+$0xFFFFFF70] =	vst v62  }
.Ltmp3:
0x226: {  	v63 =	vadd.f32 v61, v57;
	s3 =	rddreg [dreg:$0x5];
	(pc) =	sbr.rel @p1 .LBB2_6-.Ltmp3, $4  }
0x227: {  	v3 =	vadd.f32 v3, v58;
	s3 =	sor.u32 s7, s3  }
0x228: {  	s12 =	rddreg [dreg:$0x3];
	[tilespmem:s2+$0xFFFFFFF0] =	vst v63;
	s4 =	sshrl.u32 s3, $0x3  }
0x229: {  	s13 =	simm.s32 $0x8000;
	[tilespmem:s2+$0x70] =	vst v3;
	s11 =	sadd.s32 s12, s4  }
0x22a: {  	[hbm4b:s11+s18] =	stream.strided.scatter [tilespmem:s13], [sflag:$0x3], $0x4000, s19, s18, $0x38;
	[tilespmem:$0x18080] =	vst v63  }
.Ltmp4:
0x22b: {  	(pc) =	sbr.rel .LBB2_7-.Ltmp4, $4  }
0x22c: {  	_ = 	snop  }
0x22d: {  	_ =	swait.ge [sflag:s9], $0x4000  }
0x22e: {  	[sflag:s9] =	ssyncset.done $0x0  }
0x22f: {  	[sflag:s9] =	ssyncadd.s32 $0xFFFFC000  }
.LBB2_6:
0x230: {  	s2 =	rddreg [dreg:$0xb]  }
0x231: {  	s2 =	sadd.s32 s7, s2  }
0x232: {  	s3 =	rddreg [dreg:$0x0];
	s2 =	sshrl.u32 s2, $0x3  }
.Ltmp5:
0x233: {  	s13 =	simm.s32 $0x0;
	s2 =	sadd.s32 s3, s2;
	(pc) =	sbr.rel @p0 .LBB2_8-.Ltmp5, $4  }
0x234: {  	[tilespmem:s13], [sflag:$0x1] =	stream.strided.gather [hbm4b:s2+s18], $0x4000, s19, s18, $0x38;
	[tilespmem:$0x18080] =	vst v63  }
0x235: {  	_ =	swait.ge [sflag:s9], $0x4000  }
0x236: {  	[sflag:s9] =	ssyncset.done $0x0  }
0x237: {  	[sflag:s9] =	ssyncadd.s32 $0xFFFFC000  }
.LBB2_7:
0x238: {  	_ =	swait.ge [sflag:s10], $0x4000  }
0x239: {  	[sflag:s10] =	ssyncset.done $0x0  }
0x23a: {  	[sflag:s10] =	ssyncadd.s32 $0xFFFFC000  }
.LBB2_8:
0x23b: {  	s8 =	simm.s32 $0x0  }
0x23c: {  	v3 =	vld [tilespmem:s8+$0x4180]  }
0x23d: {  	v4 =	vld [tilespmem:s8+$0x4000]  }
0x23e: {  	v5 =	vld [tilespmem:s8+$0x4080]  }
0x23f: {  	v6 =	vld [tilespmem:s8+$0x4100]  }
0x240: {  	v7 =	vld [tilespmem:s8+$0x4010]  }
0x241: {  	v8 =	vld [tilespmem:s8+$0x4090]  }
0x242: {  	v9 =	vld [tilespmem:s8+$0x4110]  }
0x243: {  	v10 =	vld [tilespmem:s8+$0x4020]  }
0x244: {  	v12 =	vld [tilespmem:s8+$0x4120]  }
0x245: {  	v15 =	vld [tilespmem:s8+$0x4030]  }
0x246: {  	v18 =	vld [tilespmem:s8+$0x4190]  }
0x247: {  	v19 =	vld [tilespmem:s8+$0x40B0];
	v3 =	vmul.f32 v3, v1  }
0x248: {  	v21 =	vld [tilespmem:s8+$0x4130];
	v4 =	vmul.f32 v4, v1  }
0x249: {  	v51 =	vld [tilespmem:s8+$0x4140];
	v7 =	vmul.f32 v7, v1;
	v9 =	vmul.f32 v9, v1;
	v11 =	vadd.f32 v3, v2  }
0x24a: {  	v33 =	vld [tilespmem:s8+$0x4050];
	v6 =	vmul.f32 v6, v1;
	v3 =	vmul.f32 v5, v1;
	v4 =	vadd.f32 v4, v2  }
0x24b: {  	v60 =	vld [tilespmem:s8+$0x4150];
	v7 =	vadd.f32 v7, v2;
	v9 =	vadd.f32 v9, v2;
	v13 =	vtrunc.f32 v11  }
0x24c: {  	v37 =	vld [tilespmem:s8+$0x4160];
	v14 =	vadd.f32 v3, v2;
	v3 =	vtrunc.f32 v4;
	v13 =	vcvt.f32.s32 v13  }
0x24d: {  	v44 =	vld [tilespmem:s8+$0x40F0];
	v17 =	vcvt.f32.s32 v3  }
0x24e: {  	v45 =	vld [tilespmem:s8+$0x4170];
	v16 =	vadd.f32 v6, v2;
	v31 =	vtrunc.f32 v7;
	v50 =	vtrunc.f32 v9  }
0x24f: {  	v5 =	vld [tilespmem:s8+$0x40A0];
	v49 =	vcvt.f32.s32 v31;
	v3 =	vtrunc.f32 v14  }
0x250: {  	s11 =	simm.s32 $0x200;
	v6 =	vld [tilespmem:s8+$0x4040];
	v20 =	vcvt.f32.s32 v3;
	v3 =	vtrunc.f32 v16  }
0x251: {  	v31 =	vcvt.f32.s32 v50;
	v50 =	vld [tilespmem:s11+$0x4080];
	v22 =	vcvt.f32.s32 v3  }
0x252: {  	v18 =	vmul.f32 v18, v1;
	v23 =	vld.idx.msk [tilespmem:v13+s16+$0x0], $0xffff  }
0x253: {  	v8 =	vmul.f32 v8, v1;
	v26 =	vld.idx.msk [tilespmem:v17+s16+$0x0], $0xffff  }
0x254: {  	v10 =	vmul.f32 v10, v1;
	v18 =	vadd.f32 v18, v2;
	v27 =	vcvt.s32.f32 v13;
	v13 =	vld.idx.msk [tilespmem:v13+s14+$0x0], $0xffff  }
0x255: {  	v12 =	vmul.f32 v12, v1;
	v24 =	vcvt.s32.f32 v17;
	v17 =	vld.idx.msk [tilespmem:v17+s14+$0x0], $0xffff  }
0x256: {  	v15 =	vmul.f32 v15, v1;
	v48 =	vtrunc.f32 v18;
	v11 =	vsub.f32 v11, v27;
	v29 =	vld.idx.msk [tilespmem:v20+s16+$0x0], $0xffff  }
0x257: {  	v19 =	vmul.f32 v19, v1;
	v12 =	vadd.f32 v12, v2;
	v27 =	vcvt.f32.s32 v48;
	v30 =	vld.idx.msk [tilespmem:v22+s16+$0x0], $0xffff  }
0x258: {  	v25 =	vcvt.s32.f32 v20;
	v4 =	vsub.f32 v4, v24;
	v11 =	vmul.f32 v11, v23;
	v23 =	vld [tilespmem:s8+$0x41A0]  }
0x259: {  	v8 =	vadd.f32 v8, v2;
	v56 =	vtrunc.f32 v12;
	v28 =	vcvt.s32.f32 v22;
	v20 =	vld.idx.msk [tilespmem:v20+s14+$0x0], $0xffff  }
0x25a: {  	v22 =	vld.idx.msk [tilespmem:v22+s14+$0x0], $0xffff;
	v4 =	vmul.f32 v4, v26;
	v11 =	vadd.f32 v11, v13;
	v13 =	vsub.f32 v14, v25  }
0x25b: {  	v32 =	vtrunc.f32 v8;
	v58 =	vcvt.f32.s32 v56;
	v56 =	vld [tilespmem:s11+$0x4110];
	v16 =	vsub.f32 v16, v28  }
0x25c: {  	v32 =	vcvt.f32.s32 v32;
	v3 =	vld [tilespmem:s8+$0x40C0];
	[tilespmem:s8+$0xC180] =	vst v11;
	v11 =	vmul.f32 v13, v29;
	v13 =	vadd.f32 v4, v17  }
0x25d: {  	v16 =	vmul.f32 v16, v30;
	v17 =	vld.idx.msk [tilespmem:v27+s22+$0x0], $0xffff;
	v23 =	vmul.f32 v23, v1  }
0x25e: {  	v21 =	vmul.f32 v21, v1;
	[tilespmem:s8+$0xC000] =	vst v13;
	v11 =	vadd.f32 v11, v20;
	v13 =	vcvt.s32.f32 v27;
	v20 =	vld.idx.msk [tilespmem:v27+s21+$0x0], $0xffff  }
0x25f: {  	v39 =	vmul.f32 v33, v1;
	v16 =	vadd.f32 v16, v22;
	v23 =	vadd.f32 v23, v2;
	v54 =	vld.idx.msk [tilespmem:v49+s22+$0x0], $0xffff  }
0x260: {  	v53 =	vcvt.s32.f32 v31;
	v5 =	vmul.f32 v5, v1;
	v22 =	vld.idx.msk [tilespmem:v49+s21+$0x0], $0xffff;
	[tilespmem:s8+$0xC080] =	vst v11;
	v11 =	vsub.f32 v18, v13  }
0x261: {  	v10 =	vadd.f32 v10, v2;
	v14 =	vcvt.s32.f32 v49;
	[tilespmem:s8+$0xC100] =	vst v16;
	v16 =	vld [tilespmem:s8+$0x41B0];
	v13 =	vtrunc.f32 v23  }
0x262: {  	v15 =	vadd.f32 v15, v2;
	v55 =	vld.idx.msk [tilespmem:v31+s22+$0x0], $0xffff;
	v13 =	vcvt.f32.s32 v13;
	v11 =	vmul.f32 v11, v17  }
0x263: {  	v7 =	vsub.f32 v7, v14;
	v14 =	vtrunc.f32 v10;
	v18 =	vadd.f32 v5, v2;
	v5 =	vld.idx.msk [tilespmem:v32+s22+$0x0], $0xffff  }
0x264: {  	v52 =	vcvt.s32.f32 v32;
	v14 =	vcvt.f32.s32 v14;
	v11 =	vadd.f32 v11, v20;
	v20 =	vld.idx.msk [tilespmem:v31+s21+$0x0], $0xffff  }
0x265: {  	v62 =	vtrunc.f32 v15;
	v9 =	vsub.f32 v9, v53;
	v53 =	vld [tilespmem:s11+$0x4010];
	v7 =	vmul.f32 v7, v54  }
0x266: {  	v63 =	vcvt.s32.f32 v58;
	v8 =	vsub.f32 v8, v52;
	v57 =	vld.idx.msk [tilespmem:v32+s21+$0x0], $0xffff;
	v17 =	vtrunc.f32 v18  }
0x267: {  	v26 =	vld [tilespmem:s11+$0x40B0];
	v16 =	vmul.f32 v16, v1;
	v9 =	vmul.f32 v9, v55;
	[tilespmem:s8+$0xC190] =	vst v11;
	v7 =	vadd.f32 v7, v22  }
0x268: {  	v21 =	vadd.f32 v21, v2;
	v17 =	vcvt.f32.s32 v17;
	v8 =	vmul.f32 v8, v5;
	v11 =	vld.idx.msk [tilespmem:v13+s24+$0x0], $0xffff  }
0x269: {  	v16 =	vadd.f32 v16, v2;
	[tilespmem:s8+$0xC010] =	vst v7;
	v7 =	vcvt.s32.f32 v13;
	v13 =	vld.idx.msk [tilespmem:v13+s23+$0x0], $0xffff;
	v9 =	vadd.f32 v9, v20  }
0x26a: {  	v6 =	vmul.f32 v6, v1;
	v24 =	vadd.f32 v39, v2;
	v59 =	vcvt.s32.f32 v14;
	v61 =	vld.idx.msk [tilespmem:v14+s24+$0x0], $0xffff  }
0x26b: {  	v8 =	vadd.f32 v8, v57;
	v14 =	vld.idx.msk [tilespmem:v14+s23+$0x0], $0xffff;
	v7 =	vsub.f32 v23, v7;
	v23 =	vtrunc.f32 v16;
	[tilespmem:s8+$0xC110] =	vst v9  }
0x26c: {  	v12 =	vsub.f32 v12, v63;
	v46 =	vtrunc.f32 v24;
	v20 =	vcvt.f32.s32 v23;
	v35 =	vld.idx.msk [tilespmem:v58+s24+$0x0], $0xffff  }
0x26d: {  	v28 =	vmul.f32 v60, v1;
	v10 =	vsub.f32 v10, v59;
	[tilespmem:s8+$0xC090] =	vst v8;
	v7 =	vmul.f32 v7, v11;
	v11 =	vld [tilespmem:s8+$0x41C0]  }
0x26e: {  	v3 =	vmul.f32 v3, v1;
	v22 =	vcvt.s32.f32 v17;
	v8 =	vadd.f32 v19, v2;
	v9 =	vld.idx.msk [tilespmem:v17+s24+$0x0], $0xffff  }
0x26f: {  	v23 =	vcvt.f32.s32 v62;
	v36 =	vld.idx.msk [tilespmem:v58+s23+$0x0], $0xffff;
	v10 =	vmul.f32 v10, v61;
	v7 =	vadd.f32 v7, v13  }
0x270: {  	v18 =	vsub.f32 v18, v22;
	v17 =	vld.idx.msk [tilespmem:v17+s23+$0x0], $0xffff;
	v32 =	vtrunc.f32 v8;
	v13 =	vtrunc.f32 v21  }
0x271: {  	v4 =	vld [tilespmem:s8+$0x40D0];
	v29 =	vcvt.f32.s32 v32;
	v13 =	vcvt.f32.s32 v13;
	[tilespmem:s8+$0xC1A0] =	vst v7;
	v7 =	vadd.f32 v10, v14  }
0x272: {  	v12 =	vmul.f32 v12, v35;
	v10 =	vld.idx.msk [tilespmem:v20+s26+$0x0], $0xffff;
	v11 =	vmul.f32 v11, v1  }
0x273: {  	v5 =	vld [tilespmem:s8+$0x4060];
	[tilespmem:s8+$0xC020] =	vst v7;
	v7 =	vmul.f32 v18, v9;
	v9 =	vcvt.s32.f32 v20  }
0x274: {  	v34 =	vcvt.s32.f32 v23;
	v18 =	vld.idx.msk [tilespmem:v20+s25+$0x0], $0xffff;
	v12 =	vadd.f32 v12, v36;
	v11 =	vadd.f32 v11, v2  }
0x275: {  	v22 =	vcvt.s32.f32 v29;
	v38 =	vld.idx.msk [tilespmem:v23+s26+$0x0], $0xffff;
	v7 =	vadd.f32 v7, v17;
	v9 =	vsub.f32 v16, v9  }
0x276: {  	v6 =	vadd.f32 v6, v2;
	v20 =	vmul.f32 v51, v1;
	v23 =	vld.idx.msk [tilespmem:v23+s25+$0x0], $0xffff;
	[tilespmem:s8+$0xC120] =	vst v12;
	v16 =	vtrunc.f32 v11  }
0x277: {  	v8 =	vsub.f32 v8, v22;
	v16 =	vcvt.f32.s32 v16;
	[tilespmem:s8+$0xC0A0] =	vst v7;
	v7 =	vmul.f32 v9, v10;
	v9 =	vld [tilespmem:s8+$0x41D0]  }
0x278: {  	v17 =	vadd.f32 v3, v2;
	v42 =	vld.idx.msk [tilespmem:v13+s26+$0x0], $0xffff;
	v10 =	vsub.f32 v15, v34;
	v15 =	vtrunc.f32 v6  }
0x279: {  	v14 =	vcvt.s32.f32 v13;
	v20 =	vadd.f32 v20, v2;
	v41 =	vld.idx.msk [tilespmem:v29+s26+$0x0], $0xffff;
	v12 =	vcvt.f32.s32 v15  }
0x27a: {  	v13 =	vld.idx.msk [tilespmem:v13+s25+$0x0], $0xffff;
	v40 =	vtrunc.f32 v17;
	v7 =	vadd.f32 v7, v18;
	v10 =	vmul.f32 v10, v38  }
0x27b: {  	v14 =	vsub.f32 v21, v14;
	v15 =	vtrunc.f32 v20;
	v22 =	vld.idx.msk [tilespmem:v29+s25+$0x0], $0xffff;
	v18 =	vcvt.f32.s32 v40  }
0x27c: {  	v19 =	vld [tilespmem:s8+$0x40E0];
	v15 =	vcvt.f32.s32 v15;
	[tilespmem:s8+$0xC1B0] =	vst v7;
	v10 =	vadd.f32 v10, v23;
	v9 =	vmul.f32 v9, v1  }
0x27d: {  	v21 =	vcvt.s32.f32 v12;
	v14 =	vmul.f32 v14, v42;
	v23 =	vld.idx.msk [tilespmem:v16+s29+$0x0], $0xffff  }
0x27e: {  	[tilespmem:s8+$0xC030] =	vst v10;
	v8 =	vmul.f32 v8, v41;
	v10 =	vcvt.s32.f32 v16;
	v16 =	vld.idx.msk [tilespmem:v16+s28+$0x0], $0xffff;
	v9 =	vadd.f32 v9, v2  }
0x27f: {  	v4 =	vmul.f32 v4, v1;
	v6 =	vsub.f32 v6, v21;
	v13 =	vadd.f32 v14, v13;
	v21 =	vld.idx.msk [tilespmem:v12+s29+$0x0], $0xffff  }
0x280: {  	v14 =	vld [tilespmem:s8+$0x41E0];
	v8 =	vadd.f32 v8, v22;
	v10 =	vsub.f32 v11, v10;
	v11 =	vtrunc.f32 v9  }
0x281: {  	v5 =	vmul.f32 v5, v1;
	v12 =	vld.idx.msk [tilespmem:v12+s28+$0x0], $0xffff;
	v11 =	vcvt.f32.s32 v11  }
0x282: {  	v25 =	vld [tilespmem:s11+$0x4120];
	v4 =	vadd.f32 v4, v2;
	v19 =	vmul.f32 v19, v1;
	[tilespmem:s8+$0xC0B0] =	vst v8;
	v8 =	vmul.f32 v10, v23  }
0x283: {  	v7 =	vcvt.s32.f32 v18;
	v22 =	vadd.f32 v28, v2;
	[tilespmem:s8+$0xC130] =	vst v13;
	v13 =	vcvt.f32.s32 v46;
	v10 =	vld.idx.msk [tilespmem:v18+s29+$0x0], $0xffff  }
0x284: {  	v43 =	vcvt.s32.f32 v15;
	v48 =	vld.idx.msk [tilespmem:v15+s29+$0x0], $0xffff;
	v6 =	vmul.f32 v6, v21;
	v8 =	vadd.f32 v8, v16  }
0x285: {  	v7 =	vsub.f32 v17, v7;
	v47 =	vtrunc.f32 v22;
	v23 =	vtrunc.f32 v4;
	v17 =	vld.idx.msk [tilespmem:v18+s28+$0x0], $0xffff  }
0x286: {  	v15 =	vld.idx.msk [tilespmem:v15+s28+$0x0], $0xffff;
	v18 =	vcvt.f32.s32 v47;
	v6 =	vadd.f32 v6, v12;
	[tilespmem:s8+$0xC1C0] =	vst v8;
	v8 =	vmul.f32 v14, v1  }
0x287: {  	v21 =	vcvt.s32.f32 v13;
	v16 =	vcvt.f32.s32 v23;
	v12 =	vsub.f32 v20, v43;
	v20 =	vld.idx.msk [tilespmem:v11+s31+$0x0], $0xffff  }
0x288: {  	[tilespmem:s8+$0xC040] =	vst v6;
	v6 =	vmul.f32 v7, v10;
	v7 =	vcvt.s32.f32 v11;
	v10 =	vld.idx.msk [tilespmem:v11+s30+$0x0], $0xffff;
	v8 =	vadd.f32 v8, v2  }
0x289: {  	v5 =	vadd.f32 v5, v2;
	v14 =	vcvt.s32.f32 v16;
	v12 =	vmul.f32 v12, v48;
	v11 =	vld.idx.msk [tilespmem:v13+s31+$0x0], $0xffff  }
0x28a: {  	v13 =	vld.idx.msk [tilespmem:v13+s30+$0x0], $0xffff;
	v6 =	vadd.f32 v6, v17;
	v7 =	vsub.f32 v9, v7;
	v9 =	vtrunc.f32 v8  }
0x28b: {  	v4 =	vsub.f32 v4, v14;
	v12 =	vadd.f32 v12, v15;
	v17 =	vld [tilespmem:s8+$0x41F0];
	v9 =	vcvt.f32.s32 v9  }
0x28c: {  	v55 =	vld [tilespmem:s11+$0x4090];
	v15 =	vmul.f32 v37, v1;
	[tilespmem:s8+$0xC0C0] =	vst v6;
	v6 =	vadd.f32 v19, v2;
	v7 =	vmul.f32 v7, v20  }
0x28d: {  	v19 =	vcvt.s32.f32 v18;
	[tilespmem:s8+$0xC140] =	vst v12;
	v12 =	vtrunc.f32 v5;
	v20 =	vsub.f32 v24, v21;
	v21 =	vld.idx.msk [tilespmem:v16+s31+$0x0], $0xffff  }
0x28e: {  	v15 =	vadd.f32 v15, v2;
	v49 =	vld.idx.msk [tilespmem:v18+s31+$0x0], $0xffff;
	v14 =	vcvt.f32.s32 v12;
	v7 =	vadd.f32 v7, v10  }
0x28f: {  	v23 =	vtrunc.f32 v6;
	v10 =	vmul.f32 v20, v11;
	v11 =	vld.idx.msk [tilespmem:v16+s30+$0x0], $0xffff  }
0x290: {  	v18 =	vld.idx.msk [tilespmem:v18+s30+$0x0], $0xffff;
	v12 =	vsub.f32 v22, v19;
	v16 =	vtrunc.f32 v15;
	[tilespmem:s8+$0xC1D0] =	vst v7;
	v7 =	vmul.f32 v17, v1  }
0x291: {  	v17 =	vcvt.f32.s32 v23;
	v10 =	vadd.f32 v10, v13;
	v13 =	vcvt.f32.s32 v16;
	v16 =	vld.idx.msk [tilespmem:v9+s1+$0x0], $0xffff  }
0x292: {  	v3 =	vld [tilespmem:s8+$0x4070];
	v19 =	vcvt.s32.f32 v9;
	v4 =	vmul.f32 v4, v21  }
0x293: {  	v21 =	vadd.f32 v7, v2;
	v7 =	vld.idx.msk [tilespmem:v9+s0+$0x0], $0xffff;
	v9 =	vmul.f32 v12, v49  }
0x294: {  	v32 =	vld [tilespmem:s11+$0x4020];
	v8 =	vsub.f32 v8, v19;
	[tilespmem:s8+$0xC050] =	vst v10;
	v4 =	vadd.f32 v4, v11  }
0x295: {  	v30 =	vmul.f32 v56, v1;
	v11 =	vld.idx.msk [tilespmem:v14+s1+$0x0], $0xffff;
	v9 =	vadd.f32 v9, v18  }
0x296: {  	v26 =	vmul.f32 v26, v1;
	v18 =	vld.idx.msk [tilespmem:v14+s0+$0x0], $0xffff;
	[tilespmem:s8+$0xC0D0] =	vst v4;
	v4 =	vmul.f32 v8, v16  }
0x297: {  	v10 =	vtrunc.f32 v21;
	v8 =	vld.idx.msk [tilespmem:v17+s1+$0x0], $0xffff;
	[tilespmem:s8+$0xC150] =	vst v9;
	v9 =	vcvt.s32.f32 v14  }
0x298: {  	v3 =	vmul.f32 v3, v1;
	v10 =	vcvt.f32.s32 v10;
	v14 =	vld [tilespmem:s11+$0x4000];
	v4 =	vadd.f32 v4, v7  }
0x299: {  	v25 =	vmul.f32 v25, v1;
	v60 =	vmul.f32 v55, v1;
	v19 =	vld.idx.msk [tilespmem:v17+s0+$0x0], $0xffff;
	v5 =	vsub.f32 v5, v9  }
0x29a: {  	v32 =	vmul.f32 v32, v1;
	v23 =	vadd.f32 v3, v2;
	v17 =	vcvt.s32.f32 v17;
	[tilespmem:s8+$0xC1E0] =	vst v4;
	v4 =	vld [tilespmem:s11+$0x4180]  }
0x29b: {  	v35 =	vld [tilespmem:s11+$0x4030];
	v11 =	vmul.f32 v5, v11;
	v5 =	vmul.f32 v50, v1  }
0x29c: {  	v51 =	vld [tilespmem:s11+$0x4100];
	v20 =	vmul.f32 v44, v1;
	v3 =	vtrunc.f32 v23;
	v6 =	vsub.f32 v6, v17  }
0x29d: {  	v52 =	vcvt.s32.f32 v13;
	v16 =	vld.idx.msk [tilespmem:v13+s1+$0x0], $0xffff;
	v14 =	vmul.f32 v14, v1;
	v34 =	vadd.f32 v5, v2  }
0x29e: {  	v22 =	vld.idx.msk [tilespmem:v10+s6+$0x0], $0xffff;
	v36 =	vmul.f32 v6, v8;
	v8 =	vcvt.s32.f32 v10  }
0x29f: {  	v7 =	vld.idx.msk [tilespmem:v10+s17+$0x0], $0xffff;
	v14 =	vadd.f32 v14, v2;
	v10 =	vtrunc.f32 v34;
	v4 =	vmul.f32 v4, v1  }
0x2a0: {  	v3 =	vcvt.f32.s32 v3;
	v12 =	vld.idx.msk [tilespmem:v13+s0+$0x0], $0xffff;
	v13 =	vadd.f32 v20, v2;
	v10 =	vcvt.f32.s32 v10  }
0x2a1: {  	v17 =	vmul.f32 v51, v1;
	v6 =	vld [tilespmem:s11+$0x4190];
	v5 =	vtrunc.f32 v14;
	v57 =	vadd.f32 v4, v2  }
0x2a2: {  	v30 =	vadd.f32 v30, v2;
	v29 =	vld [tilespmem:s11+$0x4140];
	v20 =	vtrunc.f32 v13;
	v37 =	vcvt.f32.s32 v5  }
0x2a3: {  	v38 =	vld [tilespmem:s11+$0x4130];
	v28 =	vadd.f32 v60, v2;
	v4 =	vcvt.f32.s32 v20;
	v20 =	vtrunc.f32 v57  }
0x2a4: {  	v24 =	vld [tilespmem:s11+$0x40A0];
	v54 =	vcvt.s32.f32 v3;
	v17 =	vadd.f32 v17, v2;
	v58 =	vcvt.f32.s32 v20  }
0x2a5: {  	v50 =	vld [tilespmem:s11+$0x41A0];
	v11 =	vadd.f32 v11, v18;
	v18 =	vtrunc.f32 v28;
	v8 =	vsub.f32 v21, v8  }
0x2a6: {  	v5 =	vsub.f32 v15, v52;
	v15 =	vtrunc.f32 v17;
	v6 =	vmul.f32 v6, v1;
	v61 =	vld.idx.msk [tilespmem:v10+s16+$0x0], $0xffff  }
0x2a7: {  	v26 =	vadd.f32 v26, v2;
	v8 =	vmul.f32 v8, v22;
	v22 =	vmul.f32 v53, v1;
	v52 =	vld.idx.msk [tilespmem:v10+s14+$0x0], $0xffff  }
0x2a8: {  	v43 =	vadd.f32 v6, v2;
	v6 =	vsub.f32 v23, v54;
	v23 =	vcvt.s32.f32 v10;
	v59 =	vld.idx.msk [tilespmem:v37+s16+$0x0], $0xffff  }
0x2a9: {  	v40 =	vcvt.f32.s32 v15;
	v42 =	vcvt.s32.f32 v37;
	v22 =	vadd.f32 v22, v2;
	v48 =	vld.idx.msk [tilespmem:v37+s14+$0x0], $0xffff  }
0x2aa: {  	v18 =	vcvt.f32.s32 v18;
	v39 =	vmul.f32 v5, v16;
	v23 =	vsub.f32 v34, v23;
	v21 =	vld.idx.msk [tilespmem:v58+s16+$0x0], $0xffff  }
0x2ab: {  	v15 =	vld [tilespmem:s11+$0x4040];
	v62 =	vsub.f32 v14, v42;
	v51 =	vtrunc.f32 v22;
	v41 =	vcvt.s32.f32 v58  }
0x2ac: {  	v25 =	vadd.f32 v25, v2;
	v53 =	vcvt.f32.s32 v51;
	v33 =	vld.idx.msk [tilespmem:v58+s14+$0x0], $0xffff;
	v23 =	vmul.f32 v23, v61  }
0x2ad: {  	v16 =	vld [tilespmem:s11+$0x40C0];
	v44 =	vtrunc.f32 v43;
	v31 =	vsub.f32 v57, v41;
	v27 =	vmul.f32 v62, v59  }
0x2ae: {  	v9 =	vmul.f32 v45, v1;
	v42 =	vld [tilespmem:s11+$0x4150];
	v49 =	vcvt.f32.s32 v44;
	v23 =	vadd.f32 v23, v52  }
0x2af: {  	v35 =	vmul.f32 v35, v1;
	v63 =	vld.idx.msk [tilespmem:v40+s16+$0x0], $0xffff;
	v27 =	vadd.f32 v27, v48;
	v21 =	vmul.f32 v31, v21  }
0x2b0: {  	v29 =	vmul.f32 v29, v1;
	v38 =	vmul.f32 v38, v1;
	v9 =	vadd.f32 v9, v2;
	v41 =	vld [tilespmem:s11+$0x4050];
	[tilespmem:s11+$0xC080] =	vst v23  }
0x2b1: {  	v24 =	vmul.f32 v24, v1;
	[tilespmem:s11+$0xC000] =	vst v27;
	v59 =	vld.idx.msk [tilespmem:v18+s22+$0x0], $0xffff;
	v10 =	vadd.f32 v21, v33  }
0x2b2: {  	v32 =	vadd.f32 v32, v2;
	v20 =	vtrunc.f32 v9;
	v58 =	vld.idx.msk [tilespmem:v53+s22+$0x0], $0xffff;
	v21 =	vcvt.s32.f32 v40  }
0x2b3: {  	v38 =	vadd.f32 v38, v2;
	v34 =	vmul.f32 v50, v1;
	v5 =	vcvt.f32.s32 v20;
	v40 =	vld.idx.msk [tilespmem:v40+s14+$0x0], $0xffff;
	[tilespmem:s11+$0xC180] =	vst v10  }
0x2b4: {  	v55 =	vcvt.s32.f32 v49;
	v17 =	vsub.f32 v17, v21;
	v21 =	vtrunc.f32 v30;
	v54 =	vld.idx.msk [tilespmem:v49+s22+$0x0], $0xffff  }
0x2b5: {  	v34 =	vadd.f32 v34, v2;
	v57 =	vcvt.s32.f32 v18;
	v33 =	vld.idx.msk [tilespmem:v53+s21+$0x0], $0xffff;
	v21 =	vcvt.f32.s32 v21  }
0x2b6: {  	v56 =	vcvt.s32.f32 v53;
	v10 =	vadd.f32 v36, v19;
	v37 =	vld.idx.msk [tilespmem:v49+s21+$0x0], $0xffff;
	v19 =	vmul.f32 v17, v63  }
0x2b7: {  	v23 =	vtrunc.f32 v34;
	v36 =	vsub.f32 v43, v55;
	v63 =	vld.idx.msk [tilespmem:v18+s21+$0x0], $0xffff;
	v18 =	vsub.f32 v28, v57  }
0x2b8: {  	v61 =	vtrunc.f32 v32;
	v23 =	vcvt.f32.s32 v23;
	v17 =	vld [tilespmem:s11+$0x40D0];
	v19 =	vadd.f32 v19, v40  }
0x2b9: {  	v22 =	vsub.f32 v22, v56;
	v50 =	vmul.f32 v18, v59;
	v18 =	vld [tilespmem:s11+$0x4060];
	v31 =	vmul.f32 v36, v54  }
0x2ba: {  	v24 =	vadd.f32 v24, v2;
	v20 =	vcvt.s32.f32 v4;
	[tilespmem:s11+$0xC100] =	vst v19;
	v19 =	vld [tilespmem:s11+$0x41B0];
	v36 =	vcvt.f32.s32 v61  }
0x2bb: {  	v44 =	vtrunc.f32 v38;
	v22 =	vmul.f32 v22, v58;
	v62 =	vld.idx.msk [tilespmem:v21+s22+$0x0], $0xffff;
	v31 =	vadd.f32 v31, v37  }
0x2bc: {  	v12 =	vadd.f32 v39, v12;
	v15 =	vmul.f32 v15, v1;
	v60 =	vcvt.s32.f32 v21;
	v61 =	vld [tilespmem:s11+$0x41C0]  }
0x2bd: {  	v16 =	vmul.f32 v16, v1;
	v48 =	vtrunc.f32 v24;
	v22 =	vadd.f32 v22, v33;
	v21 =	vld.idx.msk [tilespmem:v21+s21+$0x0], $0xffff;
	[tilespmem:s11+$0xC190] =	vst v31  }
0x2be: {  	v14 =	vcvt.s32.f32 v5;
	v28 =	vcvt.f32.s32 v48;
	v27 =	vsub.f32 v30, v60;
	v51 =	vld.idx.msk [tilespmem:v23+s24+$0x0], $0xffff  }
0x2bf: {  	v16 =	vadd.f32 v16, v2;
	[tilespmem:s11+$0xC010] =	vst v22;
	v22 =	vcvt.s32.f32 v23;
	v19 =	vmul.f32 v19, v1;
	v23 =	vld.idx.msk [tilespmem:v23+s23+$0x0], $0xffff  }
0x2c0: {  	v55 =	vadd.f32 v35, v2;
	v49 =	vtrunc.f32 v25;
	v27 =	vmul.f32 v27, v62;
	v56 =	vld.idx.msk [tilespmem:v36+s24+$0x0], $0xffff  }
0x2c1: {  	v53 =	vcvt.s32.f32 v36;
	v36 =	vld.idx.msk [tilespmem:v36+s23+$0x0], $0xffff;
	v54 =	vadd.f32 v19, v2;
	v19 =	vadd.f32 v50, v63  }
0x2c2: {  	v52 =	vcvt.f32.s32 v49;
	v33 =	vmul.f32 v61, v1;
	v50 =	vld [tilespmem:s11+$0x4070];
	v21 =	vadd.f32 v27, v21  }
0x2c3: {  	v57 =	vcvt.s32.f32 v28;
	v60 =	vtrunc.f32 v55;
	v22 =	vsub.f32 v34, v22;
	[tilespmem:s11+$0xC090] =	vst v19;
	v19 =	vld [tilespmem:s11+$0x40E0]  }
0x2c4: {  	v34 =	vcvt.f32.s32 v60;
	v33 =	vadd.f32 v33, v2;
	v58 =	vtrunc.f32 v54;
	[tilespmem:s11+$0xC110] =	vst v21;
	v21 =	vld.idx.msk [tilespmem:v28+s24+$0x0], $0xffff  }
0x2c5: {  	v9 =	vsub.f32 v9, v14;
	v62 =	vcvt.s32.f32 v52;
	v59 =	vcvt.f32.s32 v58;
	v28 =	vld.idx.msk [tilespmem:v28+s23+$0x0], $0xffff  }
0x2c6: {  	[tilespmem:s8+$0xC0E0] =	vst v10;
	v32 =	vsub.f32 v32, v53;
	v49 =	vtrunc.f32 v33;
	v22 =	vmul.f32 v22, v51;
	v51 =	vld [tilespmem:s11+$0x41D0]  }
0x2c7: {  	v25 =	vsub.f32 v25, v62;
	v62 =	vmul.f32 v42, v1;
	v39 =	vcvt.f32.s32 v49;
	v49 =	vld.idx.msk [tilespmem:v4+s6+$0x0], $0xffff  }
0x2c8: {  	[tilespmem:s8+$0xC060] =	vst v11;
	v14 =	vtrunc.f32 v16;
	v32 =	vmul.f32 v32, v56;
	v22 =	vadd.f32 v22, v23;
	v23 =	vld.idx.msk [tilespmem:v52+s24+$0x0], $0xffff  }
0x2c9: {  	v14 =	vcvt.f32.s32 v14;
	v24 =	vsub.f32 v24, v57;
	v40 =	vadd.f32 v62, v2;
	v62 =	vld.idx.msk [tilespmem:v3+s17+$0x0], $0xffff  }
0x2ca: {  	v17 =	vmul.f32 v17, v1;
	v63 =	vtrunc.f32 v26;
	v30 =	vld.idx.msk [tilespmem:v52+s23+$0x0], $0xffff;
	v32 =	vadd.f32 v32, v36;
	[tilespmem:s11+$0xC1A0] =	vst v22  }
0x2cb: {  	v13 =	vsub.f32 v13, v20;
	v37 =	vcvt.f32.s32 v44;
	v20 =	vcvt.f32.s32 v63;
	v45 =	vld.idx.msk [tilespmem:v59+s26+$0x0], $0xffff  }
0x2cc: {  	v29 =	vadd.f32 v29, v2;
	v46 =	vcvt.s32.f32 v59;
	v21 =	vmul.f32 v24, v21;
	[tilespmem:s11+$0xC020] =	vst v32;
	v27 =	vld.idx.msk [tilespmem:v59+s25+$0x0], $0xffff  }
0x2cd: {  	v15 =	vadd.f32 v15, v2;
	v18 =	vmul.f32 v18, v1;
	v47 =	vld.idx.msk [tilespmem:v34+s26+$0x0], $0xffff;
	v23 =	vmul.f32 v25, v23  }
0x2ce: {  	v43 =	vcvt.s32.f32 v34;
	v4 =	vld.idx.msk [tilespmem:v4+s17+$0x0], $0xffff;
	v32 =	vsub.f32 v54, v46;
	v21 =	vadd.f32 v21, v28  }
0x2cf: {  	v48 =	vcvt.s32.f32 v37;
	v53 =	vtrunc.f32 v15;
	v34 =	vld.idx.msk [tilespmem:v34+s25+$0x0], $0xffff;
	v23 =	vadd.f32 v23, v30  }
0x2d0: {  	v31 =	vsub.f32 v55, v43;
	v55 =	vtrunc.f32 v29;
	v24 =	vld [tilespmem:s11+$0x4160];
	[tilespmem:s11+$0xC0A0] =	vst v21;
	v21 =	vmul.f32 v32, v45  }
0x2d1: {  	v17 =	vadd.f32 v17, v2;
	v52 =	vmul.f32 v41, v1;
	v36 =	vcvt.f32.s32 v53;
	[tilespmem:s11+$0xC120] =	vst v23;
	v23 =	vld.idx.msk [tilespmem:v20+s26+$0x0], $0xffff  }
0x2d2: {  	v22 =	vcvt.s32.f32 v20;
	v25 =	vmul.f32 v31, v47;
	v54 =	vld.idx.msk [tilespmem:v37+s26+$0x0], $0xffff;
	v21 =	vadd.f32 v21, v27  }
0x2d3: {  	v18 =	vadd.f32 v18, v2;
	v50 =	vmul.f32 v50, v1;
	v19 =	vmul.f32 v19, v1;
	v20 =	vld.idx.msk [tilespmem:v20+s25+$0x0], $0xffff  }
0x2d4: {  	v43 =	vtrunc.f32 v17;
	v22 =	vsub.f32 v26, v22;
	v56 =	vld.idx.msk [tilespmem:v37+s25+$0x0], $0xffff;
	v25 =	vadd.f32 v25, v34;
	[tilespmem:s11+$0xC1B0] =	vst v21  }
0x2d5: {  	v28 =	vsub.f32 v38, v48;
	v32 =	vmul.f32 v51, v1;
	v21 =	vcvt.f32.s32 v55;
	v57 =	vld.idx.msk [tilespmem:v39+s29+$0x0], $0xffff  }
0x2d6: {  	v35 =	vadd.f32 v52, v2;
	v47 =	vld.idx.msk [tilespmem:v3+s6+$0x0], $0xffff;
	[tilespmem:s11+$0xC030] =	vst v25;
	v22 =	vmul.f32 v22, v23;
	v23 =	vcvt.s32.f32 v39  }
0x2d7: {  	v58 =	vcvt.s32.f32 v36;
	v32 =	vadd.f32 v32, v2;
	v61 =	vld.idx.msk [tilespmem:v36+s29+$0x0], $0xffff;
	v27 =	vmul.f32 v28, v54  }
0x2d8: {  	v59 =	vcvt.s32.f32 v14;
	v60 =	vld.idx.msk [tilespmem:v39+s28+$0x0], $0xffff;
	v20 =	vadd.f32 v22, v20;
	v22 =	vsub.f32 v33, v23  }
0x2d9: {  	v41 =	vtrunc.f32 v35;
	v36 =	vld.idx.msk [tilespmem:v36+s28+$0x0], $0xffff;
	v23 =	vtrunc.f32 v32;
	v27 =	vadd.f32 v27, v56  }
0x2da: {  	v15 =	vsub.f32 v15, v58;
	v23 =	vcvt.f32.s32 v23;
	[tilespmem:s11+$0xC0B0] =	vst v20;
	v20 =	vmul.f32 v22, v57;
	v22 =	vld [tilespmem:s11+$0x41E0]  }
0x2db: {  	v7 =	vadd.f32 v8, v7;
	v52 =	vtrunc.f32 v18;
	v33 =	vcvt.f32.s32 v41;
	v42 =	vld.idx.msk [tilespmem:v14+s29+$0x0], $0xffff;
	[tilespmem:s11+$0xC130] =	vst v27  }
0x2dc: {  	v13 =	vmul.f32 v13, v49;
	v16 =	vsub.f32 v16, v59;
	v8 =	vmul.f32 v15, v61;
	v44 =	vld.idx.msk [tilespmem:v21+s29+$0x0], $0xffff  }
0x2dd: {  	v24 =	vmul.f32 v24, v1;
	v63 =	vcvt.s32.f32 v21;
	v14 =	vld.idx.msk [tilespmem:v14+s28+$0x0], $0xffff;
	v20 =	vadd.f32 v20, v60  }
0x2de: {  	v11 =	vcvt.s32.f32 v33;
	v15 =	vtrunc.f32 v40;
	v21 =	vld.idx.msk [tilespmem:v21+s28+$0x0], $0xffff;
	v8 =	vadd.f32 v8, v36  }
0x2df: {  	v38 =	vld [tilespmem:s11+$0x40F0];
	v45 =	vsub.f32 v29, v63;
	v27 =	vcvt.f32.s32 v43;
	[tilespmem:s11+$0xC1C0] =	vst v20;
	v22 =	vmul.f32 v22, v1  }
0x2e0: {  	v15 =	vcvt.f32.s32 v15;
	[tilespmem:s11+$0xC040] =	vst v8;
	v20 =	vld.idx.msk [tilespmem:v23+s31+$0x0], $0xffff;
	v8 =	vmul.f32 v16, v42  }
0x2e1: {  	v16 =	vcvt.s32.f32 v23;
	v48 =	vld.idx.msk [tilespmem:v33+s31+$0x0], $0xffff;
	v25 =	vmul.f32 v45, v44;
	v22 =	vadd.f32 v22, v2  }
0x2e2: {  	v6 =	vmul.f32 v6, v47;
	v11 =	vsub.f32 v35, v11;
	v23 =	vld.idx.msk [tilespmem:v23+s30+$0x0], $0xffff;
	v8 =	vadd.f32 v8, v14  }
0x2e3: {  	v10 =	vld.idx.msk [tilespmem:v33+s30+$0x0], $0xffff;
	v14 =	vsub.f32 v32, v16;
	v21 =	vadd.f32 v25, v21;
	v16 =	vtrunc.f32 v22  }
0x2e4: {  	v46 =	vcvt.s32.f32 v27;
	[tilespmem:s11+$0xC0C0] =	vst v8;
	v8 =	vadd.f32 v19, v2;
	v19 =	vld [tilespmem:s11+$0x41F0];
	v16 =	vcvt.f32.s32 v16  }
0x2e5: {  	v14 =	vmul.f32 v14, v20;
	v20 =	vcvt.s32.f32 v15;
	v51 =	vld.idx.msk [tilespmem:v27+s31+$0x0], $0xffff;
	[tilespmem:s11+$0xC140] =	vst v21;
	v21 =	vadd.f32 v24, v2  }
0x2e6: {  	v28 =	vadd.f32 v50, v2;
	v11 =	vmul.f32 v11, v48;
	v24 =	vcvt.f32.s32 v52;
	v54 =	vld.idx.msk [tilespmem:v15+s31+$0x0], $0xffff  }
0x2e7: {  	v53 =	vtrunc.f32 v8;
	v14 =	vadd.f32 v14, v23;
	v23 =	vld.idx.msk [tilespmem:v27+s30+$0x0], $0xffff;
	v55 =	vtrunc.f32 v21  }
0x2e8: {  	[tilespmem:s8+$0xC160] =	vst v12;
	v17 =	vsub.f32 v17, v46;
	v57 =	vld.idx.msk [tilespmem:v15+s30+$0x0], $0xffff;
	v56 =	vcvt.f32.s32 v53;
	v15 =	vcvt.s32.f32 v24  }
0x2e9: {  	v58 =	vld.idx.msk [tilespmem:v5+s6+$0x0], $0xffff;
	v10 =	vadd.f32 v11, v10;
	v59 =	vcvt.s32.f32 v16;
	[tilespmem:s11+$0xC1D0] =	vst v14;
	v12 =	vmul.f32 v19, v1  }
0x2ea: {  	v20 =	vsub.f32 v40, v20;
	v27 =	vcvt.f32.s32 v55;
	v17 =	vmul.f32 v17, v51;
	v14 =	vld.idx.msk [tilespmem:v16+s1+$0x0], $0xffff  }
0x2eb: {  	v31 =	vld [tilespmem:s11+$0x4170];
	v19 =	vcvt.s32.f32 v56;
	v61 =	vsub.f32 v18, v15;
	[tilespmem:s11+$0xC050] =	vst v10;
	v11 =	vadd.f32 v12, v2  }
0x2ec: {  	v10 =	vsub.f32 v22, v59;
	v60 =	vld.idx.msk [tilespmem:v16+s0+$0x0], $0xffff;
	v12 =	vmul.f32 v20, v54;
	v3 =	vadd.f32 v17, v23  }
0x2ed: {  	v16 =	vcvt.s32.f32 v27;
	v22 =	vld.idx.msk [tilespmem:v24+s1+$0x0], $0xffff;
	v15 =	vsub.f32 v8, v19;
	v17 =	vtrunc.f32 v11  }
0x2ee: {  	v19 =	vtrunc.f32 v28;
	v8 =	vadd.f32 v12, v57;
	v12 =	vcvt.f32.s32 v17;
	v17 =	vld.idx.msk [tilespmem:v24+s0+$0x0], $0xffff;
	[tilespmem:s11+$0xC0D0] =	vst v3  }
0x2ef: {  	v18 =	vld.idx.msk [tilespmem:v56+s1+$0x0], $0xffff;
	v10 =	vmul.f32 v10, v14;
	v14 =	vmul.f32 v38, v1  }
0x2f0: {  	v16 =	vsub.f32 v21, v16;
	v3 =	vcvt.f32.s32 v19;
	[tilespmem:s11+$0xC150] =	vst v8;
	v8 =	vmul.f32 v31, v1;
	v20 =	vld.idx.msk [tilespmem:v56+s0+$0x0], $0xffff  }
0x2f1: {  	v9 =	vmul.f32 v9, v58;
	v19 =	vld.idx.msk [tilespmem:v27+s1+$0x0], $0xffff;
	v21 =	vadd.f32 v10, v60;
	v14 =	vadd.f32 v14, v2  }
0x2f2: {  	[tilespmem:s8+$0xC1F0] =	vst v7;
	v63 =	vadd.f32 v6, v62;
	v23 =	vcvt.s32.f32 v3;
	v10 =	vadd.f32 v8, v2;
	v8 =	vld.idx.msk [tilespmem:v27+s0+$0x0], $0xffff  }
0x2f3: {  	v22 =	vmul.f32 v61, v22;
	[tilespmem:s11+$0xC1E0] =	vst v21;
	v6 =	vtrunc.f32 v14;
	v21 =	vadd.f32 v13, v4;
	v13 =	vld.idx.msk [tilespmem:v5+s17+$0x0], $0xffff  }
0x2f4: {  	s2 =	simm.s32 $0x4;
	s3 =	simm.s32 $0x1000;
	[tilespmem:s8+$0xC070] =	vst v63;
	v4 =	vsub.f32 v28, v23;
	v23 =	vtrunc.f32 v10;
	v7 =	vld.idx.msk [tilespmem:v12+s6+$0x0], $0xffff;
	v6 =	vcvt.f32.s32 v6  }
.LBB2_9:
0x2f5: {  	s5 =	sshra.s32 s3, $0x2;
	s2 =	sadd.s32 $0x4, s2;
	v17 =	vadd.f32 v22, v17;
	v15 =	vmul.f32 v15, v18;
	v18 =	vcvt.s32.f32 v12;
	v12 =	vld.idx.msk [tilespmem:v12+s17+$0x0], $0xffff;
	[tilespmem:s8+$0xC0F0] =	vst v21  }
0x2f6: {  	v16 =	vmul.f32 v16, v19;
	v5 =	vcvt.f32.s32 v23;
	v21 =	vld [tilespmem:s5+$0x4180];
	p0 =	slt.u32 s2, $0x7C  }
0x2f7: {  	v19 =	vld [tilespmem:s5+$0x4000];
	[tilespmem:s11+$0xC060] =	vst v17;
	v15 =	vadd.f32 v15, v20;
	v17 =	vcvt.s32.f32 v6;
	v11 =	vsub.f32 v11, v18  }
0x2f8: {  	v16 =	vadd.f32 v16, v8;
	v20 =	vcvt.s32.f32 v5;
	v18 =	vld [tilespmem:s5+$0x4080]  }
0x2f9: {  	v22 =	vld [tilespmem:s5+$0x4100];
	[tilespmem:s11+$0xC0E0] =	vst v15;
	v8 =	vsub.f32 v14, v17;
	v11 =	vmul.f32 v11, v7  }
0x2fa: {  	v7 =	vsub.f32 v10, v20;
	v9 =	vadd.f32 v9, v13;
	v14 =	vld [tilespmem:s5+$0x4010];
	[tilespmem:s11+$0xC160] =	vst v16  }
0x2fb: {  	v10 =	vld [tilespmem:s5+$0x4090];
	v13 =	vmul.f32 v21, v1;
	v11 =	vadd.f32 v11, v12  }
0x2fc: {  	v12 =	vmul.f32 v19, v1;
	v15 =	vld [tilespmem:s5+$0x4110];
	[tilespmem:s8+$0xC170] =	vst v9;
	s8 =	smov.u32 s11;
	s11 =	smov.u32 s5  }
0x2fd: {  	v9 =	vld [tilespmem:s11+$0x4020];
	v16 =	vmul.f32 v18, v1;
	v13 =	vadd.f32 v13, v2;
	[tilespmem:s8+$0xC1F0] =	vst v11  }
0x2fe: {  	v12 =	vadd.f32 v12, v2;
	v17 =	vld [tilespmem:s11+$0x40A0];
	v11 =	vmul.f32 v22, v1  }
0x2ff: {  	v14 =	vmul.f32 v14, v1;
	v16 =	vadd.f32 v16, v2;
	v18 =	vld [tilespmem:s11+$0x4120];
	v19 =	vtrunc.f32 v13  }
0x300: {  	v20 =	vtrunc.f32 v12;
	v21 =	vld [tilespmem:s11+$0x4030];
	v22 =	vadd.f32 v11, v2;
	v19 =	vcvt.f32.s32 v19  }
0x301: {  	v20 =	vcvt.f32.s32 v20;
	v14 =	vadd.f32 v14, v2;
	v11 =	vtrunc.f32 v16;
	v23 =	vld [tilespmem:s11+$0x4190]  }
0x302: {  	v24 =	vcvt.f32.s32 v11;
	v25 =	vld [tilespmem:s11+$0x40B0];
	v11 =	vtrunc.f32 v22  }
0x303: {  	v26 =	vcvt.s32.f32 v20;
	v27 =	vcvt.f32.s32 v11;
	v28 =	vld [tilespmem:s11+$0x4130]  }
0x304: {  	v10 =	vmul.f32 v10, v1;
	v11 =	vld [tilespmem:s11+$0x4040];
	v29 =	vcvt.s32.f32 v24  }
0x305: {  	v15 =	vmul.f32 v15, v1;
	v26 =	vsub.f32 v12, v26;
	v12 =	vld [tilespmem:s11+$0x40C0];
	v30 =	vcvt.s32.f32 v27  }
0x306: {  	v10 =	vadd.f32 v10, v2;
	v16 =	vsub.f32 v16, v29;
	v29 =	vld.idx.msk [tilespmem:v19+s16+$0x0], $0xffff;
	v23 =	vmul.f32 v23, v1  }
0x307: {  	v32 =	vtrunc.f32 v14;
	v15 =	vadd.f32 v15, v2;
	v31 =	vld.idx.msk [tilespmem:v20+s16+$0x0], $0xffff;
	v22 =	vsub.f32 v22, v30  }
0x308: {  	v33 =	vcvt.s32.f32 v19;
	v30 =	vtrunc.f32 v10;
	v19 =	vld.idx.msk [tilespmem:v19+s14+$0x0], $0xffff;
	v23 =	vadd.f32 v23, v2  }
0x309: {  	v32 =	vcvt.f32.s32 v32;
	v35 =	vtrunc.f32 v15;
	v34 =	vld.idx.msk [tilespmem:v24+s16+$0x0], $0xffff  }
0x30a: {  	v13 =	vsub.f32 v13, v33;
	v30 =	vcvt.f32.s32 v30;
	v36 =	vld.idx.msk [tilespmem:v27+s16+$0x0], $0xffff;
	v33 =	vtrunc.f32 v23  }
0x30b: {  	v35 =	vcvt.f32.s32 v35;
	v20 =	vld.idx.msk [tilespmem:v20+s14+$0x0], $0xffff;
	v33 =	vcvt.f32.s32 v33  }
0x30c: {  	v37 =	vcvt.s32.f32 v32;
	v13 =	vmul.f32 v13, v29;
	v29 =	vld [tilespmem:s11+$0x41A0]  }
0x30d: {  	v26 =	vmul.f32 v26, v31;
	v31 =	vcvt.s32.f32 v30;
	v24 =	vld.idx.msk [tilespmem:v24+s14+$0x0], $0xffff  }
0x30e: {  	v14 =	vsub.f32 v14, v37;
	v37 =	vcvt.s32.f32 v35;
	v13 =	vadd.f32 v13, v19;
	v27 =	vld.idx.msk [tilespmem:v27+s14+$0x0], $0xffff  }
0x30f: {  	v9 =	vmul.f32 v9, v1;
	v16 =	vmul.f32 v16, v34;
	v19 =	vsub.f32 v10, v31;
	v31 =	vld [tilespmem:s11+$0x4140]  }
0x310: {  	v15 =	vsub.f32 v15, v37;
	v10 =	vmul.f32 v17, v1;
	v17 =	vmul.f32 v22, v36;
	v34 =	vld [tilespmem:s11+$0x4050];
	[tilespmem:s11+$0xC180] =	vst v13  }
0x311: {  	v18 =	vmul.f32 v18, v1;
	v13 =	vadd.f32 v26, v20;
	v20 =	vld.idx.msk [tilespmem:v33+s22+$0x0], $0xffff;
	v22 =	vmul.f32 v29, v1  }
0x312: {  	v9 =	vadd.f32 v9, v2;
	v21 =	vmul.f32 v21, v1;
	v26 =	vadd.f32 v10, v2;
	v10 =	vld [tilespmem:s11+$0x40D0]  }
0x313: {  	[tilespmem:s11+$0xC000] =	vst v13;
	v13 =	vadd.f32 v16, v24;
	v16 =	vcvt.s32.f32 v33;
	v24 =	vld.idx.msk [tilespmem:v33+s21+$0x0], $0xffff;
	v22 =	vadd.f32 v22, v2  }
0x314: {  	v18 =	vadd.f32 v18, v2;
	v33 =	vtrunc.f32 v9;
	v17 =	vadd.f32 v17, v27;
	v29 =	vld.idx.msk [tilespmem:v32+s22+$0x0], $0xffff  }
0x315: {  	v27 =	vld.idx.msk [tilespmem:v32+s21+$0x0], $0xffff;
	[tilespmem:s11+$0xC080] =	vst v13;
	v13 =	vtrunc.f32 v26;
	v16 =	vsub.f32 v23, v16;
	v23 =	vtrunc.f32 v22  }
0x316: {  	v21 =	vadd.f32 v21, v2;
	v32 =	vld.idx.msk [tilespmem:v30+s22+$0x0], $0xffff;
	[tilespmem:s11+$0xC100] =	vst v17;
	v17 =	vtrunc.f32 v18;
	v23 =	vcvt.f32.s32 v23  }
0x317: {  	v33 =	vcvt.f32.s32 v33;
	v16 =	vmul.f32 v16, v20;
	v20 =	vld [tilespmem:s11+$0x41B0]  }
0x318: {  	v36 =	vcvt.f32.s32 v13;
	v17 =	vcvt.f32.s32 v17;
	v13 =	vld.idx.msk [tilespmem:v35+s22+$0x0], $0xffff  }
0x319: {  	v25 =	vmul.f32 v25, v1;
	v37 =	vcvt.s32.f32 v33;
	v30 =	vld.idx.msk [tilespmem:v30+s21+$0x0], $0xffff;
	v16 =	vadd.f32 v16, v24  }
0x31a: {  	v24 =	vmul.f32 v14, v29;
	v29 =	vcvt.s32.f32 v36;
	v35 =	vld.idx.msk [tilespmem:v35+s21+$0x0], $0xffff  }
0x31b: {  	v28 =	vmul.f32 v28, v1;
	v37 =	vsub.f32 v9, v37;
	v38 =	vcvt.s32.f32 v17;
	v14 =	vld [tilespmem:s11+$0x4150];
	[tilespmem:s11+$0xC190] =	vst v16  }
0x31c: {  	v16 =	vadd.f32 v24, v27;
	v19 =	vmul.f32 v19, v32;
	v24 =	vld.idx.msk [tilespmem:v23+s24+$0x0], $0xffff;
	v20 =	vmul.f32 v20, v1  }
0x31d: {  	v27 =	vtrunc.f32 v21;
	v26 =	vsub.f32 v26, v29;
	v18 =	vsub.f32 v18, v38;
	v9 =	vld [tilespmem:s11+$0x4060]  }
0x31e: {  	v13 =	vmul.f32 v15, v13;
	v15 =	vcvt.s32.f32 v23;
	[tilespmem:s11+$0xC010] =	vst v16;
	v16 =	vld.idx.msk [tilespmem:v23+s23+$0x0], $0xffff;
	v20 =	vadd.f32 v20, v2  }
0x31f: {  	v25 =	vadd.f32 v25, v2;
	v27 =	vcvt.f32.s32 v27;
	v19 =	vadd.f32 v19, v30;
	v23 =	vld.idx.msk [tilespmem:v33+s24+$0x0], $0xffff  }
0x320: {  	v30 =	vadd.f32 v13, v35;
	v15 =	vsub.f32 v22, v15;
	v29 =	vld.idx.msk [tilespmem:v33+s23+$0x0], $0xffff;
	v22 =	vtrunc.f32 v20  }
0x321: {  	v28 =	vadd.f32 v28, v2;
	[tilespmem:s11+$0xC090] =	vst v19;
	v19 =	vtrunc.f32 v25;
	v13 =	vld [tilespmem:s11+$0x40E0];
	v22 =	vcvt.f32.s32 v22  }
0x322: {  	v15 =	vmul.f32 v15, v24;
	v19 =	vcvt.f32.s32 v19;
	[tilespmem:s11+$0xC110] =	vst v30;
	v24 =	vld [tilespmem:s11+$0x41C0]  }
0x323: {  	v33 =	vtrunc.f32 v28;
	v30 =	vcvt.s32.f32 v27;
	v32 =	vld.idx.msk [tilespmem:v36+s24+$0x0], $0xffff  }
0x324: {  	v33 =	vcvt.f32.s32 v33;
	v15 =	vadd.f32 v15, v16;
	v35 =	vcvt.s32.f32 v19;
	v38 =	vld.idx.msk [tilespmem:v17+s24+$0x0], $0xffff  }
0x325: {  	v11 =	vmul.f32 v11, v1;
	v16 =	vmul.f32 v37, v23;
	v21 =	vsub.f32 v21, v30;
	v23 =	vld.idx.msk [tilespmem:v36+s23+$0x0], $0xffff  }
0x326: {  	v12 =	vmul.f32 v12, v1;
	v30 =	vcvt.s32.f32 v33;
	v25 =	vsub.f32 v25, v35;
	v17 =	vld.idx.msk [tilespmem:v17+s23+$0x0], $0xffff;
	[tilespmem:s11+$0xC1A0] =	vst v15  }
0x327: {  	v15 =	vadd.f32 v16, v29;
	v16 =	vmul.f32 v31, v1;
	v29 =	vld.idx.msk [tilespmem:v22+s26+$0x0], $0xffff;
	v24 =	vmul.f32 v24, v1  }
0x328: {  	v34 =	vmul.f32 v34, v1;
	v31 =	vadd.f32 v11, v2;
	v28 =	vsub.f32 v28, v30;
	v11 =	vld [tilespmem:s11+$0x4160]  }
0x329: {  	[tilespmem:s11+$0xC020] =	vst v15;
	v15 =	vmul.f32 v26, v32;
	v26 =	vcvt.s32.f32 v22;
	v22 =	vld.idx.msk [tilespmem:v22+s25+$0x0], $0xffff;
	v24 =	vadd.f32 v24, v2  }
0x32a: {  	v12 =	vadd.f32 v12, v2;
	v16 =	vadd.f32 v16, v2;
	v18 =	vmul.f32 v18, v38;
	v30 =	vld.idx.msk [tilespmem:v27+s26+$0x0], $0xffff  }
0x32b: {  	v27 =	vld.idx.msk [tilespmem:v27+s25+$0x0], $0xffff;
	v15 =	vadd.f32 v15, v23;
	v20 =	vsub.f32 v20, v26;
	v23 =	vtrunc.f32 v24  }
0x32c: {  	v26 =	vtrunc.f32 v31;
	v17 =	vadd.f32 v18, v17;
	v32 =	vld [tilespmem:s11+$0x4070];
	v18 =	vcvt.f32.s32 v23  }
0x32d: {  	v23 =	vadd.f32 v34, v2;
	[tilespmem:s11+$0xC0A0] =	vst v15;
	v15 =	vtrunc.f32 v12;
	v20 =	vmul.f32 v20, v29;
	v29 =	vld [tilespmem:s11+$0x41D0]  }
0x32e: {  	v26 =	vcvt.f32.s32 v26;
	v34 =	vld.idx.msk [tilespmem:v19+s26+$0x0], $0xffff;
	[tilespmem:s11+$0xC120] =	vst v17;
	v17 =	vtrunc.f32 v16  }
0x32f: {  	v15 =	vcvt.f32.s32 v15;
	v35 =	vld.idx.msk [tilespmem:v33+s26+$0x0], $0xffff;
	v17 =	vcvt.f32.s32 v17;
	v20 =	vadd.f32 v20, v22  }
0x330: {  	v21 =	vmul.f32 v21, v30;
	v22 =	vcvt.s32.f32 v26;
	v19 =	vld.idx.msk [tilespmem:v19+s25+$0x0], $0xffff  }
0x331: {  	v30 =	vcvt.s32.f32 v15;
	v33 =	vld.idx.msk [tilespmem:v33+s25+$0x0], $0xffff;
	v36 =	vcvt.s32.f32 v17;
	[tilespmem:s11+$0xC1B0] =	vst v20  }
0x332: {  	v20 =	vadd.f32 v21, v27;
	v21 =	vsub.f32 v31, v22;
	v22 =	vld.idx.msk [tilespmem:v18+s29+$0x0], $0xffff;
	v27 =	vmul.f32 v29, v1  }
0x333: {  	v12 =	vsub.f32 v12, v30;
	v29 =	vmul.f32 v10, v1;
	v10 =	vld [tilespmem:s11+$0x40F0];
	v16 =	vsub.f32 v16, v36  }
0x334: {  	[tilespmem:s11+$0xC030] =	vst v20;
	v20 =	vmul.f32 v25, v34;
	v25 =	vcvt.s32.f32 v18;
	v18 =	vld.idx.msk [tilespmem:v18+s28+$0x0], $0xffff;
	v27 =	vadd.f32 v27, v2  }
0x335: {  	v14 =	vmul.f32 v14, v1;
	v29 =	vadd.f32 v29, v2;
	v28 =	vmul.f32 v28, v35;
	v30 =	vld.idx.msk [tilespmem:v26+s29+$0x0], $0xffff  }
0x336: {  	v26 =	vld.idx.msk [tilespmem:v26+s28+$0x0], $0xffff;
	v19 =	vadd.f32 v20, v19;
	v20 =	vsub.f32 v24, v25;
	v24 =	vtrunc.f32 v27  }
0x337: {  	v14 =	vadd.f32 v14, v2;
	v25 =	vadd.f32 v28, v33;
	v28 =	vld [tilespmem:s11+$0x4170];
	v24 =	vcvt.f32.s32 v24  }
0x338: {  	v31 =	vtrunc.f32 v23;
	[tilespmem:s11+$0xC0B0] =	vst v19;
	v19 =	vmul.f32 v20, v22;
	v20 =	vld [tilespmem:s11+$0x41E0]  }
0x339: {  	v33 =	vtrunc.f32 v29;
	v22 =	vld.idx.msk [tilespmem:v15+s29+$0x0], $0xffff;
	[tilespmem:s11+$0xC130] =	vst v25;
	v25 =	vtrunc.f32 v14  }
0x33a: {  	v31 =	vcvt.f32.s32 v31;
	v33 =	vcvt.f32.s32 v33;
	v34 =	vld.idx.msk [tilespmem:v17+s29+$0x0], $0xffff;
	v18 =	vadd.f32 v19, v18  }
0x33b: {  	v19 =	vmul.f32 v21, v30;
	v21 =	vcvt.f32.s32 v25;
	v15 =	vld.idx.msk [tilespmem:v15+s28+$0x0], $0xffff  }
0x33c: {  	v25 =	vcvt.s32.f32 v31;
	v30 =	vcvt.s32.f32 v33;
	v17 =	vld.idx.msk [tilespmem:v17+s28+$0x0], $0xffff;
	[tilespmem:s11+$0xC1C0] =	vst v18  }
0x33d: {  	v18 =	vadd.f32 v19, v26;
	v19 =	vcvt.s32.f32 v21;
	v26 =	vld.idx.msk [tilespmem:v24+s31+$0x0], $0xffff;
	v20 =	vmul.f32 v20, v1  }
0x33e: {  	v9 =	vmul.f32 v9, v1;
	v23 =	vsub.f32 v23, v25;
	v25 =	vsub.f32 v29, v30;
	v29 =	vld.idx.msk [tilespmem:v3+s6+$0x0], $0xffff  }
0x33f: {  	v12 =	vmul.f32 v12, v22;
	[tilespmem:s11+$0xC040] =	vst v18;
	v18 =	vcvt.s32.f32 v24;
	v22 =	vld.idx.msk [tilespmem:v24+s30+$0x0], $0xffff;
	v20 =	vadd.f32 v20, v2  }
0x340: {  	v13 =	vmul.f32 v13, v1;
	v14 =	vsub.f32 v14, v19;
	v16 =	vmul.f32 v16, v34;
	v24 =	vld.idx.msk [tilespmem:v31+s31+$0x0], $0xffff  }
0x341: {  	v12 =	vadd.f32 v12, v15;
	v19 =	vld.idx.msk [tilespmem:v31+s30+$0x0], $0xffff;
	v15 =	vsub.f32 v27, v18;
	v18 =	vtrunc.f32 v20  }
0x342: {  	v11 =	vmul.f32 v11, v1;
	v16 =	vadd.f32 v16, v17;
	v17 =	vcvt.f32.s32 v18;
	v27 =	vld.idx.msk [tilespmem:v6+s6+$0x0], $0xffff  }
0x343: {  	v9 =	vadd.f32 v9, v2;
	[tilespmem:s11+$0xC0C0] =	vst v12;
	v12 =	vadd.f32 v13, v2;
	v13 =	vmul.f32 v15, v26;
	v15 =	vld [tilespmem:s11+$0x41F0]  }
0x344: {  	v18 =	vmul.f32 v32, v1;
	v26 =	vld.idx.msk [tilespmem:v33+s31+$0x0], $0xffff;
	[tilespmem:s11+$0xC140] =	vst v16;
	v16 =	vadd.f32 v11, v2  }
0x345: {  	v11 =	vtrunc.f32 v9;
	v30 =	vtrunc.f32 v12;
	v31 =	vld.idx.msk [tilespmem:v21+s31+$0x0], $0xffff;
	v13 =	vadd.f32 v13, v22  }
0x346: {  	v22 =	vmul.f32 v23, v24;
	v23 =	vadd.f32 v18, v2;
	v18 =	vld.idx.msk [tilespmem:v33+s30+$0x0], $0xffff;
	v24 =	vtrunc.f32 v16  }
0x347: {  	v32 =	vcvt.f32.s32 v11;
	v30 =	vcvt.f32.s32 v30;
	v21 =	vld.idx.msk [tilespmem:v21+s30+$0x0], $0xffff;
	[tilespmem:s11+$0xC1D0] =	vst v13  }
0x348: {  	v11 =	vadd.f32 v22, v19;
	v13 =	vcvt.f32.s32 v24;
	v19 =	vld.idx.msk [tilespmem:v17+s1+$0x0], $0xffff;
	v15 =	vmul.f32 v15, v1  }
0x349: {  	v22 =	vcvt.s32.f32 v32;
	v24 =	vcvt.s32.f32 v30;
	v33 =	vld.idx.msk [tilespmem:v5+s6+$0x0], $0xffff  }
0x34a: {  	v25 =	vmul.f32 v25, v26;
	v26 =	vcvt.s32.f32 v17;
	[tilespmem:s11+$0xC050] =	vst v11;
	v34 =	vld.idx.msk [tilespmem:v17+s0+$0x0], $0xffff;
	v11 =	vadd.f32 v15, v2  }
0x34b: {  	v22 =	vsub.f32 v9, v22;
	v9 =	vmul.f32 v14, v31;
	v14 =	vcvt.s32.f32 v13;
	v31 =	vld.idx.msk [tilespmem:v3+s17+$0x0], $0xffff  }
0x34c: {  	v3 =	vadd.f32 v25, v18;
	v18 =	vsub.f32 v20, v26;
	v17 =	vtrunc.f32 v11;
	v6 =	vld.idx.msk [tilespmem:v6+s17+$0x0], $0xffff  }
0x34d: {  	v15 =	vsub.f32 v12, v24;
	v9 =	vadd.f32 v9, v21;
	v25 =	vld.idx.msk [tilespmem:v32+s1+$0x0], $0xffff;
	v12 =	vcvt.f32.s32 v17  }
0x34e: {  	v20 =	vtrunc.f32 v23;
	v16 =	vsub.f32 v16, v14;
	v14 =	vmul.f32 v18, v19;
	v17 =	vld.idx.msk [tilespmem:v32+s0+$0x0], $0xffff;
	[tilespmem:s11+$0xC0D0] =	vst v3  }
0x34f: {  	v10 =	vmul.f32 v10, v1;
	v18 =	vld.idx.msk [tilespmem:v30+s1+$0x0], $0xffff;
	[tilespmem:s11+$0xC150] =	vst v9;
	v9 =	vmul.f32 v28, v1  }
.Ltmp6:
0x350: {  	v4 =	vmul.f32 v4, v29;
	v3 =	vcvt.f32.s32 v20;
	v21 =	vadd.f32 v14, v34;
	v19 =	vld.idx.msk [tilespmem:v13+s1+$0x0], $0xffff;
	(pc) =	sbr.rel @p0 .LBB2_9-.Ltmp6, $4  }
0x351: {  	v24 =	vmul.f32 v8, v27;
	v14 =	vadd.f32 v10, v2;
	v20 =	vld.idx.msk [tilespmem:v30+s0+$0x0], $0xffff;
	v10 =	vadd.f32 v9, v2  }
0x352: {  	v26 =	vcvt.s32.f32 v3;
	v9 =	vmul.f32 v7, v33;
	v8 =	vld.idx.msk [tilespmem:v13+s0+$0x0], $0xffff;
	[tilespmem:s11+$0xC1E0] =	vst v21;
	v13 =	vadd.f32 v4, v31  }
0x353: {  	v22 =	vmul.f32 v22, v25;
	v25 =	vtrunc.f32 v14;
	v21 =	vadd.f32 v24, v6;
	v7 =	vld.idx.msk [tilespmem:v12+s6+$0x0], $0xffff  }
0x354: {  	s3 =	sadd.s32 $0x800, s3;
	v4 =	vsub.f32 v23, v26;
	v6 =	vcvt.f32.s32 v25;
	v23 =	vtrunc.f32 v10;
	[tilespmem:s8+$0xC070] =	vst v13;
	v13 =	vld.idx.msk [tilespmem:v5+s17+$0x0], $0xffff  }
0x355: {  	_ =	sdelay $0x1  }
0x356: {  	v5 =	vmul.f32 v15, v18;
	v50 =	vcvt.f32.s32 v23;
	v17 =	vadd.f32 v22, v17  }
0x357: {  	v16 =	vmul.f32 v16, v19  }
0x358: {  	v51 =	vld.idx.msk [tilespmem:v12+s17+$0x0], $0xffff;
	v5 =	vadd.f32 v5, v20;
	[tilespmem:s11+$0xC060] =	vst v17  }
0x359: {  	v8 =	vadd.f32 v16, v8;
	v52 =	vld.idx.msk [tilespmem:v3+s6+$0x0], $0xffff  }
0x35a: {  	v53 =	vcvt.s32.f32 v12;
	v3 =	vld.idx.msk [tilespmem:v3+s17+$0x0], $0xffff;
	[tilespmem:s11+$0xC0E0] =	vst v5  }
0x35b: {  	[tilespmem:s11+$0xC160] =	vst v8;
	v54 =	vld.idx.msk [tilespmem:v6+s6+$0x0], $0xffff  }
0x35c: {  	v56 =	vcvt.s32.f32 v6;
	v11 =	vsub.f32 v11, v53;
	v55 =	vld.idx.msk [tilespmem:v50+s6+$0x0], $0xffff  }
0x35d: {  	v57 =	vcvt.s32.f32 v50;
	v58 =	vld.idx.msk [tilespmem:v6+s17+$0x0], $0xffff  }
0x35e: {  	v14 =	vsub.f32 v14, v56;
	v7 =	vmul.f32 v11, v7;
	v59 =	vld.idx.msk [tilespmem:v50+s17+$0x0], $0xffff  }
0x35f: {  	v10 =	vsub.f32 v10, v57;
	v9 =	vadd.f32 v9, v13;
	v4 =	vmul.f32 v4, v52  }
0x360: {  	[tilespmem:s8+$0xC0F0] =	vst v21;
	v60 =	vadd.f32 v7, v51;
	v61 =	vmul.f32 v14, v54  }
0x361: {  	p0 =	seq.s32 s15, $0x1F;
	[tilespmem:s8+$0xC170] =	vst v9;
	v3 =	vadd.f32 v4, v3;
	v62 =	vmul.f32 v10, v55  }
.Ltmp7:
0x362: {  	[tilespmem:s11+$0xC1F0] =	vst v60;
	v63 =	vadd.f32 v61, v58;
	(pc) =	sbr.rel @p0 .LBB2_12-.Ltmp7, $4  }
0x363: {  	[tilespmem:s11+$0xC070] =	vst v3;
	v3 =	vadd.f32 v62, v59  }
0x364: {  	s2 =	sor.u32 $0x8000, s4;
	[tilespmem:s11+$0xC0F0] =	vst v63  }
0x365: {  	s3 =	simm.s32 $0xC000;
	s2 =	sadd.s32 s12, s2;
	[tilespmem:s11+$0xC170] =	vst v3  }
0x366: {  	[hbm4b:s2+s18] =	stream.strided.scatter [tilespmem:s3], [sflag:$0x4], $0x4000, s19, s18, $0x38;
	[tilespmem:$0x18080] =	vst v63  }
.Ltmp8:
0x367: {  	s2 =	rddreg [dreg:$0xc];
	(pc) =	sbr.rel .LBB2_2-.Ltmp8, $4  }
0x368: {  	s2 =	sadd.s32 s7, s2  }
0x369: {  	s3 =	rddreg [dreg:$0x0];
	s2 =	sshrl.u32 s2, $0x3  }
0x36a: {  	s15 =	sadd.s32 $0x1, s15;
	s2 =	sadd.s32 s3, s2  }
0x36b: {  	[tilespmem:s19], [sflag:$0x2] =	stream.strided.gather [hbm4b:s2+s18], $0x4000, s19, s18, $0x38;
	[tilespmem:$0x18080] =	vst v63  }
.LBB2_13:
0x36c: {  	_ =	sfence.sel $0x180000  }
0x36d: {  	[bflag:$0x0] =	sbarrier.arrive $0xFFFF  }
0x36e: {  	_ =	strace $0x90000047  }
0x36f: {  	s0 =	stileid.u32;
	[bflag:$0x2] =	sbarrier.arrive $0xFFFF  }
0x370: {  	p0 =	sne.s32 s0, $0x0;
	s0 =	rddreg [dreg:$0x4]  }
0x371: {  	s0 =	sadd.s32 @!p0 $0x100000, s0  }
0x372: {  	[sflag:s0] =	ssyncadd.tile.s32 @!p0 $0x1;
	_ =	shalt  }
.Lfunc_end2:
_tile_overlayer_lowered:
.L_overlay_start_2:
0x373: {  	(tag) =	ssettag $0x2  }
0x374: {  	s0 =	rddreg [dreg:$0x0];
	s2 =	stileid.u32  }
0x375: {  	s1 =	rddreg [dreg:$0x1];
	p0 =	sne.s32 s2, $0x0  }
0x376: {  	s3 =	rddreg [dreg:$0x2];
	[bflag:$0x3] =	sbarrier.arrive $0xFFFF;
	s2 =	simm.s32 @!p0 $0x1C05  }
0x377: {  	[timem:s3], [sflag:s2] =	dma.local @!p0 [hbm:s0], s1  }
0x378: {  	s0 =	simm.s32 @!p0 $0x5  }
0x379: {  	_ =	swait.ge @!p0 [sflag:s0], s1  }
0x37a: {  	s1 =	ssub.s32 @!p0 $0x0, s1;
	[sflag:s0] =	ssyncset.done @!p0 $0x0  }
0x37b: {  	[sflag:s0] =	ssyncadd.s32 @!p0 s1  }
0x37c: {  	[bflag:$0x3] =	sbarrier.arrive $0xFFFF  }
0x37d: {  	_ =	shalt  }

</sc_bundles>
